<compile_context>
chip_gen: v7x
topology: tpu7x:2x2x1
jax: 0.10.2.dev20260603
libtpu: 0.0.44.dev20260713+nightly
codegen_flags: <defaults>
</compile_context>

<pallas_src>
import functools

import jax
import jax.numpy as jnp
from jax import lax
from jax.experimental import pallas as pl
from jax.experimental.pallas import tpu as pltpu
from jax.experimental.pallas import tpu_sc as plsc

N = 10000
D = 128
E = 320000

NC = 2
NS = 16
L = 16

NW = NC * NS
ET = E // NW
K = 80
NCHUNK = ET // K
RB = 80
NRB = N // RB
RBPT = -(-NRB // NS)
NBLK = 10
BR = N // NBLK


EB = E // NBLK


def _matmul_body(x_ref, w_ref, b_ref, ei_ref, ea_ref, o_ref, pk_ref):
    o_ref[...] = (
        jnp.dot(x_ref[...], w_ref[...], preferred_element_type=jnp.float32)
        + b_ref[...]
    )
    pk_ref[0:2, :] = ei_ref[...]
    pk_ref[2:3, :] = ea_ref[...]


def _xt_matmul(x, W, b, ei, eab):
    return pl.pallas_call(
        _matmul_body,
        grid=(NBLK,),
        in_specs=[
            pl.BlockSpec((BR, D), lambda i: (i, 0)),
            pl.BlockSpec((D, D), lambda i: (0, 0)),
            pl.BlockSpec((1, D), lambda i: (0, 0)),
            pl.BlockSpec((2, EB), lambda i: (0, i)),
            pl.BlockSpec((1, EB), lambda i: (0, i)),
        ],
        out_specs=[
            pl.BlockSpec((BR, D), lambda i: (i, 0)),
            pl.BlockSpec((3, EB), lambda i: (0, i)),
        ],
        out_shape=[
            jax.ShapeDtypeStruct((N, D), jnp.float32),
            jax.ShapeDtypeStruct((3, E), jnp.int32),
        ],
    )(x, W, b.reshape(1, D), ei, eab)


_sc_mesh = plsc.VectorSubcoreMesh(core_axis_name="c", subcore_axis_name="s")


@functools.partial(
    pl.kernel,
    out_type=(
        jax.ShapeDtypeStruct((NC, N, D), jnp.float32),
        jax.ShapeDtypeStruct((NBLK, NW, BR), jnp.float32),
        jax.ShapeDtypeStruct((NBLK, NW, BR), jnp.float32),
    ),
    mesh=_sc_mesh,
    scratch_types=[
        pltpu.VMEM_SHARED((N, D), jnp.float32),
        pltpu.VMEM((3, K), jnp.int32),
        pltpu.VMEM((3, K), jnp.int32),
        pltpu.VMEM((3, K), jnp.int32),
        pltpu.VMEM((K, D), jnp.float32),
        pltpu.VMEM((K, D), jnp.float32),
        pltpu.VMEM((N,), jnp.float32),
        pltpu.VMEM((N,), jnp.float32),
        pltpu.SemaphoreType.DMA,
        pltpu.SemaphoreType.DMA,
        pltpu.SemaphoreType.DMA,
        pltpu.SemaphoreType.DMA,
        pltpu.SemaphoreType.DMA,
        pltpu.SemaphoreType.DMA,
        pltpu.SemaphoreType.DMA,
    ],
    compiler_params=pltpu.CompilerParams(use_tc_tiling_on_sc=False,
                                         needs_layout_passes=False),
)
def _sc_scatter(xt_hbm, pk_hbm, agg_hbm, s_hbm, d_hbm,
                acc, pk0, pk1, pk2, rows0, rows1, sv, dv,
                isem0, isem1, isem2, gsem0, gsem1, ssem0, ssem1):
    c = lax.axis_index("c")
    s = lax.axis_index("s")
    wid = c * NS + s
    ebase = wid * ET

    pks = (pk0, pk1, pk2)
    isems = (isem0, isem1, isem2)
    rows = (rows0, rows1)
    gsems = (gsem0, gsem1)
    ssems = (ssem0, ssem1)

    zeros16 = jnp.zeros((L,), jnp.float32)
    ones16 = jnp.ones((L,), jnp.float32)

    def _load_idx(j, m3):
        pltpu.async_copy(pk_hbm.at[:, pl.ds(ebase + j * K, K)], pks[m3],
                         isems[m3])

    def _wait_idx(m3):
        pltpu.make_async_copy(pk_hbm.at[:, pl.ds(0, K)], pks[m3],
                              isems[m3]).wait()

    def _gather(m3, m2):
        pltpu.async_copy(xt_hbm.at[pks[m3].at[1]], rows[m2], gsems[m2])

    def _wait_gather(m3, m2):
        pltpu.make_async_copy(xt_hbm.at[pks[m3].at[1]], rows[m2],
                              gsems[m2]).wait()

    def _scatter(m3, m2):
        pltpu.async_copy(rows[m2], acc.at[pks[m3].at[0]], ssems[m2],
                         add=True)

    def _wait_scatter(m3, m2):
        pltpu.make_async_copy(rows[m2], acc.at[pks[m3].at[0]],
                              ssems[m2]).wait()

    def _scalars(m3):
        pk = pks[m3]
        for g in range(K // L):
            r16 = pk[0, pl.ds(g * L, L)]
            a16 = plsc.bitcast(pk[2, pl.ds(g * L, L)], jnp.float32)
            plsc.addupdate_scatter(sv, [r16], a16)
            plsc.addupdate_scatter(dv, [r16], ones16)

    _load_idx(0, 0)
    _load_idx(1, 1)

    def _z1(i, carry):
        sv[pl.ds(i * L, L)] = zeros16
        dv[pl.ds(i * L, L)] = zeros16
        return carry
    lax.fori_loop(0, N // L, _z1, 0)

    def _z2(i, carry):
        r = i // (D // L)
        j = i % (D // L)
        rows0[r, pl.ds(j * L, L)] = zeros16
        return carry
    lax.fori_loop(0, K * (D // L), _z2, 0)
    for i in range(RBPT):
        j = s + NS * i
        @pl.when(j < NRB)
        def _():
            pltpu.sync_copy(rows0, acc.at[pl.ds(j * RB, RB), :])
    plsc.subcore_barrier()

    def _seg(j, m3, m2, wait_prev=True, next_gather=True, load=True):
        if wait_prev:
            _wait_scatter((m3 + 2) % 3, 1 - m2)
        if next_gather:
            _wait_idx((m3 + 1) % 3)
            _gather((m3 + 1) % 3, 1 - m2)
        _wait_gather(m3, m2)
        _scatter(m3, m2)
        _scalars(m3)
        if load:
            _load_idx(j + 2, (m3 + 2) % 3)

    _wait_idx(0)
    _gather(0, 0)
    _seg(0, 0, 0, wait_prev=False)

    def _six(i, carry):
        jb = 1 + 6 * i
        for u in range(6):
            _seg(jb + u, (1 + u) % 3, (1 + u) % 2)
        return carry
    lax.fori_loop(0, (NCHUNK - 5) // 6, _six, 0)

    _seg(121, (121 % 3), (121 % 2))
    _seg(122, (122 % 3), (122 % 2))
    _seg(123, (123 % 3), (123 % 2), load=False)
    _seg(124, (124 % 3), (124 % 2), next_gather=False, load=False)
    _wait_scatter(124 % 3, 124 % 2)

    plsc.subcore_barrier()

    for i in range(RBPT):
        j = s + NS * i
        @pl.when(j < NRB)
        def _():
            pltpu.sync_copy(acc.at[pl.ds(j * RB, RB), :],
                            agg_hbm.at[c, pl.ds(j * RB, RB), :])
    for t in range(NBLK):
        pltpu.sync_copy(sv.at[pl.ds(t * BR, BR)], s_hbm.at[t, wid])
        pltpu.sync_copy(dv.at[pl.ds(t * BR, BR)], d_hbm.at[t, wid])


def _epi_body(agg_ref, xt_ref, s_ref, d_ref, we_ref, be_ref, g_ref, bt_ref,
              o_ref):
    agg = agg_ref[0] + agg_ref[1]
    sloc = jnp.sum(s_ref[0], axis=0)
    dloc = jnp.sum(d_ref[0], axis=0)
    out = (agg + xt_ref[...]
           + sloc[:, None] * we_ref[...]
           + dloc[:, None] * be_ref[...])
    a = out * jax.nn.sigmoid(out)
    mean = jnp.mean(a, axis=1, keepdims=True)
    var = jnp.mean((a - mean) ** 2, axis=1, keepdims=True)
    normed = (a - mean) * lax.rsqrt(var + 1e-5)
    o_ref[...] = normed * g_ref[...] + bt_ref[...]


def _epilogue(agg, x_t, s_parts, d_parts, We, be, gamma, beta):
    return pl.pallas_call(
        _epi_body,
        grid=(NBLK,),
        in_specs=[
            pl.BlockSpec((NC, BR, D), lambda i: (0, i, 0)),
            pl.BlockSpec((BR, D), lambda i: (i, 0)),
            pl.BlockSpec((1, NW, BR), lambda i: (i, 0, 0)),
            pl.BlockSpec((1, NW, BR), lambda i: (i, 0, 0)),
            pl.BlockSpec((1, D), lambda i: (0, 0)),
            pl.BlockSpec((1, D), lambda i: (0, 0)),
            pl.BlockSpec((1, D), lambda i: (0, 0)),
            pl.BlockSpec((1, D), lambda i: (0, 0)),
        ],
        out_specs=pl.BlockSpec((BR, D), lambda i: (i, 0)),
        out_shape=jax.ShapeDtypeStruct((N, D), jnp.float32),
    )(agg, x_t, s_parts, d_parts, We.reshape(1, D), be.reshape(1, D),
      gamma.reshape(1, D), beta.reshape(1, D))


def kernel(x, edge_index, edge_attr, W, b, We, be, gamma, beta):
    ei = edge_index.astype(jnp.int32)
    eab = lax.bitcast_convert_type(edge_attr[:, 0], jnp.int32)[None, :]
    x_t, pk = _xt_matmul(x, W, b, ei, eab)
    agg, s_parts, d_parts = _sc_scatter(x_t, pk)
    return _epilogue(agg, x_t, s_parts, d_parts, We, be, gamma, beta)

# --- scband reference (transcript-rebuilt; emitter-appended) ---
"""Pipeline reference for scband-graph-conv-layer-5050881540779 (READ-ONLY COPY).

The authoritative reference and input builder live on the scoring server;
editing this copy changes nothing except your own understanding.
"""

import jax, jax.numpy as jnp
import numpy as np

N = 10000
E = 320000
D_IN = 128
D_OUT = 128
D_EDGE = 4


def setup_inputs(seed: int = 0) -> dict:
    key = jax.random.key(seed)
    ks = jax.random.split(key, 10)
    x = jax.random.normal(ks[0], (N, D_IN), dtype=jnp.float32)
    edge_index = jax.random.randint(ks[1], (2, E), 0, N, dtype=jnp.int64)
    edge_attr = jax.random.uniform(ks[2], (E, D_EDGE), dtype=jnp.float32)
    # Parameters (torch nn.Linear style init, stored as [in, out] for x @ W)
    lim = 1.0 / np.sqrt(D_IN)
    W = jax.random.uniform(ks[3], (D_IN, D_OUT), minval=-lim, maxval=lim, dtype=jnp.float32)
    b = jax.random.uniform(ks[4], (D_OUT,), minval=-lim, maxval=lim, dtype=jnp.float32)
    lim_e = 1.0
    We = jax.random.uniform(ks[5], (1, D_OUT), minval=-lim_e, maxval=lim_e, dtype=jnp.float32)
    be = jax.random.uniform(ks[6], (D_OUT,), minval=-lim_e, maxval=lim_e, dtype=jnp.float32)
    gamma = jnp.ones((D_OUT,), dtype=jnp.float32)
    beta = jnp.zeros((D_OUT,), dtype=jnp.float32)
    return {"x": x, "edge_index": edge_index, "edge_attr": edge_attr,
            "W": W, "b": b, "We": We, "be": be, "gamma": gamma, "beta": beta}


def reference(x, edge_index, edge_attr, W, b, We, be, gamma, beta):
    row = edge_index[0]
    col = edge_index[1]
    # x_transformed = self.linear(x)
    x_transformed = x @ W + b
    # messages = x_transformed[col]  (gather)
    messages = jnp.take(x_transformed, col, axis=0)
    # edge_features = self.edge_linear(edge_attr[:, :1])
    edge_features = edge_attr[:, :1] @ We + be
    messages = messages + edge_features
    # out = zeros; out.index_add_(0, row, messages)  (scatter-add)
    out = jnp.zeros_like(x_transformed).at[row].add(messages)
    out = out + x_transformed
    # activation: SiLU
    a = jax.nn.silu(out)
    # LayerNorm
    mean = jnp.mean(a, axis=-1, keepdims=True)
    var = jnp.var(a, axis=-1, keepdims=True)
    normed = (a - mean) / jnp.sqrt(var + 1e-5)
    return normed * gamma + beta

if __name__ == "__main__":
    import jax
    _d = setup_inputs()
    print(jax.jit(kernel)(*tuple(_d.values())))

</pallas_src>

<mosaic_0001>
#map = affine_map<(d0, d1) -> (0, 0)>
#map1 = affine_map<(d0, d1) -> (0, 0, 0)>
module attributes {stable_mosaic.version = 14 : i64} {
  func.func @_sc_scatter(%arg0: i32, %arg1: i32, %arg2: memref<10000x128xf32, #tpu.memory_space<hbm>>, %arg3: memref<3x320000xi32, #tpu.memory_space<hbm>>, %arg4: memref<2x10000x128xf32, #tpu.memory_space<hbm>>, %arg5: memref<10x32x1000xf32, #tpu.memory_space<hbm>>, %arg6: memref<10x32x1000xf32, #tpu.memory_space<hbm>>, %arg7: memref<10000x128xf32, #tpu.memory_space<vmem_shared>>, %arg8: memref<3x80xi32, #tpu.memory_space<vmem>>, %arg9: memref<3x80xi32, #tpu.memory_space<vmem>>, %arg10: memref<3x80xi32, #tpu.memory_space<vmem>>, %arg11: memref<80x128xf32, #tpu.memory_space<vmem>>, %arg12: memref<80x128xf32, #tpu.memory_space<vmem>>, %arg13: memref<10000xf32, #tpu.memory_space<vmem>>, %arg14: memref<10000xf32, #tpu.memory_space<vmem>>, %arg15: memref<!tpu.dma_semaphore, #tpu.memory_space<semaphore_mem>>, %arg16: memref<!tpu.dma_semaphore, #tpu.memory_space<semaphore_mem>>, %arg17: memref<!tpu.dma_semaphore, #tpu.memory_space<semaphore_mem>>, %arg18: memref<!tpu.dma_semaphore, #tpu.memory_space<semaphore_mem>>, %arg19: memref<!tpu.dma_semaphore, #tpu.memory_space<semaphore_mem>>, %arg20: memref<!tpu.dma_semaphore, #tpu.memory_space<semaphore_mem>>, %arg21: memref<!tpu.dma_semaphore, #tpu.memory_space<semaphore_mem>>) attributes {dimension_semantics = [#tpu.dimension_semantics<core_parallel>, #tpu.dimension_semantics<subcore_parallel>], iteration_bounds = array<i64: 2, 16>, scalar_prefetch = 0 : i64, scratch_operands = 15 : i64, tpu.core_type = #tpu.core_type<sc_vector_subcore>, window_params = [{transform_indices = #map}, {transform_indices = #map}, {transform_indices = #map1}, {transform_indices = #map1}, {transform_indices = #map1}]} {
    %mul3A = arith.constant 16 : i32
    %mul3A_0 = arith.muli %arg0, %mul3A : i32
    %add3A = arith.addi %mul3A_0, %arg1 : i32
    %mul3A_1 = arith.constant 10000 : i32
    %mul3A_2 = arith.muli %add3A, %mul3A_1 : i32
    %broadcast_in_dim3A = arith.constant 0.000000e+00 : f32
    %broadcast_in_dim3A_3 = vector.broadcast %broadcast_in_dim3A : f32 to vector<16xf32>
    %broadcast_in_dim3A_4 = arith.constant 1.000000e+00 : f32
    %broadcast_in_dim3A_5 = vector.broadcast %broadcast_in_dim3A_4 : f32 to vector<16xf32>
    %add3A_6 = arith.constant 0 : i32
    %add3A_7 = arith.addi %mul3A_2, %add3A_6 : i32
    %dma_start3A = arith.constant 0 : i32
    %dma_start3A_8 = tpu.memref_slice %arg3[%dma_start3A, %add3A_7] : memref<3x320000xi32, #tpu.memory_space<hbm>> -> memref<3x80xi32, #tpu.memory_space<hbm>>
    %dma_start3A_9 = arith.constant 0 : i32
    %dma_start3A_10 = tpu.memref_slice %arg3[%dma_start3A_9, %add3A_7] : memref<3x320000xi32, #tpu.memory_space<hbm>> -> memref<3x80xi32, #tpu.memory_space<hbm>>
    tpu.enqueue_dma source(%dma_start3A_10 : memref<3x80xi32, #tpu.memory_space<hbm>>) target(%arg8 : memref<3x80xi32, #tpu.memory_space<vmem>>) target_semaphore(%arg15 : memref<!tpu.dma_semaphore, #tpu.memory_space<semaphore_mem>>)
    %add3A_11 = arith.constant 80 : i32
    %add3A_12 = arith.addi %mul3A_2, %add3A_11 : i32
    %dma_start3A_13 = arith.constant 0 : i32
    %dma_start3A_14 = tpu.memref_slice %arg3[%dma_start3A_13, %add3A_12] : memref<3x320000xi32, #tpu.memory_space<hbm>> -> memref<3x80xi32, #tpu.memory_space<hbm>>
    %dma_start3A_15 = arith.constant 0 : i32
    %dma_start3A_16 = tpu.memref_slice %arg3[%dma_start3A_15, %add3A_12] : memref<3x320000xi32, #tpu.memory_space<hbm>> -> memref<3x80xi32, #tpu.memory_space<hbm>>
    tpu.enqueue_dma source(%dma_start3A_16 : memref<3x80xi32, #tpu.memory_space<hbm>>) target(%arg9 : memref<3x80xi32, #tpu.memory_space<vmem>>) target_semaphore(%arg16 : memref<!tpu.dma_semaphore, #tpu.memory_space<semaphore_mem>>)
    %scan3A = arith.constant 0 : i32
    %scan3A_17 = arith.constant 0 : i32
    %scan3A_18 = arith.constant 625 : i32
    %scan3A_19 = arith.addi %scan3A_17, %scan3A_18 : i32
    %scan3A_20 = arith.constant 1 : i32
    scf.for %scan3A_573 = %scan3A_17 to %scan3A_19 step %scan3A_20  : i32 {
      %mul3A_574 = arith.constant 16 : i32
      %mul3A_575 = arith.muli %scan3A_573, %mul3A_574 : i32
      %swap3A = arith.index_cast %mul3A_575 : i32 to index
      %swap3A_576 = tpu.vector_load %arg13[%swap3A] {strides = array<i32>} : memref<10000xf32, #tpu.memory_space<vmem>>, vector<16xf32>,
      tpu.vector_store %arg13[%swap3A], %broadcast_in_dim3A_3 {strides = array<i32>} : memref<10000xf32, #tpu.memory_space<vmem>>, vector<16xf32>,
      %mul3A_577 = arith.constant 16 : i32
      %mul3A_578 = arith.muli %scan3A_573, %mul3A_577 : i32
      %swap3A_579 = arith.index_cast %mul3A_578 : i32 to index
      %swap3A_580 = tpu.vector_load %arg14[%swap3A_579] {strides = array<i32>} : memref<10000xf32, #tpu.memory_space<vmem>>, vector<16xf32>,
      tpu.vector_store %arg14[%swap3A_579], %broadcast_in_dim3A_3 {strides = array<i32>} : memref<10000xf32, #tpu.memory_space<vmem>>, vector<16xf32>,
    }
    %scan3A_21 = arith.constant 625 : i32
    %scan3A_22 = arith.constant 0 : i32
    %scan3A_23 = arith.constant 0 : i32
    %scan3A_24 = arith.constant 640 : i32
    %scan3A_25 = arith.addi %scan3A_23, %scan3A_24 : i32
    %scan3A_26 = arith.constant 1 : i32
    scf.for %scan3A_573 = %scan3A_23 to %scan3A_25 step %scan3A_26  : i32 {
      %jit3A = arith.constant 8 : i32
      %div3A = arith.divsi %scan3A_573, %jit3A : i32
      %sign3A = arith.constant 0 : i32
      %sign3A_574 = arith.cmpi sgt, %scan3A_573, %sign3A : i32
      %sign3A_575 = arith.extui %sign3A_574 : i1 to i32
      %sign3A_576 = arith.constant 0 : i32
      %sign3A_577 = arith.cmpi slt, %scan3A_573, %sign3A_576 : i32
      %sign3A_578 = arith.extui %sign3A_577 : i1 to i32
      %sign3A_579 = arith.subi %sign3A_575, %sign3A_578 : i32
      %sign3A_580 = arith.constant 0 : i32
      %sign3A_581 = arith.cmpi sgt, %jit3A, %sign3A_580 : i32
      %sign3A_582 = arith.extui %sign3A_581 : i1 to i32
      %sign3A_583 = arith.constant 0 : i32
      %sign3A_584 = arith.cmpi slt, %jit3A, %sign3A_583 : i32
      %sign3A_585 = arith.extui %sign3A_584 : i1 to i32
      %sign3A_586 = arith.subi %sign3A_582, %sign3A_585 : i32
      %ne3A = arith.cmpi ne, %sign3A_579, %sign3A_586 : i32
      %rem3A = arith.remsi %scan3A_573, %jit3A : i32
      %ne3A_587 = arith.constant 0 : i32
      %ne3A_588 = arith.cmpi ne, %rem3A, %ne3A_587 : i32
      %and3A = arith.andi %ne3A, %ne3A_588 : i1
      %sub3A = arith.constant 1 : i32
      %sub3A_589 = arith.subi %div3A, %sub3A : i32
      %select_n3A = arith.select %and3A, %sub3A_589, %div3A : i32
      %jit3A_590 = arith.constant 8 : i32
      %eq3A = arith.constant 0 : i32
      %eq3A_591 = arith.cmpi eq, %jit3A_590, %eq3A : i32
      %jit3A_592 = arith.constant 1 : i32
      %select_n3A_593 = arith.select %eq3A_591, %jit3A_592, %jit3A_590 : i32
      %rem3A_594 = arith.remsi %scan3A_573, %select_n3A_593 : i32
      %ne3A_595 = arith.constant 0 : i32
      %ne3A_596 = arith.cmpi ne, %rem3A_594, %ne3A_595 : i32
      %lt3A_597 = arith.constant 0 : i32
      %lt3A_598 = arith.cmpi slt, %rem3A_594, %lt3A_597 : i32
      %lt3A_599 = arith.constant 0 : i32
      %lt3A_600 = arith.cmpi slt, %select_n3A_593, %lt3A_599 : i32
      %ne3A_601 = arith.xori %lt3A_598, %lt3A_600 : i1
      %and3A_602 = arith.andi %ne3A_601, %ne3A_596 : i1
      %add3A_603 = arith.addi %rem3A_594, %select_n3A_593 : i32
      %select_n3A_604 = arith.select %and3A_602, %add3A_603, %rem3A_594 : i32
      %mul3A_605 = arith.constant 16 : i32
      %mul3A_606 = arith.muli %select_n3A_604, %mul3A_605 : i32
      %swap3A = arith.index_cast %select_n3A : i32 to index
      %swap3A_607 = arith.index_cast %mul3A_606 : i32 to index
      %swap3A_608 = tpu.vector_load %arg11[%swap3A, %swap3A_607] {strides = array<i32>} : memref<80x128xf32, #tpu.memory_space<vmem>>, vector<16xf32>,
      tpu.vector_store %arg11[%swap3A, %swap3A_607], %broadcast_in_dim3A_3 {strides = array<i32>} : memref<80x128xf32, #tpu.memory_space<vmem>>, vector<16xf32>,
    }
    %scan3A_27 = arith.constant 640 : i32
    %add3A_28 = arith.constant 0 : i32
    %add3A_29 = arith.addi %arg1, %add3A_28 : i32
    %lt3A = arith.constant 125 : i32
    %lt3A_30 = arith.cmpi slt, %add3A_29, %lt3A : i32
    %convert_element_type3A = arith.extui %lt3A_30 : i1 to i32
    %cond3A = arith.constant 0 : i32
    %cond3A_31 = arith.cmpi ne, %convert_element_type3A, %cond3A : i32
    scf.if %cond3A_31 {
      %mul3A_573 = arith.constant 80 : i32
      %mul3A_574 = arith.muli %add3A_29, %mul3A_573 : i32
      "tpu.region"() ({
        %run_scoped3A_575 = tpu.sem_alloc : memref<!tpu.dma_semaphore, #tpu.memory_space<semaphore_mem>>
        %dma_start3A_576 = arith.constant 0 : i32
        %dma_start3A_577 = tpu.memref_slice %arg7[%mul3A_574, %dma_start3A_576] : memref<10000x128xf32, #tpu.memory_space<vmem_shared>> -> memref<80x128xf32, #tpu.memory_space<vmem_shared>>
        %dma_start3A_578 = arith.constant 0 : i32
        %dma_start3A_579 = tpu.memref_slice %arg7[%mul3A_574, %dma_start3A_578] : memref<10000x128xf32, #tpu.memory_space<vmem_shared>> -> memref<80x128xf32, #tpu.memory_space<vmem_shared>>
        tpu.enqueue_dma source(%arg11 : memref<80x128xf32, #tpu.memory_space<vmem>>) target(%dma_start3A_579 : memref<80x128xf32, #tpu.memory_space<vmem_shared>>) target_semaphore(%run_scoped3A_575 : memref<!tpu.dma_semaphore, #tpu.memory_space<semaphore_mem>>)
        %dma_wait3A_580 = arith.constant 0 : i32
        %dma_wait3A_581 = tpu.memref_slice %arg7[%mul3A_574, %dma_wait3A_580] : memref<10000x128xf32, #tpu.memory_space<vmem_shared>> -> memref<80x128xf32, #tpu.memory_space<vmem_shared>>
        %dma_wait3A_582 = arith.constant 0 : i32
        %dma_wait3A_583 = tpu.memref_slice %arg7[%mul3A_574, %dma_wait3A_582] : memref<10000x128xf32, #tpu.memory_space<vmem_shared>> -> memref<80x128xf32, #tpu.memory_space<vmem_shared>>
        tpu.wait_dma2 semaphore(%run_scoped3A_575 : memref<!tpu.dma_semaphore, #tpu.memory_space<semaphore_mem>>) src(%arg11 : memref<80x128xf32, #tpu.memory_space<vmem>>) dst(%dma_wait3A_583 : memref<80x128xf32, #tpu.memory_space<vmem_shared>>)
        tpu.yield
      }) : () -> ()
    } else {
    }
    %add3A_32 = arith.constant 16 : i32
    %add3A_33 = arith.addi %arg1, %add3A_32 : i32
    %lt3A_34 = arith.constant 125 : i32
    %lt3A_35 = arith.cmpi slt, %add3A_33, %lt3A_34 : i32
    %convert_element_type3A_36 = arith.extui %lt3A_35 : i1 to i32
    %cond3A_37 = arith.constant 0 : i32
    %cond3A_38 = arith.cmpi ne, %convert_element_type3A_36, %cond3A_37 : i32
    scf.if %cond3A_38 {
      %mul3A_573 = arith.constant 80 : i32
      %mul3A_574 = arith.muli %add3A_33, %mul3A_573 : i32
      "tpu.region"() ({
        %run_scoped3A_575 = tpu.sem_alloc : memref<!tpu.dma_semaphore, #tpu.memory_space<semaphore_mem>>
        %dma_start3A_576 = arith.constant 0 : i32
        %dma_start3A_577 = tpu.memref_slice %arg7[%mul3A_574, %dma_start3A_576] : memref<10000x128xf32, #tpu.memory_space<vmem_shared>> -> memref<80x128xf32, #tpu.memory_space<vmem_shared>>
        %dma_start3A_578 = arith.constant 0 : i32
        %dma_start3A_579 = tpu.memref_slice %arg7[%mul3A_574, %dma_start3A_578] : memref<10000x128xf32, #tpu.memory_space<vmem_shared>> -> memref<80x128xf32, #tpu.memory_space<vmem_shared>>
        tpu.enqueue_dma source(%arg11 : memref<80x128xf32, #tpu.memory_space<vmem>>) target(%dma_start3A_579 : memref<80x128xf32, #tpu.memory_space<vmem_shared>>) target_semaphore(%run_scoped3A_575 : memref<!tpu.dma_semaphore, #tpu.memory_space<semaphore_mem>>)
        %dma_wait3A_580 = arith.constant 0 : i32
        %dma_wait3A_581 = tpu.memref_slice %arg7[%mul3A_574, %dma_wait3A_580] : memref<10000x128xf32, #tpu.memory_space<vmem_shared>> -> memref<80x128xf32, #tpu.memory_space<vmem_shared>>
        %dma_wait3A_582 = arith.constant 0 : i32
        %dma_wait3A_583 = tpu.memref_slice %arg7[%mul3A_574, %dma_wait3A_582] : memref<10000x128xf32, #tpu.memory_space<vmem_shared>> -> memref<80x128xf32, #tpu.memory_space<vmem_shared>>
        tpu.wait_dma2 semaphore(%run_scoped3A_575 : memref<!tpu.dma_semaphore, #tpu.memory_space<semaphore_mem>>) src(%arg11 : memref<80x128xf32, #tpu.memory_space<vmem>>) dst(%dma_wait3A_583 : memref<80x128xf32, #tpu.memory_space<vmem_shared>>)
        tpu.yield
      }) : () -> ()
    } else {
    }
    %add3A_39 = arith.constant 32 : i32
    %add3A_40 = arith.addi %arg1, %add3A_39 : i32
    %lt3A_41 = arith.constant 125 : i32
    %lt3A_42 = arith.cmpi slt, %add3A_40, %lt3A_41 : i32
    %convert_element_type3A_43 = arith.extui %lt3A_42 : i1 to i32
    %cond3A_44 = arith.constant 0 : i32
    %cond3A_45 = arith.cmpi ne, %convert_element_type3A_43, %cond3A_44 : i32
    scf.if %cond3A_45 {
      %mul3A_573 = arith.constant 80 : i32
      %mul3A_574 = arith.muli %add3A_40, %mul3A_573 : i32
      "tpu.region"() ({
        %run_scoped3A_575 = tpu.sem_alloc : memref<!tpu.dma_semaphore, #tpu.memory_space<semaphore_mem>>
        %dma_start3A_576 = arith.constant 0 : i32
        %dma_start3A_577 = tpu.memref_slice %arg7[%mul3A_574, %dma_start3A_576] : memref<10000x128xf32, #tpu.memory_space<vmem_shared>> -> memref<80x128xf32, #tpu.memory_space<vmem_shared>>
        %dma_start3A_578 = arith.constant 0 : i32
        %dma_start3A_579 = tpu.memref_slice %arg7[%mul3A_574, %dma_start3A_578] : memref<10000x128xf32, #tpu.memory_space<vmem_shared>> -> memref<80x128xf32, #tpu.memory_space<vmem_shared>>
        tpu.enqueue_dma source(%arg11 : memref<80x128xf32, #tpu.memory_space<vmem>>) target(%dma_start3A_579 : memref<80x128xf32, #tpu.memory_space<vmem_shared>>) target_semaphore(%run_scoped3A_575 : memref<!tpu.dma_semaphore, #tpu.memory_space<semaphore_mem>>)
        %dma_wait3A_580 = arith.constant 0 : i32
        %dma_wait3A_581 = tpu.memref_slice %arg7[%mul3A_574, %dma_wait3A_580] : memref<10000x128xf32, #tpu.memory_space<vmem_shared>> -> memref<80x128xf32, #tpu.memory_space<vmem_shared>>
        %dma_wait3A_582 = arith.constant 0 : i32
        %dma_wait3A_583 = tpu.memref_slice %arg7[%mul3A_574, %dma_wait3A_582] : memref<10000x128xf32, #tpu.memory_space<vmem_shared>> -> memref<80x128xf32, #tpu.memory_space<vmem_shared>>
        tpu.wait_dma2 semaphore(%run_scoped3A_575 : memref<!tpu.dma_semaphore, #tpu.memory_space<semaphore_mem>>) src(%arg11 : memref<80x128xf32, #tpu.memory_space<vmem>>) dst(%dma_wait3A_583 : memref<80x128xf32, #tpu.memory_space<vmem_shared>>)
        tpu.yield
      }) : () -> ()
    } else {
    }
    %add3A_46 = arith.constant 48 : i32
    %add3A_47 = arith.addi %arg1, %add3A_46 : i32
    %lt3A_48 = arith.constant 125 : i32
    %lt3A_49 = arith.cmpi slt, %add3A_47, %lt3A_48 : i32
    %convert_element_type3A_50 = arith.extui %lt3A_49 : i1 to i32
    %cond3A_51 = arith.constant 0 : i32
    %cond3A_52 = arith.cmpi ne, %convert_element_type3A_50, %cond3A_51 : i32
    scf.if %cond3A_52 {
      %mul3A_573 = arith.constant 80 : i32
      %mul3A_574 = arith.muli %add3A_47, %mul3A_573 : i32
      "tpu.region"() ({
        %run_scoped3A_575 = tpu.sem_alloc : memref<!tpu.dma_semaphore, #tpu.memory_space<semaphore_mem>>
        %dma_start3A_576 = arith.constant 0 : i32
        %dma_start3A_577 = tpu.memref_slice %arg7[%mul3A_574, %dma_start3A_576] : memref<10000x128xf32, #tpu.memory_space<vmem_shared>> -> memref<80x128xf32, #tpu.memory_space<vmem_shared>>
        %dma_start3A_578 = arith.constant 0 : i32
        %dma_start3A_579 = tpu.memref_slice %arg7[%mul3A_574, %dma_start3A_578] : memref<10000x128xf32, #tpu.memory_space<vmem_shared>> -> memref<80x128xf32, #tpu.memory_space<vmem_shared>>
        tpu.enqueue_dma source(%arg11 : memref<80x128xf32, #tpu.memory_space<vmem>>) target(%dma_start3A_579 : memref<80x128xf32, #tpu.memory_space<vmem_shared>>) target_semaphore(%run_scoped3A_575 : memref<!tpu.dma_semaphore, #tpu.memory_space<semaphore_mem>>)
        %dma_wait3A_580 = arith.constant 0 : i32
        %dma_wait3A_581 = tpu.memref_slice %arg7[%mul3A_574, %dma_wait3A_580] : memref<10000x128xf32, #tpu.memory_space<vmem_shared>> -> memref<80x128xf32, #tpu.memory_space<vmem_shared>>
        %dma_wait3A_582 = arith.constant 0 : i32
        %dma_wait3A_583 = tpu.memref_slice %arg7[%mul3A_574, %dma_wait3A_582] : memref<10000x128xf32, #tpu.memory_space<vmem_shared>> -> memref<80x128xf32, #tpu.memory_space<vmem_shared>>
        tpu.wait_dma2 semaphore(%run_scoped3A_575 : memref<!tpu.dma_semaphore, #tpu.memory_space<semaphore_mem>>) src(%arg11 : memref<80x128xf32, #tpu.memory_space<vmem>>) dst(%dma_wait3A_583 : memref<80x128xf32, #tpu.memory_space<vmem_shared>>)
        tpu.yield
      }) : () -> ()
    } else {
    }
    %add3A_53 = arith.constant 64 : i32
    %add3A_54 = arith.addi %arg1, %add3A_53 : i32
    %lt3A_55 = arith.constant 125 : i32
    %lt3A_56 = arith.cmpi slt, %add3A_54, %lt3A_55 : i32
    %convert_element_type3A_57 = arith.extui %lt3A_56 : i1 to i32
    %cond3A_58 = arith.constant 0 : i32
    %cond3A_59 = arith.cmpi ne, %convert_element_type3A_57, %cond3A_58 : i32
    scf.if %cond3A_59 {
      %mul3A_573 = arith.constant 80 : i32
      %mul3A_574 = arith.muli %add3A_54, %mul3A_573 : i32
      "tpu.region"() ({
        %run_scoped3A_575 = tpu.sem_alloc : memref<!tpu.dma_semaphore, #tpu.memory_space<semaphore_mem>>
        %dma_start3A_576 = arith.constant 0 : i32
        %dma_start3A_577 = tpu.memref_slice %arg7[%mul3A_574, %dma_start3A_576] : memref<10000x128xf32, #tpu.memory_space<vmem_shared>> -> memref<80x128xf32, #tpu.memory_space<vmem_shared>>
        %dma_start3A_578 = arith.constant 0 : i32
        %dma_start3A_579 = tpu.memref_slice %arg7[%mul3A_574, %dma_start3A_578] : memref<10000x128xf32, #tpu.memory_space<vmem_shared>> -> memref<80x128xf32, #tpu.memory_space<vmem_shared>>
        tpu.enqueue_dma source(%arg11 : memref<80x128xf32, #tpu.memory_space<vmem>>) target(%dma_start3A_579 : memref<80x128xf32, #tpu.memory_space<vmem_shared>>) target_semaphore(%run_scoped3A_575 : memref<!tpu.dma_semaphore, #tpu.memory_space<semaphore_mem>>)
        %dma_wait3A_580 = arith.constant 0 : i32
        %dma_wait3A_581 = tpu.memref_slice %arg7[%mul3A_574, %dma_wait3A_580] : memref<10000x128xf32, #tpu.memory_space<vmem_shared>> -> memref<80x128xf32, #tpu.memory_space<vmem_shared>>
        %dma_wait3A_582 = arith.constant 0 : i32
        %dma_wait3A_583 = tpu.memref_slice %arg7[%mul3A_574, %dma_wait3A_582] : memref<10000x128xf32, #tpu.memory_space<vmem_shared>> -> memref<80x128xf32, #tpu.memory_space<vmem_shared>>
        tpu.wait_dma2 semaphore(%run_scoped3A_575 : memref<!tpu.dma_semaphore, #tpu.memory_space<semaphore_mem>>) src(%arg11 : memref<80x128xf32, #tpu.memory_space<vmem>>) dst(%dma_wait3A_583 : memref<80x128xf32, #tpu.memory_space<vmem_shared>>)
        tpu.yield
      }) : () -> ()
    } else {
    }
    %add3A_60 = arith.constant 80 : i32
    %add3A_61 = arith.addi %arg1, %add3A_60 : i32
    %lt3A_62 = arith.constant 125 : i32
    %lt3A_63 = arith.cmpi slt, %add3A_61, %lt3A_62 : i32
    %convert_element_type3A_64 = arith.extui %lt3A_63 : i1 to i32
    %cond3A_65 = arith.constant 0 : i32
    %cond3A_66 = arith.cmpi ne, %convert_element_type3A_64, %cond3A_65 : i32
    scf.if %cond3A_66 {
      %mul3A_573 = arith.constant 80 : i32
      %mul3A_574 = arith.muli %add3A_61, %mul3A_573 : i32
      "tpu.region"() ({
        %run_scoped3A_575 = tpu.sem_alloc : memref<!tpu.dma_semaphore, #tpu.memory_space<semaphore_mem>>
        %dma_start3A_576 = arith.constant 0 : i32
        %dma_start3A_577 = tpu.memref_slice %arg7[%mul3A_574, %dma_start3A_576] : memref<10000x128xf32, #tpu.memory_space<vmem_shared>> -> memref<80x128xf32, #tpu.memory_space<vmem_shared>>
        %dma_start3A_578 = arith.constant 0 : i32
        %dma_start3A_579 = tpu.memref_slice %arg7[%mul3A_574, %dma_start3A_578] : memref<10000x128xf32, #tpu.memory_space<vmem_shared>> -> memref<80x128xf32, #tpu.memory_space<vmem_shared>>
        tpu.enqueue_dma source(%arg11 : memref<80x128xf32, #tpu.memory_space<vmem>>) target(%dma_start3A_579 : memref<80x128xf32, #tpu.memory_space<vmem_shared>>) target_semaphore(%run_scoped3A_575 : memref<!tpu.dma_semaphore, #tpu.memory_space<semaphore_mem>>)
        %dma_wait3A_580 = arith.constant 0 : i32
        %dma_wait3A_581 = tpu.memref_slice %arg7[%mul3A_574, %dma_wait3A_580] : memref<10000x128xf32, #tpu.memory_space<vmem_shared>> -> memref<80x128xf32, #tpu.memory_space<vmem_shared>>
        %dma_wait3A_582 = arith.constant 0 : i32
        %dma_wait3A_583 = tpu.memref_slice %arg7[%mul3A_574, %dma_wait3A_582] : memref<10000x128xf32, #tpu.memory_space<vmem_shared>> -> memref<80x128xf32, #tpu.memory_space<vmem_shared>>
        tpu.wait_dma2 semaphore(%run_scoped3A_575 : memref<!tpu.dma_semaphore, #tpu.memory_space<semaphore_mem>>) src(%arg11 : memref<80x128xf32, #tpu.memory_space<vmem>>) dst(%dma_wait3A_583 : memref<80x128xf32, #tpu.memory_space<vmem_shared>>)
        tpu.yield
      }) : () -> ()
    } else {
    }
    %add3A_67 = arith.constant 96 : i32
    %add3A_68 = arith.addi %arg1, %add3A_67 : i32
    %lt3A_69 = arith.constant 125 : i32
    %lt3A_70 = arith.cmpi slt, %add3A_68, %lt3A_69 : i32
    %convert_element_type3A_71 = arith.extui %lt3A_70 : i1 to i32
    %cond3A_72 = arith.constant 0 : i32
    %cond3A_73 = arith.cmpi ne, %convert_element_type3A_71, %cond3A_72 : i32
    scf.if %cond3A_73 {
      %mul3A_573 = arith.constant 80 : i32
      %mul3A_574 = arith.muli %add3A_68, %mul3A_573 : i32
      "tpu.region"() ({
        %run_scoped3A_575 = tpu.sem_alloc : memref<!tpu.dma_semaphore, #tpu.memory_space<semaphore_mem>>
        %dma_start3A_576 = arith.constant 0 : i32
        %dma_start3A_577 = tpu.memref_slice %arg7[%mul3A_574, %dma_start3A_576] : memref<10000x128xf32, #tpu.memory_space<vmem_shared>> -> memref<80x128xf32, #tpu.memory_space<vmem_shared>>
        %dma_start3A_578 = arith.constant 0 : i32
        %dma_start3A_579 = tpu.memref_slice %arg7[%mul3A_574, %dma_start3A_578] : memref<10000x128xf32, #tpu.memory_space<vmem_shared>> -> memref<80x128xf32, #tpu.memory_space<vmem_shared>>
        tpu.enqueue_dma source(%arg11 : memref<80x128xf32, #tpu.memory_space<vmem>>) target(%dma_start3A_579 : memref<80x128xf32, #tpu.memory_space<vmem_shared>>) target_semaphore(%run_scoped3A_575 : memref<!tpu.dma_semaphore, #tpu.memory_space<semaphore_mem>>)
        %dma_wait3A_580 = arith.constant 0 : i32
        %dma_wait3A_581 = tpu.memref_slice %arg7[%mul3A_574, %dma_wait3A_580] : memref<10000x128xf32, #tpu.memory_space<vmem_shared>> -> memref<80x128xf32, #tpu.memory_space<vmem_shared>>
        %dma_wait3A_582 = arith.constant 0 : i32
        %dma_wait3A_583 = tpu.memref_slice %arg7[%mul3A_574, %dma_wait3A_582] : memref<10000x128xf32, #tpu.memory_space<vmem_shared>> -> memref<80x128xf32, #tpu.memory_space<vmem_shared>>
        tpu.wait_dma2 semaphore(%run_scoped3A_575 : memref<!tpu.dma_semaphore, #tpu.memory_space<semaphore_mem>>) src(%arg11 : memref<80x128xf32, #tpu.memory_space<vmem>>) dst(%dma_wait3A_583 : memref<80x128xf32, #tpu.memory_space<vmem_shared>>)
        tpu.yield
      }) : () -> ()
    } else {
    }
    %add3A_74 = arith.constant 112 : i32
    %add3A_75 = arith.addi %arg1, %add3A_74 : i32
    %lt3A_76 = arith.constant 125 : i32
    %lt3A_77 = arith.cmpi slt, %add3A_75, %lt3A_76 : i32
    %convert_element_type3A_78 = arith.extui %lt3A_77 : i1 to i32
    %cond3A_79 = arith.constant 0 : i32
    %cond3A_80 = arith.cmpi ne, %convert_element_type3A_78, %cond3A_79 : i32
    scf.if %cond3A_80 {
      %mul3A_573 = arith.constant 80 : i32
      %mul3A_574 = arith.muli %add3A_75, %mul3A_573 : i32
      "tpu.region"() ({
        %run_scoped3A_575 = tpu.sem_alloc : memref<!tpu.dma_semaphore, #tpu.memory_space<semaphore_mem>>
        %dma_start3A_576 = arith.constant 0 : i32
        %dma_start3A_577 = tpu.memref_slice %arg7[%mul3A_574, %dma_start3A_576] : memref<10000x128xf32, #tpu.memory_space<vmem_shared>> -> memref<80x128xf32, #tpu.memory_space<vmem_shared>>
        %dma_start3A_578 = arith.constant 0 : i32
        %dma_start3A_579 = tpu.memref_slice %arg7[%mul3A_574, %dma_start3A_578] : memref<10000x128xf32, #tpu.memory_space<vmem_shared>> -> memref<80x128xf32, #tpu.memory_space<vmem_shared>>
        tpu.enqueue_dma source(%arg11 : memref<80x128xf32, #tpu.memory_space<vmem>>) target(%dma_start3A_579 : memref<80x128xf32, #tpu.memory_space<vmem_shared>>) target_semaphore(%run_scoped3A_575 : memref<!tpu.dma_semaphore, #tpu.memory_space<semaphore_mem>>)
        %dma_wait3A_580 = arith.constant 0 : i32
        %dma_wait3A_581 = tpu.memref_slice %arg7[%mul3A_574, %dma_wait3A_580] : memref<10000x128xf32, #tpu.memory_space<vmem_shared>> -> memref<80x128xf32, #tpu.memory_space<vmem_shared>>
        %dma_wait3A_582 = arith.constant 0 : i32
        %dma_wait3A_583 = tpu.memref_slice %arg7[%mul3A_574, %dma_wait3A_582] : memref<10000x128xf32, #tpu.memory_space<vmem_shared>> -> memref<80x128xf32, #tpu.memory_space<vmem_shared>>
        tpu.wait_dma2 semaphore(%run_scoped3A_575 : memref<!tpu.dma_semaphore, #tpu.memory_space<semaphore_mem>>) src(%arg11 : memref<80x128xf32, #tpu.memory_space<vmem>>) dst(%dma_wait3A_583 : memref<80x128xf32, #tpu.memory_space<vmem_shared>>)
        tpu.yield
      }) : () -> ()
    } else {
    }
    %barrier3A = arith.constant 0 : index
    tpu.barrier barrier_id(%barrier3A)
    %dma_wait3A = arith.constant 0 : i32
    %dma_wait3A_81 = arith.constant 0 : i32
    %dma_wait3A_82 = tpu.memref_slice %arg3[%dma_wait3A, %dma_wait3A_81] : memref<3x320000xi32, #tpu.memory_space<hbm>> -> memref<3x80xi32, #tpu.memory_space<hbm>>
    %dma_wait3A_83 = arith.constant 0 : i32
    %dma_wait3A_84 = arith.constant 0 : i32
    %dma_wait3A_85 = tpu.memref_slice %arg3[%dma_wait3A_83, %dma_wait3A_84] : memref<3x320000xi32, #tpu.memory_space<hbm>> -> memref<3x80xi32, #tpu.memory_space<hbm>>
    tpu.wait_dma2 semaphore(%arg15 : memref<!tpu.dma_semaphore, #tpu.memory_space<semaphore_mem>>) src(%dma_wait3A_85 : memref<3x80xi32, #tpu.memory_space<hbm>>) dst(%arg8 : memref<3x80xi32, #tpu.memory_space<vmem>>)
    %dma_start3A_86 = arith.constant 1 : i32
    %dma_start3A_87 = arith.constant 0 : i32
    %dma_start3A_88 = tpu.memref_slice %arg8[%dma_start3A_86, %dma_start3A_87] : memref<3x80xi32, #tpu.memory_space<vmem>> -> memref<1x80xi32, #tpu.memory_space<vmem>>
    %dma_start3A_89 = tpu.memref_squeeze %dma_start3A_88 : memref<1x80xi32, #tpu.memory_space<vmem>> -> memref<80xi32, #tpu.memory_space<vmem>>
    %dma_start3A_90 = arith.constant 0 : i32
    %dma_start3A_91 = arith.constant 0 : i32
    %dma_start3A_92 = tpu.memref_slice %arg2[%dma_start3A_90, %dma_start3A_91] : memref<10000x128xf32, #tpu.memory_space<hbm>> -> memref<10000x128xf32, #tpu.memory_space<hbm>>
    tpu.enqueue_indirect_dma source(%dma_start3A_92 : memref<10000x128xf32, #tpu.memory_space<hbm>>) target(%arg11 : memref<80x128xf32, #tpu.memory_space<vmem>>) offsets(%dma_start3A_89 : memref<80xi32, #tpu.memory_space<vmem>>) semaphore(%arg18 : memref<!tpu.dma_semaphore, #tpu.memory_space<semaphore_mem>>)
    %dma_wait3A_93 = arith.constant 0 : i32
    %dma_wait3A_94 = arith.constant 0 : i32
    %dma_wait3A_95 = tpu.memref_slice %arg3[%dma_wait3A_93, %dma_wait3A_94] : memref<3x320000xi32, #tpu.memory_space<hbm>> -> memref<3x80xi32, #tpu.memory_space<hbm>>
    %dma_wait3A_96 = arith.constant 0 : i32
    %dma_wait3A_97 = arith.constant 0 : i32
    %dma_wait3A_98 = tpu.memref_slice %arg3[%dma_wait3A_96, %dma_wait3A_97] : memref<3x320000xi32, #tpu.memory_space<hbm>> -> memref<3x80xi32, #tpu.memory_space<hbm>>
    tpu.wait_dma2 semaphore(%arg16 : memref<!tpu.dma_semaphore, #tpu.memory_space<semaphore_mem>>) src(%dma_wait3A_98 : memref<3x80xi32, #tpu.memory_space<hbm>>) dst(%arg9 : memref<3x80xi32, #tpu.memory_space<vmem>>)
    %dma_start3A_99 = arith.constant 1 : i32
    %dma_start3A_100 = arith.constant 0 : i32
    %dma_start3A_101 = tpu.memref_slice %arg9[%dma_start3A_99, %dma_start3A_100] : memref<3x80xi32, #tpu.memory_space<vmem>> -> memref<1x80xi32, #tpu.memory_space<vmem>>
    %dma_start3A_102 = tpu.memref_squeeze %dma_start3A_101 : memref<1x80xi32, #tpu.memory_space<vmem>> -> memref<80xi32, #tpu.memory_space<vmem>>
    %dma_start3A_103 = arith.constant 0 : i32
    %dma_start3A_104 = arith.constant 0 : i32
    %dma_start3A_105 = tpu.memref_slice %arg2[%dma_start3A_103, %dma_start3A_104] : memref<10000x128xf32, #tpu.memory_space<hbm>> -> memref<10000x128xf32, #tpu.memory_space<hbm>>
    tpu.enqueue_indirect_dma source(%dma_start3A_105 : memref<10000x128xf32, #tpu.memory_space<hbm>>) target(%arg12 : memref<80x128xf32, #tpu.memory_space<vmem>>) offsets(%dma_start3A_102 : memref<80xi32, #tpu.memory_space<vmem>>) semaphore(%arg19 : memref<!tpu.dma_semaphore, #tpu.memory_space<semaphore_mem>>)
    %dma_wait3A_106 = arith.constant 1 : i32
    %dma_wait3A_107 = arith.constant 0 : i32
    %dma_wait3A_108 = tpu.memref_slice %arg8[%dma_wait3A_106, %dma_wait3A_107] : memref<3x80xi32, #tpu.memory_space<vmem>> -> memref<1x80xi32, #tpu.memory_space<vmem>>
    %dma_wait3A_109 = tpu.memref_squeeze %dma_wait3A_108 : memref<1x80xi32, #tpu.memory_space<vmem>> -> memref<80xi32, #tpu.memory_space<vmem>>
    %dma_wait3A_110 = arith.constant 0 : i32
    %dma_wait3A_111 = arith.constant 0 : i32
    %dma_wait3A_112 = tpu.memref_slice %arg2[%dma_wait3A_110, %dma_wait3A_111] : memref<10000x128xf32, #tpu.memory_space<hbm>> -> memref<10000x128xf32, #tpu.memory_space<hbm>>
    tpu.wait_indirect_dma semaphore(%arg18 : memref<!tpu.dma_semaphore, #tpu.memory_space<semaphore_mem>>) src(%dma_wait3A_112 : memref<10000x128xf32, #tpu.memory_space<hbm>>) dst(%arg11 : memref<80x128xf32, #tpu.memory_space<vmem>>)
    %dma_start3A_113 = arith.constant 0 : i32
    %dma_start3A_114 = arith.constant 0 : i32
    %dma_start3A_115 = tpu.memref_slice %arg8[%dma_start3A_113, %dma_start3A_114] : memref<3x80xi32, #tpu.memory_space<vmem>> -> memref<1x80xi32, #tpu.memory_space<vmem>>
    %dma_start3A_116 = tpu.memref_squeeze %dma_start3A_115 : memref<1x80xi32, #tpu.memory_space<vmem>> -> memref<80xi32, #tpu.memory_space<vmem>>
    %dma_start3A_117 = arith.constant 0 : i32
    %dma_start3A_118 = arith.constant 0 : i32
    %dma_start3A_119 = tpu.memref_slice %arg7[%dma_start3A_117, %dma_start3A_118] : memref<10000x128xf32, #tpu.memory_space<vmem_shared>> -> memref<10000x128xf32, #tpu.memory_space<vmem_shared>>
    tpu.enqueue_indirect_dma source(%arg11 : memref<80x128xf32, #tpu.memory_space<vmem>>) target(%dma_start3A_119 : memref<10000x128xf32, #tpu.memory_space<vmem_shared>>) offsets(%dma_start3A_116 : memref<80xi32, #tpu.memory_space<vmem>>) semaphore(%arg20 : memref<!tpu.dma_semaphore, #tpu.memory_space<semaphore_mem>>) {add = true}
    %get3A = arith.constant 0 : i32
    %get3A_120 = arith.index_cast %get3A : i32 to index
    %get3A_121 = arith.constant 0 : index
    %get3A_122 = tpu.vector_load %arg8[%get3A_120, %get3A_121] {strides = array<i32>} : memref<3x80xi32, #tpu.memory_space<vmem>>, vector<16xi32>,
    %get3A_123 = arith.constant 2 : i32
    %get3A_124 = arith.index_cast %get3A_123 : i32 to index
    %get3A_125 = arith.constant 0 : index
    %get3A_126 = tpu.vector_load %arg8[%get3A_124, %get3A_125] {strides = array<i32>} : memref<3x80xi32, #tpu.memory_space<vmem>>, vector<16xi32>,
    %bitcast3A = vector.bitcast %get3A_126 : vector<16xi32> to vector<16xf32>
    tpu.vector_store_idx %arg13[%get3A_122], %bitcast3A {add = true} : memref<10000xf32, #tpu.memory_space<vmem>>[vector<16xi32>], vector<16xf32>,
    tpu.vector_store_idx %arg14[%get3A_122], %broadcast_in_dim3A_5 {add = true} : memref<10000xf32, #tpu.memory_space<vmem>>[vector<16xi32>], vector<16xf32>,
    %get3A_127 = arith.constant 0 : i32
    %get3A_128 = arith.index_cast %get3A_127 : i32 to index
    %get3A_129 = arith.constant 16 : index
    %get3A_130 = tpu.vector_load %arg8[%get3A_128, %get3A_129] {strides = array<i32>} : memref<3x80xi32, #tpu.memory_space<vmem>>, vector<16xi32>,
    %get3A_131 = arith.constant 2 : i32
    %get3A_132 = arith.index_cast %get3A_131 : i32 to index
    %get3A_133 = arith.constant 16 : index
    %get3A_134 = tpu.vector_load %arg8[%get3A_132, %get3A_133] {strides = array<i32>} : memref<3x80xi32, #tpu.memory_space<vmem>>, vector<16xi32>,
    %bitcast3A_135 = vector.bitcast %get3A_134 : vector<16xi32> to vector<16xf32>
    tpu.vector_store_idx %arg13[%get3A_130], %bitcast3A_135 {add = true} : memref<10000xf32, #tpu.memory_space<vmem>>[vector<16xi32>], vector<16xf32>,
    tpu.vector_store_idx %arg14[%get3A_130], %broadcast_in_dim3A_5 {add = true} : memref<10000xf32, #tpu.memory_space<vmem>>[vector<16xi32>], vector<16xf32>,
    %get3A_136 = arith.constant 0 : i32
    %get3A_137 = arith.index_cast %get3A_136 : i32 to index
    %get3A_138 = arith.constant 32 : index
    %get3A_139 = tpu.vector_load %arg8[%get3A_137, %get3A_138] {strides = array<i32>} : memref<3x80xi32, #tpu.memory_space<vmem>>, vector<16xi32>,
    %get3A_140 = arith.constant 2 : i32
    %get3A_141 = arith.index_cast %get3A_140 : i32 to index
    %get3A_142 = arith.constant 32 : index
    %get3A_143 = tpu.vector_load %arg8[%get3A_141, %get3A_142] {strides = array<i32>} : memref<3x80xi32, #tpu.memory_space<vmem>>, vector<16xi32>,
    %bitcast3A_144 = vector.bitcast %get3A_143 : vector<16xi32> to vector<16xf32>
    tpu.vector_store_idx %arg13[%get3A_139], %bitcast3A_144 {add = true} : memref<10000xf32, #tpu.memory_space<vmem>>[vector<16xi32>], vector<16xf32>,
    tpu.vector_store_idx %arg14[%get3A_139], %broadcast_in_dim3A_5 {add = true} : memref<10000xf32, #tpu.memory_space<vmem>>[vector<16xi32>], vector<16xf32>,
    %get3A_145 = arith.constant 0 : i32
    %get3A_146 = arith.index_cast %get3A_145 : i32 to index
    %get3A_147 = arith.constant 48 : index
    %get3A_148 = tpu.vector_load %arg8[%get3A_146, %get3A_147] {strides = array<i32>} : memref<3x80xi32, #tpu.memory_space<vmem>>, vector<16xi32>,
    %get3A_149 = arith.constant 2 : i32
    %get3A_150 = arith.index_cast %get3A_149 : i32 to index
    %get3A_151 = arith.constant 48 : index
    %get3A_152 = tpu.vector_load %arg8[%get3A_150, %get3A_151] {strides = array<i32>} : memref<3x80xi32, #tpu.memory_space<vmem>>, vector<16xi32>,
    %bitcast3A_153 = vector.bitcast %get3A_152 : vector<16xi32> to vector<16xf32>
    tpu.vector_store_idx %arg13[%get3A_148], %bitcast3A_153 {add = true} : memref<10000xf32, #tpu.memory_space<vmem>>[vector<16xi32>], vector<16xf32>,
    tpu.vector_store_idx %arg14[%get3A_148], %broadcast_in_dim3A_5 {add = true} : memref<10000xf32, #tpu.memory_space<vmem>>[vector<16xi32>], vector<16xf32>,
    %get3A_154 = arith.constant 0 : i32
    %get3A_155 = arith.index_cast %get3A_154 : i32 to index
    %get3A_156 = arith.constant 64 : index
    %get3A_157 = tpu.vector_load %arg8[%get3A_155, %get3A_156] {strides = array<i32>} : memref<3x80xi32, #tpu.memory_space<vmem>>, vector<16xi32>,
    %get3A_158 = arith.constant 2 : i32
    %get3A_159 = arith.index_cast %get3A_158 : i32 to index
    %get3A_160 = arith.constant 64 : index
    %get3A_161 = tpu.vector_load %arg8[%get3A_159, %get3A_160] {strides = array<i32>} : memref<3x80xi32, #tpu.memory_space<vmem>>, vector<16xi32>,
    %bitcast3A_162 = vector.bitcast %get3A_161 : vector<16xi32> to vector<16xf32>
    tpu.vector_store_idx %arg13[%get3A_157], %bitcast3A_162 {add = true} : memref<10000xf32, #tpu.memory_space<vmem>>[vector<16xi32>], vector<16xf32>,
    tpu.vector_store_idx %arg14[%get3A_157], %broadcast_in_dim3A_5 {add = true} : memref<10000xf32, #tpu.memory_space<vmem>>[vector<16xi32>], vector<16xf32>,
    %add3A_163 = arith.constant 160 : i32
    %add3A_164 = arith.addi %mul3A_2, %add3A_163 : i32
    %dma_start3A_165 = arith.constant 0 : i32
    %dma_start3A_166 = tpu.memref_slice %arg3[%dma_start3A_165, %add3A_164] : memref<3x320000xi32, #tpu.memory_space<hbm>> -> memref<3x80xi32, #tpu.memory_space<hbm>>
    %dma_start3A_167 = arith.constant 0 : i32
    %dma_start3A_168 = tpu.memref_slice %arg3[%dma_start3A_167, %add3A_164] : memref<3x320000xi32, #tpu.memory_space<hbm>> -> memref<3x80xi32, #tpu.memory_space<hbm>>
    tpu.enqueue_dma source(%dma_start3A_168 : memref<3x80xi32, #tpu.memory_space<hbm>>) target(%arg10 : memref<3x80xi32, #tpu.memory_space<vmem>>) target_semaphore(%arg17 : memref<!tpu.dma_semaphore, #tpu.memory_space<semaphore_mem>>)
    %scan3A_169 = arith.constant 0 : i32
    %scan3A_170 = arith.constant 0 : i32
    %scan3A_171 = arith.constant 20 : i32
    %scan3A_172 = arith.addi %scan3A_170, %scan3A_171 : i32
    %scan3A_173 = arith.constant 1 : i32
    scf.for %scan3A_573 = %scan3A_170 to %scan3A_172 step %scan3A_173  : i32 {
      %mul3A_574 = arith.constant 6 : i32
      %mul3A_575 = arith.muli %mul3A_574, %scan3A_573 : i32
      %add3A_576 = arith.constant 1 : i32
      %add3A_577 = arith.addi %add3A_576, %mul3A_575 : i32
      %add3A_578 = arith.constant 0 : i32
      %add3A_579 = arith.addi %add3A_577, %add3A_578 : i32
      %dma_wait3A_580 = arith.constant 0 : i32
      %dma_wait3A_581 = arith.constant 0 : i32
      %dma_wait3A_582 = tpu.memref_slice %arg8[%dma_wait3A_580, %dma_wait3A_581] : memref<3x80xi32, #tpu.memory_space<vmem>> -> memref<1x80xi32, #tpu.memory_space<vmem>>
      %dma_wait3A_583 = tpu.memref_squeeze %dma_wait3A_582 : memref<1x80xi32, #tpu.memory_space<vmem>> -> memref<80xi32, #tpu.memory_space<vmem>>
      %dma_wait3A_584 = arith.constant 0 : i32
      %dma_wait3A_585 = arith.constant 0 : i32
      %dma_wait3A_586 = tpu.memref_slice %arg7[%dma_wait3A_584, %dma_wait3A_585] : memref<10000x128xf32, #tpu.memory_space<vmem_shared>> -> memref<10000x128xf32, #tpu.memory_space<vmem_shared>>
      tpu.wait_indirect_dma semaphore(%arg20 : memref<!tpu.dma_semaphore, #tpu.memory_space<semaphore_mem>>) src(%arg11 : memref<80x128xf32, #tpu.memory_space<vmem>>) dst(%dma_wait3A_586 : memref<10000x128xf32, #tpu.memory_space<vmem_shared>>)
      %dma_wait3A_587 = arith.constant 0 : i32
      %dma_wait3A_588 = arith.constant 0 : i32
      %dma_wait3A_589 = tpu.memref_slice %arg3[%dma_wait3A_587, %dma_wait3A_588] : memref<3x320000xi32, #tpu.memory_space<hbm>> -> memref<3x80xi32, #tpu.memory_space<hbm>>
      %dma_wait3A_590 = arith.constant 0 : i32
      %dma_wait3A_591 = arith.constant 0 : i32
      %dma_wait3A_592 = tpu.memref_slice %arg3[%dma_wait3A_590, %dma_wait3A_591] : memref<3x320000xi32, #tpu.memory_space<hbm>> -> memref<3x80xi32, #tpu.memory_space<hbm>>
      tpu.wait_dma2 semaphore(%arg17 : memref<!tpu.dma_semaphore, #tpu.memory_space<semaphore_mem>>) src(%dma_wait3A_592 : memref<3x80xi32, #tpu.memory_space<hbm>>) dst(%arg10 : memref<3x80xi32, #tpu.memory_space<vmem>>)
      %dma_start3A_593 = arith.constant 1 : i32
      %dma_start3A_594 = arith.constant 0 : i32
      %dma_start3A_595 = tpu.memref_slice %arg10[%dma_start3A_593, %dma_start3A_594] : memref<3x80xi32, #tpu.memory_space<vmem>> -> memref<1x80xi32, #tpu.memory_space<vmem>>
      %dma_start3A_596 = tpu.memref_squeeze %dma_start3A_595 : memref<1x80xi32, #tpu.memory_space<vmem>> -> memref<80xi32, #tpu.memory_space<vmem>>
      %dma_start3A_597 = arith.constant 0 : i32
      %dma_start3A_598 = arith.constant 0 : i32
      %dma_start3A_599 = tpu.memref_slice %arg2[%dma_start3A_597, %dma_start3A_598] : memref<10000x128xf32, #tpu.memory_space<hbm>> -> memref<10000x128xf32, #tpu.memory_space<hbm>>
      tpu.enqueue_indirect_dma source(%dma_start3A_599 : memref<10000x128xf32, #tpu.memory_space<hbm>>) target(%arg11 : memref<80x128xf32, #tpu.memory_space<vmem>>) offsets(%dma_start3A_596 : memref<80xi32, #tpu.memory_space<vmem>>) semaphore(%arg18 : memref<!tpu.dma_semaphore, #tpu.memory_space<semaphore_mem>>)
      %dma_wait3A_600 = arith.constant 1 : i32
      %dma_wait3A_601 = arith.constant 0 : i32
      %dma_wait3A_602 = tpu.memref_slice %arg9[%dma_wait3A_600, %dma_wait3A_601] : memref<3x80xi32, #tpu.memory_space<vmem>> -> memref<1x80xi32, #tpu.memory_space<vmem>>
      %dma_wait3A_603 = tpu.memref_squeeze %dma_wait3A_602 : memref<1x80xi32, #tpu.memory_space<vmem>> -> memref<80xi32, #tpu.memory_space<vmem>>
      %dma_wait3A_604 = arith.constant 0 : i32
      %dma_wait3A_605 = arith.constant 0 : i32
      %dma_wait3A_606 = tpu.memref_slice %arg2[%dma_wait3A_604, %dma_wait3A_605] : memref<10000x128xf32, #tpu.memory_space<hbm>> -> memref<10000x128xf32, #tpu.memory_space<hbm>>
      tpu.wait_indirect_dma semaphore(%arg19 : memref<!tpu.dma_semaphore, #tpu.memory_space<semaphore_mem>>) src(%dma_wait3A_606 : memref<10000x128xf32, #tpu.memory_space<hbm>>) dst(%arg12 : memref<80x128xf32, #tpu.memory_space<vmem>>)
      %dma_start3A_607 = arith.constant 0 : i32
      %dma_start3A_608 = arith.constant 0 : i32
      %dma_start3A_609 = tpu.memref_slice %arg9[%dma_start3A_607, %dma_start3A_608] : memref<3x80xi32, #tpu.memory_space<vmem>> -> memref<1x80xi32, #tpu.memory_space<vmem>>
      %dma_start3A_610 = tpu.memref_squeeze %dma_start3A_609 : memref<1x80xi32, #tpu.memory_space<vmem>> -> memref<80xi32, #tpu.memory_space<vmem>>
      %dma_start3A_611 = arith.constant 0 : i32
      %dma_start3A_612 = arith.constant 0 : i32
      %dma_start3A_613 = tpu.memref_slice %arg7[%dma_start3A_611, %dma_start3A_612] : memref<10000x128xf32, #tpu.memory_space<vmem_shared>> -> memref<10000x128xf32, #tpu.memory_space<vmem_shared>>
      tpu.enqueue_indirect_dma source(%arg12 : memref<80x128xf32, #tpu.memory_space<vmem>>) target(%dma_start3A_613 : memref<10000x128xf32, #tpu.memory_space<vmem_shared>>) offsets(%dma_start3A_610 : memref<80xi32, #tpu.memory_space<vmem>>) semaphore(%arg21 : memref<!tpu.dma_semaphore, #tpu.memory_space<semaphore_mem>>) {add = true}
      %get3A_614 = arith.constant 0 : i32
      %get3A_615 = arith.index_cast %get3A_614 : i32 to index
      %get3A_616 = arith.constant 0 : index
      %get3A_617 = tpu.vector_load %arg9[%get3A_615, %get3A_616] {strides = array<i32>} : memref<3x80xi32, #tpu.memory_space<vmem>>, vector<16xi32>,
      %get3A_618 = arith.constant 2 : i32
      %get3A_619 = arith.index_cast %get3A_618 : i32 to index
      %get3A_620 = arith.constant 0 : index
      %get3A_621 = tpu.vector_load %arg9[%get3A_619, %get3A_620] {strides = array<i32>} : memref<3x80xi32, #tpu.memory_space<vmem>>, vector<16xi32>,
      %bitcast3A_622 = vector.bitcast %get3A_621 : vector<16xi32> to vector<16xf32>
      tpu.vector_store_idx %arg13[%get3A_617], %bitcast3A_622 {add = true} : memref<10000xf32, #tpu.memory_space<vmem>>[vector<16xi32>], vector<16xf32>,
      tpu.vector_store_idx %arg14[%get3A_617], %broadcast_in_dim3A_5 {add = true} : memref<10000xf32, #tpu.memory_space<vmem>>[vector<16xi32>], vector<16xf32>,
      %get3A_623 = arith.constant 0 : i32
      %get3A_624 = arith.index_cast %get3A_623 : i32 to index
      %get3A_625 = arith.constant 16 : index
      %get3A_626 = tpu.vector_load %arg9[%get3A_624, %get3A_625] {strides = array<i32>} : memref<3x80xi32, #tpu.memory_space<vmem>>, vector<16xi32>,
      %get3A_627 = arith.constant 2 : i32
      %get3A_628 = arith.index_cast %get3A_627 : i32 to index
      %get3A_629 = arith.constant 16 : index
      %get3A_630 = tpu.vector_load %arg9[%get3A_628, %get3A_629] {strides = array<i32>} : memref<3x80xi32, #tpu.memory_space<vmem>>, vector<16xi32>,
      %bitcast3A_631 = vector.bitcast %get3A_630 : vector<16xi32> to vector<16xf32>
      tpu.vector_store_idx %arg13[%get3A_626], %bitcast3A_631 {add = true} : memref<10000xf32, #tpu.memory_space<vmem>>[vector<16xi32>], vector<16xf32>,
      tpu.vector_store_idx %arg14[%get3A_626], %broadcast_in_dim3A_5 {add = true} : memref<10000xf32, #tpu.memory_space<vmem>>[vector<16xi32>], vector<16xf32>,
      %get3A_632 = arith.constant 0 : i32
      %get3A_633 = arith.index_cast %get3A_632 : i32 to index
      %get3A_634 = arith.constant 32 : index
      %get3A_635 = tpu.vector_load %arg9[%get3A_633, %get3A_634] {strides = array<i32>} : memref<3x80xi32, #tpu.memory_space<vmem>>, vector<16xi32>,
      %get3A_636 = arith.constant 2 : i32
      %get3A_637 = arith.index_cast %get3A_636 : i32 to index
      %get3A_638 = arith.constant 32 : index
      %get3A_639 = tpu.vector_load %arg9[%get3A_637, %get3A_638] {strides = array<i32>} : memref<3x80xi32, #tpu.memory_space<vmem>>, vector<16xi32>,
      %bitcast3A_640 = vector.bitcast %get3A_639 : vector<16xi32> to vector<16xf32>
      tpu.vector_store_idx %arg13[%get3A_635], %bitcast3A_640 {add = true} : memref<10000xf32, #tpu.memory_space<vmem>>[vector<16xi32>], vector<16xf32>,
      tpu.vector_store_idx %arg14[%get3A_635], %broadcast_in_dim3A_5 {add = true} : memref<10000xf32, #tpu.memory_space<vmem>>[vector<16xi32>], vector<16xf32>,
      %get3A_641 = arith.constant 0 : i32
      %get3A_642 = arith.index_cast %get3A_641 : i32 to index
      %get3A_643 = arith.constant 48 : index
      %get3A_644 = tpu.vector_load %arg9[%get3A_642, %get3A_643] {strides = array<i32>} : memref<3x80xi32, #tpu.memory_space<vmem>>, vector<16xi32>,
      %get3A_645 = arith.constant 2 : i32
      %get3A_646 = arith.index_cast %get3A_645 : i32 to index
      %get3A_647 = arith.constant 48 : index
      %get3A_648 = tpu.vector_load %arg9[%get3A_646, %get3A_647] {strides = array<i32>} : memref<3x80xi32, #tpu.memory_space<vmem>>, vector<16xi32>,
      %bitcast3A_649 = vector.bitcast %get3A_648 : vector<16xi32> to vector<16xf32>
      tpu.vector_store_idx %arg13[%get3A_644], %bitcast3A_649 {add = true} : memref<10000xf32, #tpu.memory_space<vmem>>[vector<16xi32>], vector<16xf32>,
      tpu.vector_store_idx %arg14[%get3A_644], %broadcast_in_dim3A_5 {add = true} : memref<10000xf32, #tpu.memory_space<vmem>>[vector<16xi32>], vector<16xf32>,
      %get3A_650 = arith.constant 0 : i32
      %get3A_651 = arith.index_cast %get3A_650 : i32 to index
      %get3A_652 = arith.constant 64 : index
      %get3A_653 = tpu.vector_load %arg9[%get3A_651, %get3A_652] {strides = array<i32>} : memref<3x80xi32, #tpu.memory_space<vmem>>, vector<16xi32>,
      %get3A_654 = arith.constant 2 : i32
      %get3A_655 = arith.index_cast %get3A_654 : i32 to index
      %get3A_656 = arith.constant 64 : index
      %get3A_657 = tpu.vector_load %arg9[%get3A_655, %get3A_656] {strides = array<i32>} : memref<3x80xi32, #tpu.memory_space<vmem>>, vector<16xi32>,
      %bitcast3A_658 = vector.bitcast %get3A_657 : vector<16xi32> to vector<16xf32>
      tpu.vector_store_idx %arg13[%get3A_653], %bitcast3A_658 {add = true} : memref<10000xf32, #tpu.memory_space<vmem>>[vector<16xi32>], vector<16xf32>,
      tpu.vector_store_idx %arg14[%get3A_653], %broadcast_in_dim3A_5 {add = true} : memref<10000xf32, #tpu.memory_space<vmem>>[vector<16xi32>], vector<16xf32>,
      %add3A_659 = arith.constant 2 : i32
      %add3A_660 = arith.addi %add3A_579, %add3A_659 : i32
      %mul3A_661 = arith.constant 80 : i32
      %mul3A_662 = arith.muli %add3A_660, %mul3A_661 : i32
      %add3A_663 = arith.addi %mul3A_2, %mul3A_662 : i32
      %dma_start3A_664 = arith.constant 0 : i32
      %dma_start3A_665 = tpu.memref_slice %arg3[%dma_start3A_664, %add3A_663] : memref<3x320000xi32, #tpu.memory_space<hbm>> -> memref<3x80xi32, #tpu.memory_space<hbm>>
      %dma_start3A_666 = arith.constant 0 : i32
      %dma_start3A_667 = tpu.memref_slice %arg3[%dma_start3A_666, %add3A_663] : memref<3x320000xi32, #tpu.memory_space<hbm>> -> memref<3x80xi32, #tpu.memory_space<hbm>>
      tpu.enqueue_dma source(%dma_start3A_667 : memref<3x80xi32, #tpu.memory_space<hbm>>) target(%arg8 : memref<3x80xi32, #tpu.memory_space<vmem>>) target_semaphore(%arg15 : memref<!tpu.dma_semaphore, #tpu.memory_space<semaphore_mem>>)
      %add3A_668 = arith.constant 1 : i32
      %add3A_669 = arith.addi %add3A_577, %add3A_668 : i32
      %dma_wait3A_670 = arith.constant 0 : i32
      %dma_wait3A_671 = arith.constant 0 : i32
      %dma_wait3A_672 = tpu.memref_slice %arg9[%dma_wait3A_670, %dma_wait3A_671] : memref<3x80xi32, #tpu.memory_space<vmem>> -> memref<1x80xi32, #tpu.memory_space<vmem>>
      %dma_wait3A_673 = tpu.memref_squeeze %dma_wait3A_672 : memref<1x80xi32, #tpu.memory_space<vmem>> -> memref<80xi32, #tpu.memory_space<vmem>>
      %dma_wait3A_674 = arith.constant 0 : i32
      %dma_wait3A_675 = arith.constant 0 : i32
      %dma_wait3A_676 = tpu.memref_slice %arg7[%dma_wait3A_674, %dma_wait3A_675] : memref<10000x128xf32, #tpu.memory_space<vmem_shared>> -> memref<10000x128xf32, #tpu.memory_space<vmem_shared>>
      tpu.wait_indirect_dma semaphore(%arg21 : memref<!tpu.dma_semaphore, #tpu.memory_space<semaphore_mem>>) src(%arg12 : memref<80x128xf32, #tpu.memory_space<vmem>>) dst(%dma_wait3A_676 : memref<10000x128xf32, #tpu.memory_space<vmem_shared>>)
      %dma_wait3A_677 = arith.constant 0 : i32
      %dma_wait3A_678 = arith.constant 0 : i32
      %dma_wait3A_679 = tpu.memref_slice %arg3[%dma_wait3A_677, %dma_wait3A_678] : memref<3x320000xi32, #tpu.memory_space<hbm>> -> memref<3x80xi32, #tpu.memory_space<hbm>>
      %dma_wait3A_680 = arith.constant 0 : i32
      %dma_wait3A_681 = arith.constant 0 : i32
      %dma_wait3A_682 = tpu.memref_slice %arg3[%dma_wait3A_680, %dma_wait3A_681] : memref<3x320000xi32, #tpu.memory_space<hbm>> -> memref<3x80xi32, #tpu.memory_space<hbm>>
      tpu.wait_dma2 semaphore(%arg15 : memref<!tpu.dma_semaphore, #tpu.memory_space<semaphore_mem>>) src(%dma_wait3A_682 : memref<3x80xi32, #tpu.memory_space<hbm>>) dst(%arg8 : memref<3x80xi32, #tpu.memory_space<vmem>>)
      %dma_start3A_683 = arith.constant 1 : i32
      %dma_start3A_684 = arith.constant 0 : i32
      %dma_start3A_685 = tpu.memref_slice %arg8[%dma_start3A_683, %dma_start3A_684] : memref<3x80xi32, #tpu.memory_space<vmem>> -> memref<1x80xi32, #tpu.memory_space<vmem>>
      %dma_start3A_686 = tpu.memref_squeeze %dma_start3A_685 : memref<1x80xi32, #tpu.memory_space<vmem>> -> memref<80xi32, #tpu.memory_space<vmem>>
      %dma_start3A_687 = arith.constant 0 : i32
      %dma_start3A_688 = arith.constant 0 : i32
      %dma_start3A_689 = tpu.memref_slice %arg2[%dma_start3A_687, %dma_start3A_688] : memref<10000x128xf32, #tpu.memory_space<hbm>> -> memref<10000x128xf32, #tpu.memory_space<hbm>>
      tpu.enqueue_indirect_dma source(%dma_start3A_689 : memref<10000x128xf32, #tpu.memory_space<hbm>>) target(%arg12 : memref<80x128xf32, #tpu.memory_space<vmem>>) offsets(%dma_start3A_686 : memref<80xi32, #tpu.memory_space<vmem>>) semaphore(%arg19 : memref<!tpu.dma_semaphore, #tpu.memory_space<semaphore_mem>>)
      %dma_wait3A_690 = arith.constant 1 : i32
      %dma_wait3A_691 = arith.constant 0 : i32
      %dma_wait3A_692 = tpu.memref_slice %arg10[%dma_wait3A_690, %dma_wait3A_691] : memref<3x80xi32, #tpu.memory_space<vmem>> -> memref<1x80xi32, #tpu.memory_space<vmem>>
      %dma_wait3A_693 = tpu.memref_squeeze %dma_wait3A_692 : memref<1x80xi32, #tpu.memory_space<vmem>> -> memref<80xi32, #tpu.memory_space<vmem>>
      %dma_wait3A_694 = arith.constant 0 : i32
      %dma_wait3A_695 = arith.constant 0 : i32
      %dma_wait3A_696 = tpu.memref_slice %arg2[%dma_wait3A_694, %dma_wait3A_695] : memref<10000x128xf32, #tpu.memory_space<hbm>> -> memref<10000x128xf32, #tpu.memory_space<hbm>>
      tpu.wait_indirect_dma semaphore(%arg18 : memref<!tpu.dma_semaphore, #tpu.memory_space<semaphore_mem>>) src(%dma_wait3A_696 : memref<10000x128xf32, #tpu.memory_space<hbm>>) dst(%arg11 : memref<80x128xf32, #tpu.memory_space<vmem>>)
      %dma_start3A_697 = arith.constant 0 : i32
      %dma_start3A_698 = arith.constant 0 : i32
      %dma_start3A_699 = tpu.memref_slice %arg10[%dma_start3A_697, %dma_start3A_698] : memref<3x80xi32, #tpu.memory_space<vmem>> -> memref<1x80xi32, #tpu.memory_space<vmem>>
      %dma_start3A_700 = tpu.memref_squeeze %dma_start3A_699 : memref<1x80xi32, #tpu.memory_space<vmem>> -> memref<80xi32, #tpu.memory_space<vmem>>
      %dma_start3A_701 = arith.constant 0 : i32
      %dma_start3A_702 = arith.constant 0 : i32
      %dma_start3A_703 = tpu.memref_slice %arg7[%dma_start3A_701, %dma_start3A_702] : memref<10000x128xf32, #tpu.memory_space<vmem_shared>> -> memref<10000x128xf32, #tpu.memory_space<vmem_shared>>
      tpu.enqueue_indirect_dma source(%arg11 : memref<80x128xf32, #tpu.memory_space<vmem>>) target(%dma_start3A_703 : memref<10000x128xf32, #tpu.memory_space<vmem_shared>>) offsets(%dma_start3A_700 : memref<80xi32, #tpu.memory_space<vmem>>) semaphore(%arg20 : memref<!tpu.dma_semaphore, #tpu.memory_space<semaphore_mem>>) {add = true}
      %get3A_704 = arith.constant 0 : i32
      %get3A_705 = arith.index_cast %get3A_704 : i32 to index
      %get3A_706 = arith.constant 0 : index
      %get3A_707 = tpu.vector_load %arg10[%get3A_705, %get3A_706] {strides = array<i32>} : memref<3x80xi32, #tpu.memory_space<vmem>>, vector<16xi32>,
      %get3A_708 = arith.constant 2 : i32
      %get3A_709 = arith.index_cast %get3A_708 : i32 to index
      %get3A_710 = arith.constant 0 : index
      %get3A_711 = tpu.vector_load %arg10[%get3A_709, %get3A_710] {strides = array<i32>} : memref<3x80xi32, #tpu.memory_space<vmem>>, vector<16xi32>,
      %bitcast3A_712 = vector.bitcast %get3A_711 : vector<16xi32> to vector<16xf32>
      tpu.vector_store_idx %arg13[%get3A_707], %bitcast3A_712 {add = true} : memref<10000xf32, #tpu.memory_space<vmem>>[vector<16xi32>], vector<16xf32>,
      tpu.vector_store_idx %arg14[%get3A_707], %broadcast_in_dim3A_5 {add = true} : memref<10000xf32, #tpu.memory_space<vmem>>[vector<16xi32>], vector<16xf32>,
      %get3A_713 = arith.constant 0 : i32
      %get3A_714 = arith.index_cast %get3A_713 : i32 to index
      %get3A_715 = arith.constant 16 : index
      %get3A_716 = tpu.vector_load %arg10[%get3A_714, %get3A_715] {strides = array<i32>} : memref<3x80xi32, #tpu.memory_space<vmem>>, vector<16xi32>,
      %get3A_717 = arith.constant 2 : i32
      %get3A_718 = arith.index_cast %get3A_717 : i32 to index
      %get3A_719 = arith.constant 16 : index
      %get3A_720 = tpu.vector_load %arg10[%get3A_718, %get3A_719] {strides = array<i32>} : memref<3x80xi32, #tpu.memory_space<vmem>>, vector<16xi32>,
      %bitcast3A_721 = vector.bitcast %get3A_720 : vector<16xi32> to vector<16xf32>
      tpu.vector_store_idx %arg13[%get3A_716], %bitcast3A_721 {add = true} : memref<10000xf32, #tpu.memory_space<vmem>>[vector<16xi32>], vector<16xf32>,
      tpu.vector_store_idx %arg14[%get3A_716], %broadcast_in_dim3A_5 {add = true} : memref<10000xf32, #tpu.memory_space<vmem>>[vector<16xi32>], vector<16xf32>,
      %get3A_722 = arith.constant 0 : i32
      %get3A_723 = arith.index_cast %get3A_722 : i32 to index
      %get3A_724 = arith.constant 32 : index
      %get3A_725 = tpu.vector_load %arg10[%get3A_723, %get3A_724] {strides = array<i32>} : memref<3x80xi32, #tpu.memory_space<vmem>>, vector<16xi32>,
      %get3A_726 = arith.constant 2 : i32
      %get3A_727 = arith.index_cast %get3A_726 : i32 to index
      %get3A_728 = arith.constant 32 : index
      %get3A_729 = tpu.vector_load %arg10[%get3A_727, %get3A_728] {strides = array<i32>} : memref<3x80xi32, #tpu.memory_space<vmem>>, vector<16xi32>,
      %bitcast3A_730 = vector.bitcast %get3A_729 : vector<16xi32> to vector<16xf32>
      tpu.vector_store_idx %arg13[%get3A_725], %bitcast3A_730 {add = true} : memref<10000xf32, #tpu.memory_space<vmem>>[vector<16xi32>], vector<16xf32>,
      tpu.vector_store_idx %arg14[%get3A_725], %broadcast_in_dim3A_5 {add = true} : memref<10000xf32, #tpu.memory_space<vmem>>[vector<16xi32>], vector<16xf32>,
      %get3A_731 = arith.constant 0 : i32
      %get3A_732 = arith.index_cast %get3A_731 : i32 to index
      %get3A_733 = arith.constant 48 : index
      %get3A_734 = tpu.vector_load %arg10[%get3A_732, %get3A_733] {strides = array<i32>} : memref<3x80xi32, #tpu.memory_space<vmem>>, vector<16xi32>,
      %get3A_735 = arith.constant 2 : i32
      %get3A_736 = arith.index_cast %get3A_735 : i32 to index
      %get3A_737 = arith.constant 48 : index
      %get3A_738 = tpu.vector_load %arg10[%get3A_736, %get3A_737] {strides = array<i32>} : memref<3x80xi32, #tpu.memory_space<vmem>>, vector<16xi32>,
      %bitcast3A_739 = vector.bitcast %get3A_738 : vector<16xi32> to vector<16xf32>
      tpu.vector_store_idx %arg13[%get3A_734], %bitcast3A_739 {add = true} : memref<10000xf32, #tpu.memory_space<vmem>>[vector<16xi32>], vector<16xf32>,
      tpu.vector_store_idx %arg14[%get3A_734], %broadcast_in_dim3A_5 {add = true} : memref<10000xf32, #tpu.memory_space<vmem>>[vector<16xi32>], vector<16xf32>,
      %get3A_740 = arith.constant 0 : i32
      %get3A_741 = arith.index_cast %get3A_740 : i32 to index
      %get3A_742 = arith.constant 64 : index
      %get3A_743 = tpu.vector_load %arg10[%get3A_741, %get3A_742] {strides = array<i32>} : memref<3x80xi32, #tpu.memory_space<vmem>>, vector<16xi32>,
      %get3A_744 = arith.constant 2 : i32
      %get3A_745 = arith.index_cast %get3A_744 : i32 to index
      %get3A_746 = arith.constant 64 : index
      %get3A_747 = tpu.vector_load %arg10[%get3A_745, %get3A_746] {strides = array<i32>} : memref<3x80xi32, #tpu.memory_space<vmem>>, vector<16xi32>,
      %bitcast3A_748 = vector.bitcast %get3A_747 : vector<16xi32> to vector<16xf32>
      tpu.vector_store_idx %arg13[%get3A_743], %bitcast3A_748 {add = true} : memref<10000xf32, #tpu.memory_space<vmem>>[vector<16xi32>], vector<16xf32>,
      tpu.vector_store_idx %arg14[%get3A_743], %broadcast_in_dim3A_5 {add = true} : memref<10000xf32, #tpu.memory_space<vmem>>[vector<16xi32>], vector<16xf32>,
      %add3A_749 = arith.constant 2 : i32
      %add3A_750 = arith.addi %add3A_669, %add3A_749 : i32
      %mul3A_751 = arith.constant 80 : i32
      %mul3A_752 = arith.muli %add3A_750, %mul3A_751 : i32
      %add3A_753 = arith.addi %mul3A_2, %mul3A_752 : i32
      %dma_start3A_754 = arith.constant 0 : i32
      %dma_start3A_755 = tpu.memref_slice %arg3[%dma_start3A_754, %add3A_753] : memref<3x320000xi32, #tpu.memory_space<hbm>> -> memref<3x80xi32, #tpu.memory_space<hbm>>
      %dma_start3A_756 = arith.constant 0 : i32
      %dma_start3A_757 = tpu.memref_slice %arg3[%dma_start3A_756, %add3A_753] : memref<3x320000xi32, #tpu.memory_space<hbm>> -> memref<3x80xi32, #tpu.memory_space<hbm>>
      tpu.enqueue_dma source(%dma_start3A_757 : memref<3x80xi32, #tpu.memory_space<hbm>>) target(%arg9 : memref<3x80xi32, #tpu.memory_space<vmem>>) target_semaphore(%arg16 : memref<!tpu.dma_semaphore, #tpu.memory_space<semaphore_mem>>)
      %add3A_758 = arith.constant 2 : i32
      %add3A_759 = arith.addi %add3A_577, %add3A_758 : i32
      %dma_wait3A_760 = arith.constant 0 : i32
      %dma_wait3A_761 = arith.constant 0 : i32
      %dma_wait3A_762 = tpu.memref_slice %arg10[%dma_wait3A_760, %dma_wait3A_761] : memref<3x80xi32, #tpu.memory_space<vmem>> -> memref<1x80xi32, #tpu.memory_space<vmem>>
      %dma_wait3A_763 = tpu.memref_squeeze %dma_wait3A_762 : memref<1x80xi32, #tpu.memory_space<vmem>> -> memref<80xi32, #tpu.memory_space<vmem>>
      %dma_wait3A_764 = arith.constant 0 : i32
      %dma_wait3A_765 = arith.constant 0 : i32
      %dma_wait3A_766 = tpu.memref_slice %arg7[%dma_wait3A_764, %dma_wait3A_765] : memref<10000x128xf32, #tpu.memory_space<vmem_shared>> -> memref<10000x128xf32, #tpu.memory_space<vmem_shared>>
      tpu.wait_indirect_dma semaphore(%arg20 : memref<!tpu.dma_semaphore, #tpu.memory_space<semaphore_mem>>) src(%arg11 : memref<80x128xf32, #tpu.memory_space<vmem>>) dst(%dma_wait3A_766 : memref<10000x128xf32, #tpu.memory_space<vmem_shared>>)
      %dma_wait3A_767 = arith.constant 0 : i32
      %dma_wait3A_768 = arith.constant 0 : i32
      %dma_wait3A_769 = tpu.memref_slice %arg3[%dma_wait3A_767, %dma_wait3A_768] : memref<3x320000xi32, #tpu.memory_space<hbm>> -> memref<3x80xi32, #tpu.memory_space<hbm>>
      %dma_wait3A_770 = arith.constant 0 : i32
      %dma_wait3A_771 = arith.constant 0 : i32
      %dma_wait3A_772 = tpu.memref_slice %arg3[%dma_wait3A_770, %dma_wait3A_771] : memref<3x320000xi32, #tpu.memory_space<hbm>> -> memref<3x80xi32, #tpu.memory_space<hbm>>
      tpu.wait_dma2 semaphore(%arg16 : memref<!tpu.dma_semaphore, #tpu.memory_space<semaphore_mem>>) src(%dma_wait3A_772 : memref<3x80xi32, #tpu.memory_space<hbm>>) dst(%arg9 : memref<3x80xi32, #tpu.memory_space<vmem>>)
      %dma_start3A_773 = arith.constant 1 : i32
      %dma_start3A_774 = arith.constant 0 : i32
      %dma_start3A_775 = tpu.memref_slice %arg9[%dma_start3A_773, %dma_start3A_774] : memref<3x80xi32, #tpu.memory_space<vmem>> -> memref<1x80xi32, #tpu.memory_space<vmem>>
      %dma_start3A_776 = tpu.memref_squeeze %dma_start3A_775 : memref<1x80xi32, #tpu.memory_space<vmem>> -> memref<80xi32, #tpu.memory_space<vmem>>
      %dma_start3A_777 = arith.constant 0 : i32
      %dma_start3A_778 = arith.constant 0 : i32
      %dma_start3A_779 = tpu.memref_slice %arg2[%dma_start3A_777, %dma_start3A_778] : memref<10000x128xf32, #tpu.memory_space<hbm>> -> memref<10000x128xf32, #tpu.memory_space<hbm>>
      tpu.enqueue_indirect_dma source(%dma_start3A_779 : memref<10000x128xf32, #tpu.memory_space<hbm>>) target(%arg11 : memref<80x128xf32, #tpu.memory_space<vmem>>) offsets(%dma_start3A_776 : memref<80xi32, #tpu.memory_space<vmem>>) semaphore(%arg18 : memref<!tpu.dma_semaphore, #tpu.memory_space<semaphore_mem>>)
      %dma_wait3A_780 = arith.constant 1 : i32
      %dma_wait3A_781 = arith.constant 0 : i32
      %dma_wait3A_782 = tpu.memref_slice %arg8[%dma_wait3A_780, %dma_wait3A_781] : memref<3x80xi32, #tpu.memory_space<vmem>> -> memref<1x80xi32, #tpu.memory_space<vmem>>
      %dma_wait3A_783 = tpu.memref_squeeze %dma_wait3A_782 : memref<1x80xi32, #tpu.memory_space<vmem>> -> memref<80xi32, #tpu.memory_space<vmem>>
      %dma_wait3A_784 = arith.constant 0 : i32
      %dma_wait3A_785 = arith.constant 0 : i32
      %dma_wait3A_786 = tpu.memref_slice %arg2[%dma_wait3A_784, %dma_wait3A_785] : memref<10000x128xf32, #tpu.memory_space<hbm>> -> memref<10000x128xf32, #tpu.memory_space<hbm>>
      tpu.wait_indirect_dma semaphore(%arg19 : memref<!tpu.dma_semaphore, #tpu.memory_space<semaphore_mem>>) src(%dma_wait3A_786 : memref<10000x128xf32, #tpu.memory_space<hbm>>) dst(%arg12 : memref<80x128xf32, #tpu.memory_space<vmem>>)
      %dma_start3A_787 = arith.constant 0 : i32
      %dma_start3A_788 = arith.constant 0 : i32
      %dma_start3A_789 = tpu.memref_slice %arg8[%dma_start3A_787, %dma_start3A_788] : memref<3x80xi32, #tpu.memory_space<vmem>> -> memref<1x80xi32, #tpu.memory_space<vmem>>
      %dma_start3A_790 = tpu.memref_squeeze %dma_start3A_789 : memref<1x80xi32, #tpu.memory_space<vmem>> -> memref<80xi32, #tpu.memory_space<vmem>>
      %dma_start3A_791 = arith.constant 0 : i32
      %dma_start3A_792 = arith.constant 0 : i32
      %dma_start3A_793 = tpu.memref_slice %arg7[%dma_start3A_791, %dma_start3A_792] : memref<10000x128xf32, #tpu.memory_space<vmem_shared>> -> memref<10000x128xf32, #tpu.memory_space<vmem_shared>>
      tpu.enqueue_indirect_dma source(%arg12 : memref<80x128xf32, #tpu.memory_space<vmem>>) target(%dma_start3A_793 : memref<10000x128xf32, #tpu.memory_space<vmem_shared>>) offsets(%dma_start3A_790 : memref<80xi32, #tpu.memory_space<vmem>>) semaphore(%arg21 : memref<!tpu.dma_semaphore, #tpu.memory_space<semaphore_mem>>) {add = true}
      %get3A_794 = arith.constant 0 : i32
      %get3A_795 = arith.index_cast %get3A_794 : i32 to index
      %get3A_796 = arith.constant 0 : index
      %get3A_797 = tpu.vector_load %arg8[%get3A_795, %get3A_796] {strides = array<i32>} : memref<3x80xi32, #tpu.memory_space<vmem>>, vector<16xi32>,
      %get3A_798 = arith.constant 2 : i32
      %get3A_799 = arith.index_cast %get3A_798 : i32 to index
      %get3A_800 = arith.constant 0 : index
      %get3A_801 = tpu.vector_load %arg8[%get3A_799, %get3A_800] {strides = array<i32>} : memref<3x80xi32, #tpu.memory_space<vmem>>, vector<16xi32>,
      %bitcast3A_802 = vector.bitcast %get3A_801 : vector<16xi32> to vector<16xf32>
      tpu.vector_store_idx %arg13[%get3A_797], %bitcast3A_802 {add = true} : memref<10000xf32, #tpu.memory_space<vmem>>[vector<16xi32>], vector<16xf32>,
      tpu.vector_store_idx %arg14[%get3A_797], %broadcast_in_dim3A_5 {add = true} : memref<10000xf32, #tpu.memory_space<vmem>>[vector<16xi32>], vector<16xf32>,
      %get3A_803 = arith.constant 0 : i32
      %get3A_804 = arith.index_cast %get3A_803 : i32 to index
      %get3A_805 = arith.constant 16 : index
      %get3A_806 = tpu.vector_load %arg8[%get3A_804, %get3A_805] {strides = array<i32>} : memref<3x80xi32, #tpu.memory_space<vmem>>, vector<16xi32>,
      %get3A_807 = arith.constant 2 : i32
      %get3A_808 = arith.index_cast %get3A_807 : i32 to index
      %get3A_809 = arith.constant 16 : index
      %get3A_810 = tpu.vector_load %arg8[%get3A_808, %get3A_809] {strides = array<i32>} : memref<3x80xi32, #tpu.memory_space<vmem>>, vector<16xi32>,
      %bitcast3A_811 = vector.bitcast %get3A_810 : vector<16xi32> to vector<16xf32>
      tpu.vector_store_idx %arg13[%get3A_806], %bitcast3A_811 {add = true} : memref<10000xf32, #tpu.memory_space<vmem>>[vector<16xi32>], vector<16xf32>,
      tpu.vector_store_idx %arg14[%get3A_806], %broadcast_in_dim3A_5 {add = true} : memref<10000xf32, #tpu.memory_space<vmem>>[vector<16xi32>], vector<16xf32>,
      %get3A_812 = arith.constant 0 : i32
      %get3A_813 = arith.index_cast %get3A_812 : i32 to index
      %get3A_814 = arith.constant 32 : index
      %get3A_815 = tpu.vector_load %arg8[%get3A_813, %get3A_814] {strides = array<i32>} : memref<3x80xi32, #tpu.memory_space<vmem>>, vector<16xi32>,
      %get3A_816 = arith.constant 2 : i32
      %get3A_817 = arith.index_cast %get3A_816 : i32 to index
      %get3A_818 = arith.constant 32 : index
      %get3A_819 = tpu.vector_load %arg8[%get3A_817, %get3A_818] {strides = array<i32>} : memref<3x80xi32, #tpu.memory_space<vmem>>, vector<16xi32>,
      %bitcast3A_820 = vector.bitcast %get3A_819 : vector<16xi32> to vector<16xf32>
      tpu.vector_store_idx %arg13[%get3A_815], %bitcast3A_820 {add = true} : memref<10000xf32, #tpu.memory_space<vmem>>[vector<16xi32>], vector<16xf32>,
      tpu.vector_store_idx %arg14[%get3A_815], %broadcast_in_dim3A_5 {add = true} : memref<10000xf32, #tpu.memory_space<vmem>>[vector<16xi32>], vector<16xf32>,
      %get3A_821 = arith.constant 0 : i32
      %get3A_822 = arith.index_cast %get3A_821 : i32 to index
      %get3A_823 = arith.constant 48 : index
      %get3A_824 = tpu.vector_load %arg8[%get3A_822, %get3A_823] {strides = array<i32>} : memref<3x80xi32, #tpu.memory_space<vmem>>, vector<16xi32>,
      %get3A_825 = arith.constant 2 : i32
      %get3A_826 = arith.index_cast %get3A_825 : i32 to index
      %get3A_827 = arith.constant 48 : index
      %get3A_828 = tpu.vector_load %arg8[%get3A_826, %get3A_827] {strides = array<i32>} : memref<3x80xi32, #tpu.memory_space<vmem>>, vector<16xi32>,
      %bitcast3A_829 = vector.bitcast %get3A_828 : vector<16xi32> to vector<16xf32>
      tpu.vector_store_idx %arg13[%get3A_824], %bitcast3A_829 {add = true} : memref<10000xf32, #tpu.memory_space<vmem>>[vector<16xi32>], vector<16xf32>,
      tpu.vector_store_idx %arg14[%get3A_824], %broadcast_in_dim3A_5 {add = true} : memref<10000xf32, #tpu.memory_space<vmem>>[vector<16xi32>], vector<16xf32>,
      %get3A_830 = arith.constant 0 : i32
      %get3A_831 = arith.index_cast %get3A_830 : i32 to index
      %get3A_832 = arith.constant 64 : index
      %get3A_833 = tpu.vector_load %arg8[%get3A_831, %get3A_832] {strides = array<i32>} : memref<3x80xi32, #tpu.memory_space<vmem>>, vector<16xi32>,
      %get3A_834 = arith.constant 2 : i32
      %get3A_835 = arith.index_cast %get3A_834 : i32 to index
      %get3A_836 = arith.constant 64 : index
      %get3A_837 = tpu.vector_load %arg8[%get3A_835, %get3A_836] {strides = array<i32>} : memref<3x80xi32, #tpu.memory_space<vmem>>, vector<16xi32>,
      %bitcast3A_838 = vector.bitcast %get3A_837 : vector<16xi32> to vector<16xf32>
      tpu.vector_store_idx %arg13[%get3A_833], %bitcast3A_838 {add = true} : memref<10000xf32, #tpu.memory_space<vmem>>[vector<16xi32>], vector<16xf32>,
      tpu.vector_store_idx %arg14[%get3A_833], %broadcast_in_dim3A_5 {add = true} : memref<10000xf32, #tpu.memory_space<vmem>>[vector<16xi32>], vector<16xf32>,
      %add3A_839 = arith.constant 2 : i32
      %add3A_840 = arith.addi %add3A_759, %add3A_839 : i32
      %mul3A_841 = arith.constant 80 : i32
      %mul3A_842 = arith.muli %add3A_840, %mul3A_841 : i32
      %add3A_843 = arith.addi %mul3A_2, %mul3A_842 : i32
      %dma_start3A_844 = arith.constant 0 : i32
      %dma_start3A_845 = tpu.memref_slice %arg3[%dma_start3A_844, %add3A_843] : memref<3x320000xi32, #tpu.memory_space<hbm>> -> memref<3x80xi32, #tpu.memory_space<hbm>>
      %dma_start3A_846 = arith.constant 0 : i32
      %dma_start3A_847 = tpu.memref_slice %arg3[%dma_start3A_846, %add3A_843] : memref<3x320000xi32, #tpu.memory_space<hbm>> -> memref<3x80xi32, #tpu.memory_space<hbm>>
      tpu.enqueue_dma source(%dma_start3A_847 : memref<3x80xi32, #tpu.memory_space<hbm>>) target(%arg10 : memref<3x80xi32, #tpu.memory_space<vmem>>) target_semaphore(%arg17 : memref<!tpu.dma_semaphore, #tpu.memory_space<semaphore_mem>>)
      %add3A_848 = arith.constant 3 : i32
      %add3A_849 = arith.addi %add3A_577, %add3A_848 : i32
      %dma_wait3A_850 = arith.constant 0 : i32
      %dma_wait3A_851 = arith.constant 0 : i32
      %dma_wait3A_852 = tpu.memref_slice %arg8[%dma_wait3A_850, %dma_wait3A_851] : memref<3x80xi32, #tpu.memory_space<vmem>> -> memref<1x80xi32, #tpu.memory_space<vmem>>
      %dma_wait3A_853 = tpu.memref_squeeze %dma_wait3A_852 : memref<1x80xi32, #tpu.memory_space<vmem>> -> memref<80xi32, #tpu.memory_space<vmem>>
      %dma_wait3A_854 = arith.constant 0 : i32
      %dma_wait3A_855 = arith.constant 0 : i32
      %dma_wait3A_856 = tpu.memref_slice %arg7[%dma_wait3A_854, %dma_wait3A_855] : memref<10000x128xf32, #tpu.memory_space<vmem_shared>> -> memref<10000x128xf32, #tpu.memory_space<vmem_shared>>
      tpu.wait_indirect_dma semaphore(%arg21 : memref<!tpu.dma_semaphore, #tpu.memory_space<semaphore_mem>>) src(%arg12 : memref<80x128xf32, #tpu.memory_space<vmem>>) dst(%dma_wait3A_856 : memref<10000x128xf32, #tpu.memory_space<vmem_shared>>)
      %dma_wait3A_857 = arith.constant 0 : i32
      %dma_wait3A_858 = arith.constant 0 : i32
      %dma_wait3A_859 = tpu.memref_slice %arg3[%dma_wait3A_857, %dma_wait3A_858] : memref<3x320000xi32, #tpu.memory_space<hbm>> -> memref<3x80xi32, #tpu.memory_space<hbm>>
      %dma_wait3A_860 = arith.constant 0 : i32
      %dma_wait3A_861 = arith.constant 0 : i32
      %dma_wait3A_862 = tpu.memref_slice %arg3[%dma_wait3A_860, %dma_wait3A_861] : memref<3x320000xi32, #tpu.memory_space<hbm>> -> memref<3x80xi32, #tpu.memory_space<hbm>>
      tpu.wait_dma2 semaphore(%arg17 : memref<!tpu.dma_semaphore, #tpu.memory_space<semaphore_mem>>) src(%dma_wait3A_862 : memref<3x80xi32, #tpu.memory_space<hbm>>) dst(%arg10 : memref<3x80xi32, #tpu.memory_space<vmem>>)
      %dma_start3A_863 = arith.constant 1 : i32
      %dma_start3A_864 = arith.constant 0 : i32
      %dma_start3A_865 = tpu.memref_slice %arg10[%dma_start3A_863, %dma_start3A_864] : memref<3x80xi32, #tpu.memory_space<vmem>> -> memref<1x80xi32, #tpu.memory_space<vmem>>
      %dma_start3A_866 = tpu.memref_squeeze %dma_start3A_865 : memref<1x80xi32, #tpu.memory_space<vmem>> -> memref<80xi32, #tpu.memory_space<vmem>>
      %dma_start3A_867 = arith.constant 0 : i32
      %dma_start3A_868 = arith.constant 0 : i32
      %dma_start3A_869 = tpu.memref_slice %arg2[%dma_start3A_867, %dma_start3A_868] : memref<10000x128xf32, #tpu.memory_space<hbm>> -> memref<10000x128xf32, #tpu.memory_space<hbm>>
      tpu.enqueue_indirect_dma source(%dma_start3A_869 : memref<10000x128xf32, #tpu.memory_space<hbm>>) target(%arg12 : memref<80x128xf32, #tpu.memory_space<vmem>>) offsets(%dma_start3A_866 : memref<80xi32, #tpu.memory_space<vmem>>) semaphore(%arg19 : memref<!tpu.dma_semaphore, #tpu.memory_space<semaphore_mem>>)
      %dma_wait3A_870 = arith.constant 1 : i32
      %dma_wait3A_871 = arith.constant 0 : i32
      %dma_wait3A_872 = tpu.memref_slice %arg9[%dma_wait3A_870, %dma_wait3A_871] : memref<3x80xi32, #tpu.memory_space<vmem>> -> memref<1x80xi32, #tpu.memory_space<vmem>>
      %dma_wait3A_873 = tpu.memref_squeeze %dma_wait3A_872 : memref<1x80xi32, #tpu.memory_space<vmem>> -> memref<80xi32, #tpu.memory_space<vmem>>
      %dma_wait3A_874 = arith.constant 0 : i32
      %dma_wait3A_875 = arith.constant 0 : i32
      %dma_wait3A_876 = tpu.memref_slice %arg2[%dma_wait3A_874, %dma_wait3A_875] : memref<10000x128xf32, #tpu.memory_space<hbm>> -> memref<10000x128xf32, #tpu.memory_space<hbm>>
      tpu.wait_indirect_dma semaphore(%arg18 : memref<!tpu.dma_semaphore, #tpu.memory_space<semaphore_mem>>) src(%dma_wait3A_876 : memref<10000x128xf32, #tpu.memory_space<hbm>>) dst(%arg11 : memref<80x128xf32, #tpu.memory_space<vmem>>)
      %dma_start3A_877 = arith.constant 0 : i32
      %dma_start3A_878 = arith.constant 0 : i32
      %dma_start3A_879 = tpu.memref_slice %arg9[%dma_start3A_877, %dma_start3A_878] : memref<3x80xi32, #tpu.memory_space<vmem>> -> memref<1x80xi32, #tpu.memory_space<vmem>>
      %dma_start3A_880 = tpu.memref_squeeze %dma_start3A_879 : memref<1x80xi32, #tpu.memory_space<vmem>> -> memref<80xi32, #tpu.memory_space<vmem>>
      %dma_start3A_881 = arith.constant 0 : i32
      %dma_start3A_882 = arith.constant 0 : i32
      %dma_start3A_883 = tpu.memref_slice %arg7[%dma_start3A_881, %dma_start3A_882] : memref<10000x128xf32, #tpu.memory_space<vmem_shared>> -> memref<10000x128xf32, #tpu.memory_space<vmem_shared>>
      tpu.enqueue_indirect_dma source(%arg11 : memref<80x128xf32, #tpu.memory_space<vmem>>) target(%dma_start3A_883 : memref<10000x128xf32, #tpu.memory_space<vmem_shared>>) offsets(%dma_start3A_880 : memref<80xi32, #tpu.memory_space<vmem>>) semaphore(%arg20 : memref<!tpu.dma_semaphore, #tpu.memory_space<semaphore_mem>>) {add = true}
      %get3A_884 = arith.constant 0 : i32
      %get3A_885 = arith.index_cast %get3A_884 : i32 to index
      %get3A_886 = arith.constant 0 : index
      %get3A_887 = tpu.vector_load %arg9[%get3A_885, %get3A_886] {strides = array<i32>} : memref<3x80xi32, #tpu.memory_space<vmem>>, vector<16xi32>,
      %get3A_888 = arith.constant 2 : i32
      %get3A_889 = arith.index_cast %get3A_888 : i32 to index
      %get3A_890 = arith.constant 0 : index
      %get3A_891 = tpu.vector_load %arg9[%get3A_889, %get3A_890] {strides = array<i32>} : memref<3x80xi32, #tpu.memory_space<vmem>>, vector<16xi32>,
      %bitcast3A_892 = vector.bitcast %get3A_891 : vector<16xi32> to vector<16xf32>
      tpu.vector_store_idx %arg13[%get3A_887], %bitcast3A_892 {add = true} : memref<10000xf32, #tpu.memory_space<vmem>>[vector<16xi32>], vector<16xf32>,
      tpu.vector_store_idx %arg14[%get3A_887], %broadcast_in_dim3A_5 {add = true} : memref<10000xf32, #tpu.memory_space<vmem>>[vector<16xi32>], vector<16xf32>,
      %get3A_893 = arith.constant 0 : i32
      %get3A_894 = arith.index_cast %get3A_893 : i32 to index
      %get3A_895 = arith.constant 16 : index
      %get3A_896 = tpu.vector_load %arg9[%get3A_894, %get3A_895] {strides = array<i32>} : memref<3x80xi32, #tpu.memory_space<vmem>>, vector<16xi32>,
      %get3A_897 = arith.constant 2 : i32
      %get3A_898 = arith.index_cast %get3A_897 : i32 to index
      %get3A_899 = arith.constant 16 : index
      %get3A_900 = tpu.vector_load %arg9[%get3A_898, %get3A_899] {strides = array<i32>} : memref<3x80xi32, #tpu.memory_space<vmem>>, vector<16xi32>,
      %bitcast3A_901 = vector.bitcast %get3A_900 : vector<16xi32> to vector<16xf32>
      tpu.vector_store_idx %arg13[%get3A_896], %bitcast3A_901 {add = true} : memref<10000xf32, #tpu.memory_space<vmem>>[vector<16xi32>], vector<16xf32>,
      tpu.vector_store_idx %arg14[%get3A_896], %broadcast_in_dim3A_5 {add = true} : memref<10000xf32, #tpu.memory_space<vmem>>[vector<16xi32>], vector<16xf32>,
      %get3A_902 = arith.constant 0 : i32
      %get3A_903 = arith.index_cast %get3A_902 : i32 to index
      %get3A_904 = arith.constant 32 : index
      %get3A_905 = tpu.vector_load %arg9[%get3A_903, %get3A_904] {strides = array<i32>} : memref<3x80xi32, #tpu.memory_space<vmem>>, vector<16xi32>,
      %get3A_906 = arith.constant 2 : i32
      %get3A_907 = arith.index_cast %get3A_906 : i32 to index
      %get3A_908 = arith.constant 32 : index
      %get3A_909 = tpu.vector_load %arg9[%get3A_907, %get3A_908] {strides = array<i32>} : memref<3x80xi32, #tpu.memory_space<vmem>>, vector<16xi32>,
      %bitcast3A_910 = vector.bitcast %get3A_909 : vector<16xi32> to vector<16xf32>
      tpu.vector_store_idx %arg13[%get3A_905], %bitcast3A_910 {add = true} : memref<10000xf32, #tpu.memory_space<vmem>>[vector<16xi32>], vector<16xf32>,
      tpu.vector_store_idx %arg14[%get3A_905], %broadcast_in_dim3A_5 {add = true} : memref<10000xf32, #tpu.memory_space<vmem>>[vector<16xi32>], vector<16xf32>,
      %get3A_911 = arith.constant 0 : i32
      %get3A_912 = arith.index_cast %get3A_911 : i32 to index
      %get3A_913 = arith.constant 48 : index
      %get3A_914 = tpu.vector_load %arg9[%get3A_912, %get3A_913] {strides = array<i32>} : memref<3x80xi32, #tpu.memory_space<vmem>>, vector<16xi32>,
      %get3A_915 = arith.constant 2 : i32
      %get3A_916 = arith.index_cast %get3A_915 : i32 to index
      %get3A_917 = arith.constant 48 : index
      %get3A_918 = tpu.vector_load %arg9[%get3A_916, %get3A_917] {strides = array<i32>} : memref<3x80xi32, #tpu.memory_space<vmem>>, vector<16xi32>,
      %bitcast3A_919 = vector.bitcast %get3A_918 : vector<16xi32> to vector<16xf32>
      tpu.vector_store_idx %arg13[%get3A_914], %bitcast3A_919 {add = true} : memref<10000xf32, #tpu.memory_space<vmem>>[vector<16xi32>], vector<16xf32>,
      tpu.vector_store_idx %arg14[%get3A_914], %broadcast_in_dim3A_5 {add = true} : memref<10000xf32, #tpu.memory_space<vmem>>[vector<16xi32>], vector<16xf32>,
      %get3A_920 = arith.constant 0 : i32
      %get3A_921 = arith.index_cast %get3A_920 : i32 to index
      %get3A_922 = arith.constant 64 : index
      %get3A_923 = tpu.vector_load %arg9[%get3A_921, %get3A_922] {strides = array<i32>} : memref<3x80xi32, #tpu.memory_space<vmem>>, vector<16xi32>,
      %get3A_924 = arith.constant 2 : i32
      %get3A_925 = arith.index_cast %get3A_924 : i32 to index
      %get3A_926 = arith.constant 64 : index
      %get3A_927 = tpu.vector_load %arg9[%get3A_925, %get3A_926] {strides = array<i32>} : memref<3x80xi32, #tpu.memory_space<vmem>>, vector<16xi32>,
      %bitcast3A_928 = vector.bitcast %get3A_927 : vector<16xi32> to vector<16xf32>
      tpu.vector_store_idx %arg13[%get3A_923], %bitcast3A_928 {add = true} : memref<10000xf32, #tpu.memory_space<vmem>>[vector<16xi32>], vector<16xf32>,
      tpu.vector_store_idx %arg14[%get3A_923], %broadcast_in_dim3A_5 {add = true} : memref<10000xf32, #tpu.memory_space<vmem>>[vector<16xi32>], vector<16xf32>,
      %add3A_929 = arith.constant 2 : i32
      %add3A_930 = arith.addi %add3A_849, %add3A_929 : i32
      %mul3A_931 = arith.constant 80 : i32
      %mul3A_932 = arith.muli %add3A_930, %mul3A_931 : i32
      %add3A_933 = arith.addi %mul3A_2, %mul3A_932 : i32
      %dma_start3A_934 = arith.constant 0 : i32
      %dma_start3A_935 = tpu.memref_slice %arg3[%dma_start3A_934, %add3A_933] : memref<3x320000xi32, #tpu.memory_space<hbm>> -> memref<3x80xi32, #tpu.memory_space<hbm>>
      %dma_start3A_936 = arith.constant 0 : i32
      %dma_start3A_937 = tpu.memref_slice %arg3[%dma_start3A_936, %add3A_933] : memref<3x320000xi32, #tpu.memory_space<hbm>> -> memref<3x80xi32, #tpu.memory_space<hbm>>
      tpu.enqueue_dma source(%dma_start3A_937 : memref<3x80xi32, #tpu.memory_space<hbm>>) target(%arg8 : memref<3x80xi32, #tpu.memory_space<vmem>>) target_semaphore(%arg15 : memref<!tpu.dma_semaphore, #tpu.memory_space<semaphore_mem>>)
      %add3A_938 = arith.constant 4 : i32
      %add3A_939 = arith.addi %add3A_577, %add3A_938 : i32
      %dma_wait3A_940 = arith.constant 0 : i32
      %dma_wait3A_941 = arith.constant 0 : i32
      %dma_wait3A_942 = tpu.memref_slice %arg9[%dma_wait3A_940, %dma_wait3A_941] : memref<3x80xi32, #tpu.memory_space<vmem>> -> memref<1x80xi32, #tpu.memory_space<vmem>>
      %dma_wait3A_943 = tpu.memref_squeeze %dma_wait3A_942 : memref<1x80xi32, #tpu.memory_space<vmem>> -> memref<80xi32, #tpu.memory_space<vmem>>
      %dma_wait3A_944 = arith.constant 0 : i32
      %dma_wait3A_945 = arith.constant 0 : i32
      %dma_wait3A_946 = tpu.memref_slice %arg7[%dma_wait3A_944, %dma_wait3A_945] : memref<10000x128xf32, #tpu.memory_space<vmem_shared>> -> memref<10000x128xf32, #tpu.memory_space<vmem_shared>>
      tpu.wait_indirect_dma semaphore(%arg20 : memref<!tpu.dma_semaphore, #tpu.memory_space<semaphore_mem>>) src(%arg11 : memref<80x128xf32, #tpu.memory_space<vmem>>) dst(%dma_wait3A_946 : memref<10000x128xf32, #tpu.memory_space<vmem_shared>>)
      %dma_wait3A_947 = arith.constant 0 : i32
      %dma_wait3A_948 = arith.constant 0 : i32
      %dma_wait3A_949 = tpu.memref_slice %arg3[%dma_wait3A_947, %dma_wait3A_948] : memref<3x320000xi32, #tpu.memory_space<hbm>> -> memref<3x80xi32, #tpu.memory_space<hbm>>
      %dma_wait3A_950 = arith.constant 0 : i32
      %dma_wait3A_951 = arith.constant 0 : i32
      %dma_wait3A_952 = tpu.memref_slice %arg3[%dma_wait3A_950, %dma_wait3A_951] : memref<3x320000xi32, #tpu.memory_space<hbm>> -> memref<3x80xi32, #tpu.memory_space<hbm>>
      tpu.wait_dma2 semaphore(%arg15 : memref<!tpu.dma_semaphore, #tpu.memory_space<semaphore_mem>>) src(%dma_wait3A_952 : memref<3x80xi32, #tpu.memory_space<hbm>>) dst(%arg8 : memref<3x80xi32, #tpu.memory_space<vmem>>)
      %dma_start3A_953 = arith.constant 1 : i32
      %dma_start3A_954 = arith.constant 0 : i32
      %dma_start3A_955 = tpu.memref_slice %arg8[%dma_start3A_953, %dma_start3A_954] : memref<3x80xi32, #tpu.memory_space<vmem>> -> memref<1x80xi32, #tpu.memory_space<vmem>>
      %dma_start3A_956 = tpu.memref_squeeze %dma_start3A_955 : memref<1x80xi32, #tpu.memory_space<vmem>> -> memref<80xi32, #tpu.memory_space<vmem>>
      %dma_start3A_957 = arith.constant 0 : i32
      %dma_start3A_958 = arith.constant 0 : i32
      %dma_start3A_959 = tpu.memref_slice %arg2[%dma_start3A_957, %dma_start3A_958] : memref<10000x128xf32, #tpu.memory_space<hbm>> -> memref<10000x128xf32, #tpu.memory_space<hbm>>
      tpu.enqueue_indirect_dma source(%dma_start3A_959 : memref<10000x128xf32, #tpu.memory_space<hbm>>) target(%arg11 : memref<80x128xf32, #tpu.memory_space<vmem>>) offsets(%dma_start3A_956 : memref<80xi32, #tpu.memory_space<vmem>>) semaphore(%arg18 : memref<!tpu.dma_semaphore, #tpu.memory_space<semaphore_mem>>)
      %dma_wait3A_960 = arith.constant 1 : i32
      %dma_wait3A_961 = arith.constant 0 : i32
      %dma_wait3A_962 = tpu.memref_slice %arg10[%dma_wait3A_960, %dma_wait3A_961] : memref<3x80xi32, #tpu.memory_space<vmem>> -> memref<1x80xi32, #tpu.memory_space<vmem>>
      %dma_wait3A_963 = tpu.memref_squeeze %dma_wait3A_962 : memref<1x80xi32, #tpu.memory_space<vmem>> -> memref<80xi32, #tpu.memory_space<vmem>>
      %dma_wait3A_964 = arith.constant 0 : i32
      %dma_wait3A_965 = arith.constant 0 : i32
      %dma_wait3A_966 = tpu.memref_slice %arg2[%dma_wait3A_964, %dma_wait3A_965] : memref<10000x128xf32, #tpu.memory_space<hbm>> -> memref<10000x128xf32, #tpu.memory_space<hbm>>
      tpu.wait_indirect_dma semaphore(%arg19 : memref<!tpu.dma_semaphore, #tpu.memory_space<semaphore_mem>>) src(%dma_wait3A_966 : memref<10000x128xf32, #tpu.memory_space<hbm>>) dst(%arg12 : memref<80x128xf32, #tpu.memory_space<vmem>>)
      %dma_start3A_967 = arith.constant 0 : i32
      %dma_start3A_968 = arith.constant 0 : i32
      %dma_start3A_969 = tpu.memref_slice %arg10[%dma_start3A_967, %dma_start3A_968] : memref<3x80xi32, #tpu.memory_space<vmem>> -> memref<1x80xi32, #tpu.memory_space<vmem>>
      %dma_start3A_970 = tpu.memref_squeeze %dma_start3A_969 : memref<1x80xi32, #tpu.memory_space<vmem>> -> memref<80xi32, #tpu.memory_space<vmem>>
      %dma_start3A_971 = arith.constant 0 : i32
      %dma_start3A_972 = arith.constant 0 : i32
      %dma_start3A_973 = tpu.memref_slice %arg7[%dma_start3A_971, %dma_start3A_972] : memref<10000x128xf32, #tpu.memory_space<vmem_shared>> -> memref<10000x128xf32, #tpu.memory_space<vmem_shared>>
      tpu.enqueue_indirect_dma source(%arg12 : memref<80x128xf32, #tpu.memory_space<vmem>>) target(%dma_start3A_973 : memref<10000x128xf32, #tpu.memory_space<vmem_shared>>) offsets(%dma_start3A_970 : memref<80xi32, #tpu.memory_space<vmem>>) semaphore(%arg21 : memref<!tpu.dma_semaphore, #tpu.memory_space<semaphore_mem>>) {add = true}
      %get3A_974 = arith.constant 0 : i32
      %get3A_975 = arith.index_cast %get3A_974 : i32 to index
      %get3A_976 = arith.constant 0 : index
      %get3A_977 = tpu.vector_load %arg10[%get3A_975, %get3A_976] {strides = array<i32>} : memref<3x80xi32, #tpu.memory_space<vmem>>, vector<16xi32>,
      %get3A_978 = arith.constant 2 : i32
      %get3A_979 = arith.index_cast %get3A_978 : i32 to index
      %get3A_980 = arith.constant 0 : index
      %get3A_981 = tpu.vector_load %arg10[%get3A_979, %get3A_980] {strides = array<i32>} : memref<3x80xi32, #tpu.memory_space<vmem>>, vector<16xi32>,
      %bitcast3A_982 = vector.bitcast %get3A_981 : vector<16xi32> to vector<16xf32>
      tpu.vector_store_idx %arg13[%get3A_977], %bitcast3A_982 {add = true} : memref<10000xf32, #tpu.memory_space<vmem>>[vector<16xi32>], vector<16xf32>,
      tpu.vector_store_idx %arg14[%get3A_977], %broadcast_in_dim3A_5 {add = true} : memref<10000xf32, #tpu.memory_space<vmem>>[vector<16xi32>], vector<16xf32>,
      %get3A_983 = arith.constant 0 : i32
      %get3A_984 = arith.index_cast %get3A_983 : i32 to index
      %get3A_985 = arith.constant 16 : index
      %get3A_986 = tpu.vector_load %arg10[%get3A_984, %get3A_985] {strides = array<i32>} : memref<3x80xi32, #tpu.memory_space<vmem>>, vector<16xi32>,
      %get3A_987 = arith.constant 2 : i32
      %get3A_988 = arith.index_cast %get3A_987 : i32 to index
      %get3A_989 = arith.constant 16 : index
      %get3A_990 = tpu.vector_load %arg10[%get3A_988, %get3A_989] {strides = array<i32>} : memref<3x80xi32, #tpu.memory_space<vmem>>, vector<16xi32>,
      %bitcast3A_991 = vector.bitcast %get3A_990 : vector<16xi32> to vector<16xf32>
      tpu.vector_store_idx %arg13[%get3A_986], %bitcast3A_991 {add = true} : memref<10000xf32, #tpu.memory_space<vmem>>[vector<16xi32>], vector<16xf32>,
      tpu.vector_store_idx %arg14[%get3A_986], %broadcast_in_dim3A_5 {add = true} : memref<10000xf32, #tpu.memory_space<vmem>>[vector<16xi32>], vector<16xf32>,
      %get3A_992 = arith.constant 0 : i32
      %get3A_993 = arith.index_cast %get3A_992 : i32 to index
      %get3A_994 = arith.constant 32 : index
      %get3A_995 = tpu.vector_load %arg10[%get3A_993, %get3A_994] {strides = array<i32>} : memref<3x80xi32, #tpu.memory_space<vmem>>, vector<16xi32>,
      %get3A_996 = arith.constant 2 : i32
      %get3A_997 = arith.index_cast %get3A_996 : i32 to index
      %get3A_998 = arith.constant 32 : index
      %get3A_999 = tpu.vector_load %arg10[%get3A_997, %get3A_998] {strides = array<i32>} : memref<3x80xi32, #tpu.memory_space<vmem>>, vector<16xi32>,
      %bitcast3A_1000 = vector.bitcast %get3A_999 : vector<16xi32> to vector<16xf32>
      tpu.vector_store_idx %arg13[%get3A_995], %bitcast3A_1000 {add = true} : memref<10000xf32, #tpu.memory_space<vmem>>[vector<16xi32>], vector<16xf32>,
      tpu.vector_store_idx %arg14[%get3A_995], %broadcast_in_dim3A_5 {add = true} : memref<10000xf32, #tpu.memory_space<vmem>>[vector<16xi32>], vector<16xf32>,
      %get3A_1001 = arith.constant 0 : i32
      %get3A_1002 = arith.index_cast %get3A_1001 : i32 to index
      %get3A_1003 = arith.constant 48 : index
      %get3A_1004 = tpu.vector_load %arg10[%get3A_1002, %get3A_1003] {strides = array<i32>} : memref<3x80xi32, #tpu.memory_space<vmem>>, vector<16xi32>,
      %get3A_1005 = arith.constant 2 : i32
      %get3A_1006 = arith.index_cast %get3A_1005 : i32 to index
      %get3A_1007 = arith.constant 48 : index
      %get3A_1008 = tpu.vector_load %arg10[%get3A_1006, %get3A_1007] {strides = array<i32>} : memref<3x80xi32, #tpu.memory_space<vmem>>, vector<16xi32>,
      %bitcast3A_1009 = vector.bitcast %get3A_1008 : vector<16xi32> to vector<16xf32>
      tpu.vector_store_idx %arg13[%get3A_1004], %bitcast3A_1009 {add = true} : memref<10000xf32, #tpu.memory_space<vmem>>[vector<16xi32>], vector<16xf32>,
      tpu.vector_store_idx %arg14[%get3A_1004], %broadcast_in_dim3A_5 {add = true} : memref<10000xf32, #tpu.memory_space<vmem>>[vector<16xi32>], vector<16xf32>,
      %get3A_1010 = arith.constant 0 : i32
      %get3A_1011 = arith.index_cast %get3A_1010 : i32 to index
      %get3A_1012 = arith.constant 64 : index
      %get3A_1013 = tpu.vector_load %arg10[%get3A_1011, %get3A_1012] {strides = array<i32>} : memref<3x80xi32, #tpu.memory_space<vmem>>, vector<16xi32>,
      %get3A_1014 = arith.constant 2 : i32
      %get3A_1015 = arith.index_cast %get3A_1014 : i32 to index
      %get3A_1016 = arith.constant 64 : index
      %get3A_1017 = tpu.vector_load %arg10[%get3A_1015, %get3A_1016] {strides = array<i32>} : memref<3x80xi32, #tpu.memory_space<vmem>>, vector<16xi32>,
      %bitcast3A_1018 = vector.bitcast %get3A_1017 : vector<16xi32> to vector<16xf32>
      tpu.vector_store_idx %arg13[%get3A_1013], %bitcast3A_1018 {add = true} : memref<10000xf32, #tpu.memory_space<vmem>>[vector<16xi32>], vector<16xf32>,
      tpu.vector_store_idx %arg14[%get3A_1013], %broadcast_in_dim3A_5 {add = true} : memref<10000xf32, #tpu.memory_space<vmem>>[vector<16xi32>], vector<16xf32>,
      %add3A_1019 = arith.constant 2 : i32
      %add3A_1020 = arith.addi %add3A_939, %add3A_1019 : i32
      %mul3A_1021 = arith.constant 80 : i32
      %mul3A_1022 = arith.muli %add3A_1020, %mul3A_1021 : i32
      %add3A_1023 = arith.addi %mul3A_2, %mul3A_1022 : i32
      %dma_start3A_1024 = arith.constant 0 : i32
      %dma_start3A_1025 = tpu.memref_slice %arg3[%dma_start3A_1024, %add3A_1023] : memref<3x320000xi32, #tpu.memory_space<hbm>> -> memref<3x80xi32, #tpu.memory_space<hbm>>
      %dma_start3A_1026 = arith.constant 0 : i32
      %dma_start3A_1027 = tpu.memref_slice %arg3[%dma_start3A_1026, %add3A_1023] : memref<3x320000xi32, #tpu.memory_space<hbm>> -> memref<3x80xi32, #tpu.memory_space<hbm>>
      tpu.enqueue_dma source(%dma_start3A_1027 : memref<3x80xi32, #tpu.memory_space<hbm>>) target(%arg9 : memref<3x80xi32, #tpu.memory_space<vmem>>) target_semaphore(%arg16 : memref<!tpu.dma_semaphore, #tpu.memory_space<semaphore_mem>>)
      %add3A_1028 = arith.constant 5 : i32
      %add3A_1029 = arith.addi %add3A_577, %add3A_1028 : i32
      %dma_wait3A_1030 = arith.constant 0 : i32
      %dma_wait3A_1031 = arith.constant 0 : i32
      %dma_wait3A_1032 = tpu.memref_slice %arg10[%dma_wait3A_1030, %dma_wait3A_1031] : memref<3x80xi32, #tpu.memory_space<vmem>> -> memref<1x80xi32, #tpu.memory_space<vmem>>
      %dma_wait3A_1033 = tpu.memref_squeeze %dma_wait3A_1032 : memref<1x80xi32, #tpu.memory_space<vmem>> -> memref<80xi32, #tpu.memory_space<vmem>>
      %dma_wait3A_1034 = arith.constant 0 : i32
      %dma_wait3A_1035 = arith.constant 0 : i32
      %dma_wait3A_1036 = tpu.memref_slice %arg7[%dma_wait3A_1034, %dma_wait3A_1035] : memref<10000x128xf32, #tpu.memory_space<vmem_shared>> -> memref<10000x128xf32, #tpu.memory_space<vmem_shared>>
      tpu.wait_indirect_dma semaphore(%arg21 : memref<!tpu.dma_semaphore, #tpu.memory_space<semaphore_mem>>) src(%arg12 : memref<80x128xf32, #tpu.memory_space<vmem>>) dst(%dma_wait3A_1036 : memref<10000x128xf32, #tpu.memory_space<vmem_shared>>)
      %dma_wait3A_1037 = arith.constant 0 : i32
      %dma_wait3A_1038 = arith.constant 0 : i32
      %dma_wait3A_1039 = tpu.memref_slice %arg3[%dma_wait3A_1037, %dma_wait3A_1038] : memref<3x320000xi32, #tpu.memory_space<hbm>> -> memref<3x80xi32, #tpu.memory_space<hbm>>
      %dma_wait3A_1040 = arith.constant 0 : i32
      %dma_wait3A_1041 = arith.constant 0 : i32
      %dma_wait3A_1042 = tpu.memref_slice %arg3[%dma_wait3A_1040, %dma_wait3A_1041] : memref<3x320000xi32, #tpu.memory_space<hbm>> -> memref<3x80xi32, #tpu.memory_space<hbm>>
      tpu.wait_dma2 semaphore(%arg16 : memref<!tpu.dma_semaphore, #tpu.memory_space<semaphore_mem>>) src(%dma_wait3A_1042 : memref<3x80xi32, #tpu.memory_space<hbm>>) dst(%arg9 : memref<3x80xi32, #tpu.memory_space<vmem>>)
      %dma_start3A_1043 = arith.constant 1 : i32
      %dma_start3A_1044 = arith.constant 0 : i32
      %dma_start3A_1045 = tpu.memref_slice %arg9[%dma_start3A_1043, %dma_start3A_1044] : memref<3x80xi32, #tpu.memory_space<vmem>> -> memref<1x80xi32, #tpu.memory_space<vmem>>
      %dma_start3A_1046 = tpu.memref_squeeze %dma_start3A_1045 : memref<1x80xi32, #tpu.memory_space<vmem>> -> memref<80xi32, #tpu.memory_space<vmem>>
      %dma_start3A_1047 = arith.constant 0 : i32
      %dma_start3A_1048 = arith.constant 0 : i32
      %dma_start3A_1049 = tpu.memref_slice %arg2[%dma_start3A_1047, %dma_start3A_1048] : memref<10000x128xf32, #tpu.memory_space<hbm>> -> memref<10000x128xf32, #tpu.memory_space<hbm>>
      tpu.enqueue_indirect_dma source(%dma_start3A_1049 : memref<10000x128xf32, #tpu.memory_space<hbm>>) target(%arg12 : memref<80x128xf32, #tpu.memory_space<vmem>>) offsets(%dma_start3A_1046 : memref<80xi32, #tpu.memory_space<vmem>>) semaphore(%arg19 : memref<!tpu.dma_semaphore, #tpu.memory_space<semaphore_mem>>)
      %dma_wait3A_1050 = arith.constant 1 : i32
      %dma_wait3A_1051 = arith.constant 0 : i32
      %dma_wait3A_1052 = tpu.memref_slice %arg8[%dma_wait3A_1050, %dma_wait3A_1051] : memref<3x80xi32, #tpu.memory_space<vmem>> -> memref<1x80xi32, #tpu.memory_space<vmem>>
      %dma_wait3A_1053 = tpu.memref_squeeze %dma_wait3A_1052 : memref<1x80xi32, #tpu.memory_space<vmem>> -> memref<80xi32, #tpu.memory_space<vmem>>
      %dma_wait3A_1054 = arith.constant 0 : i32
      %dma_wait3A_1055 = arith.constant 0 : i32
      %dma_wait3A_1056 = tpu.memref_slice %arg2[%dma_wait3A_1054, %dma_wait3A_1055] : memref<10000x128xf32, #tpu.memory_space<hbm>> -> memref<10000x128xf32, #tpu.memory_space<hbm>>
      tpu.wait_indirect_dma semaphore(%arg18 : memref<!tpu.dma_semaphore, #tpu.memory_space<semaphore_mem>>) src(%dma_wait3A_1056 : memref<10000x128xf32, #tpu.memory_space<hbm>>) dst(%arg11 : memref<80x128xf32, #tpu.memory_space<vmem>>)
      %dma_start3A_1057 = arith.constant 0 : i32
      %dma_start3A_1058 = arith.constant 0 : i32
      %dma_start3A_1059 = tpu.memref_slice %arg8[%dma_start3A_1057, %dma_start3A_1058] : memref<3x80xi32, #tpu.memory_space<vmem>> -> memref<1x80xi32, #tpu.memory_space<vmem>>
      %dma_start3A_1060 = tpu.memref_squeeze %dma_start3A_1059 : memref<1x80xi32, #tpu.memory_space<vmem>> -> memref<80xi32, #tpu.memory_space<vmem>>
      %dma_start3A_1061 = arith.constant 0 : i32
      %dma_start3A_1062 = arith.constant 0 : i32
      %dma_start3A_1063 = tpu.memref_slice %arg7[%dma_start3A_1061, %dma_start3A_1062] : memref<10000x128xf32, #tpu.memory_space<vmem_shared>> -> memref<10000x128xf32, #tpu.memory_space<vmem_shared>>
      tpu.enqueue_indirect_dma source(%arg11 : memref<80x128xf32, #tpu.memory_space<vmem>>) target(%dma_start3A_1063 : memref<10000x128xf32, #tpu.memory_space<vmem_shared>>) offsets(%dma_start3A_1060 : memref<80xi32, #tpu.memory_space<vmem>>) semaphore(%arg20 : memref<!tpu.dma_semaphore, #tpu.memory_space<semaphore_mem>>) {add = true}
      %get3A_1064 = arith.constant 0 : i32
      %get3A_1065 = arith.index_cast %get3A_1064 : i32 to index
      %get3A_1066 = arith.constant 0 : index
      %get3A_1067 = tpu.vector_load %arg8[%get3A_1065, %get3A_1066] {strides = array<i32>} : memref<3x80xi32, #tpu.memory_space<vmem>>, vector<16xi32>,
      %get3A_1068 = arith.constant 2 : i32
      %get3A_1069 = arith.index_cast %get3A_1068 : i32 to index
      %get3A_1070 = arith.constant 0 : index
      %get3A_1071 = tpu.vector_load %arg8[%get3A_1069, %get3A_1070] {strides = array<i32>} : memref<3x80xi32, #tpu.memory_space<vmem>>, vector<16xi32>,
      %bitcast3A_1072 = vector.bitcast %get3A_1071 : vector<16xi32> to vector<16xf32>
      tpu.vector_store_idx %arg13[%get3A_1067], %bitcast3A_1072 {add = true} : memref<10000xf32, #tpu.memory_space<vmem>>[vector<16xi32>], vector<16xf32>,
      tpu.vector_store_idx %arg14[%get3A_1067], %broadcast_in_dim3A_5 {add = true} : memref<10000xf32, #tpu.memory_space<vmem>>[vector<16xi32>], vector<16xf32>,
      %get3A_1073 = arith.constant 0 : i32
      %get3A_1074 = arith.index_cast %get3A_1073 : i32 to index
      %get3A_1075 = arith.constant 16 : index
      %get3A_1076 = tpu.vector_load %arg8[%get3A_1074, %get3A_1075] {strides = array<i32>} : memref<3x80xi32, #tpu.memory_space<vmem>>, vector<16xi32>,
      %get3A_1077 = arith.constant 2 : i32
      %get3A_1078 = arith.index_cast %get3A_1077 : i32 to index
      %get3A_1079 = arith.constant 16 : index
      %get3A_1080 = tpu.vector_load %arg8[%get3A_1078, %get3A_1079] {strides = array<i32>} : memref<3x80xi32, #tpu.memory_space<vmem>>, vector<16xi32>,
      %bitcast3A_1081 = vector.bitcast %get3A_1080 : vector<16xi32> to vector<16xf32>
      tpu.vector_store_idx %arg13[%get3A_1076], %bitcast3A_1081 {add = true} : memref<10000xf32, #tpu.memory_space<vmem>>[vector<16xi32>], vector<16xf32>,
      tpu.vector_store_idx %arg14[%get3A_1076], %broadcast_in_dim3A_5 {add = true} : memref<10000xf32, #tpu.memory_space<vmem>>[vector<16xi32>], vector<16xf32>,
      %get3A_1082 = arith.constant 0 : i32
      %get3A_1083 = arith.index_cast %get3A_1082 : i32 to index
      %get3A_1084 = arith.constant 32 : index
      %get3A_1085 = tpu.vector_load %arg8[%get3A_1083, %get3A_1084] {strides = array<i32>} : memref<3x80xi32, #tpu.memory_space<vmem>>, vector<16xi32>,
      %get3A_1086 = arith.constant 2 : i32
      %get3A_1087 = arith.index_cast %get3A_1086 : i32 to index
      %get3A_1088 = arith.constant 32 : index
      %get3A_1089 = tpu.vector_load %arg8[%get3A_1087, %get3A_1088] {strides = array<i32>} : memref<3x80xi32, #tpu.memory_space<vmem>>, vector<16xi32>,
      %bitcast3A_1090 = vector.bitcast %get3A_1089 : vector<16xi32> to vector<16xf32>
      tpu.vector_store_idx %arg13[%get3A_1085], %bitcast3A_1090 {add = true} : memref<10000xf32, #tpu.memory_space<vmem>>[vector<16xi32>], vector<16xf32>,
      tpu.vector_store_idx %arg14[%get3A_1085], %broadcast_in_dim3A_5 {add = true} : memref<10000xf32, #tpu.memory_space<vmem>>[vector<16xi32>], vector<16xf32>,
      %get3A_1091 = arith.constant 0 : i32
      %get3A_1092 = arith.index_cast %get3A_1091 : i32 to index
      %get3A_1093 = arith.constant 48 : index
      %get3A_1094 = tpu.vector_load %arg8[%get3A_1092, %get3A_1093] {strides = array<i32>} : memref<3x80xi32, #tpu.memory_space<vmem>>, vector<16xi32>,
      %get3A_1095 = arith.constant 2 : i32
      %get3A_1096 = arith.index_cast %get3A_1095 : i32 to index
      %get3A_1097 = arith.constant 48 : index
      %get3A_1098 = tpu.vector_load %arg8[%get3A_1096, %get3A_1097] {strides = array<i32>} : memref<3x80xi32, #tpu.memory_space<vmem>>, vector<16xi32>,
      %bitcast3A_1099 = vector.bitcast %get3A_1098 : vector<16xi32> to vector<16xf32>
      tpu.vector_store_idx %arg13[%get3A_1094], %bitcast3A_1099 {add = true} : memref<10000xf32, #tpu.memory_space<vmem>>[vector<16xi32>], vector<16xf32>,
      tpu.vector_store_idx %arg14[%get3A_1094], %broadcast_in_dim3A_5 {add = true} : memref<10000xf32, #tpu.memory_space<vmem>>[vector<16xi32>], vector<16xf32>,
      %get3A_1100 = arith.constant 0 : i32
      %get3A_1101 = arith.index_cast %get3A_1100 : i32 to index
      %get3A_1102 = arith.constant 64 : index
      %get3A_1103 = tpu.vector_load %arg8[%get3A_1101, %get3A_1102] {strides = array<i32>} : memref<3x80xi32, #tpu.memory_space<vmem>>, vector<16xi32>,
      %get3A_1104 = arith.constant 2 : i32
      %get3A_1105 = arith.index_cast %get3A_1104 : i32 to index
      %get3A_1106 = arith.constant 64 : index
      %get3A_1107 = tpu.vector_load %arg8[%get3A_1105, %get3A_1106] {strides = array<i32>} : memref<3x80xi32, #tpu.memory_space<vmem>>, vector<16xi32>,
      %bitcast3A_1108 = vector.bitcast %get3A_1107 : vector<16xi32> to vector<16xf32>
      tpu.vector_store_idx %arg13[%get3A_1103], %bitcast3A_1108 {add = true} : memref<10000xf32, #tpu.memory_space<vmem>>[vector<16xi32>], vector<16xf32>,
      tpu.vector_store_idx %arg14[%get3A_1103], %broadcast_in_dim3A_5 {add = true} : memref<10000xf32, #tpu.memory_space<vmem>>[vector<16xi32>], vector<16xf32>,
      %add3A_1109 = arith.constant 2 : i32
      %add3A_1110 = arith.addi %add3A_1029, %add3A_1109 : i32
      %mul3A_1111 = arith.constant 80 : i32
      %mul3A_1112 = arith.muli %add3A_1110, %mul3A_1111 : i32
      %add3A_1113 = arith.addi %mul3A_2, %mul3A_1112 : i32
      %dma_start3A_1114 = arith.constant 0 : i32
      %dma_start3A_1115 = tpu.memref_slice %arg3[%dma_start3A_1114, %add3A_1113] : memref<3x320000xi32, #tpu.memory_space<hbm>> -> memref<3x80xi32, #tpu.memory_space<hbm>>
      %dma_start3A_1116 = arith.constant 0 : i32
      %dma_start3A_1117 = tpu.memref_slice %arg3[%dma_start3A_1116, %add3A_1113] : memref<3x320000xi32, #tpu.memory_space<hbm>> -> memref<3x80xi32, #tpu.memory_space<hbm>>
      tpu.enqueue_dma source(%dma_start3A_1117 : memref<3x80xi32, #tpu.memory_space<hbm>>) target(%arg10 : memref<3x80xi32, #tpu.memory_space<vmem>>) target_semaphore(%arg17 : memref<!tpu.dma_semaphore, #tpu.memory_space<semaphore_mem>>)
    }
    %scan3A_174 = arith.constant 20 : i32
    %dma_wait3A_175 = arith.constant 0 : i32
    %dma_wait3A_176 = arith.constant 0 : i32
    %dma_wait3A_177 = tpu.memref_slice %arg8[%dma_wait3A_175, %dma_wait3A_176] : memref<3x80xi32, #tpu.memory_space<vmem>> -> memref<1x80xi32, #tpu.memory_space<vmem>>
    %dma_wait3A_178 = tpu.memref_squeeze %dma_wait3A_177 : memref<1x80xi32, #tpu.memory_space<vmem>> -> memref<80xi32, #tpu.memory_space<vmem>>
    %dma_wait3A_179 = arith.constant 0 : i32
    %dma_wait3A_180 = arith.constant 0 : i32
    %dma_wait3A_181 = tpu.memref_slice %arg7[%dma_wait3A_179, %dma_wait3A_180] : memref<10000x128xf32, #tpu.memory_space<vmem_shared>> -> memref<10000x128xf32, #tpu.memory_space<vmem_shared>>
    tpu.wait_indirect_dma semaphore(%arg20 : memref<!tpu.dma_semaphore, #tpu.memory_space<semaphore_mem>>) src(%arg11 : memref<80x128xf32, #tpu.memory_space<vmem>>) dst(%dma_wait3A_181 : memref<10000x128xf32, #tpu.memory_space<vmem_shared>>)
    %dma_wait3A_182 = arith.constant 0 : i32
    %dma_wait3A_183 = arith.constant 0 : i32
    %dma_wait3A_184 = tpu.memref_slice %arg3[%dma_wait3A_182, %dma_wait3A_183] : memref<3x320000xi32, #tpu.memory_space<hbm>> -> memref<3x80xi32, #tpu.memory_space<hbm>>
    %dma_wait3A_185 = arith.constant 0 : i32
    %dma_wait3A_186 = arith.constant 0 : i32
    %dma_wait3A_187 = tpu.memref_slice %arg3[%dma_wait3A_185, %dma_wait3A_186] : memref<3x320000xi32, #tpu.memory_space<hbm>> -> memref<3x80xi32, #tpu.memory_space<hbm>>
    tpu.wait_dma2 semaphore(%arg17 : memref<!tpu.dma_semaphore, #tpu.memory_space<semaphore_mem>>) src(%dma_wait3A_187 : memref<3x80xi32, #tpu.memory_space<hbm>>) dst(%arg10 : memref<3x80xi32, #tpu.memory_space<vmem>>)
    %dma_start3A_188 = arith.constant 1 : i32
    %dma_start3A_189 = arith.constant 0 : i32
    %dma_start3A_190 = tpu.memref_slice %arg10[%dma_start3A_188, %dma_start3A_189] : memref<3x80xi32, #tpu.memory_space<vmem>> -> memref<1x80xi32, #tpu.memory_space<vmem>>
    %dma_start3A_191 = tpu.memref_squeeze %dma_start3A_190 : memref<1x80xi32, #tpu.memory_space<vmem>> -> memref<80xi32, #tpu.memory_space<vmem>>
    %dma_start3A_192 = arith.constant 0 : i32
    %dma_start3A_193 = arith.constant 0 : i32
    %dma_start3A_194 = tpu.memref_slice %arg2[%dma_start3A_192, %dma_start3A_193] : memref<10000x128xf32, #tpu.memory_space<hbm>> -> memref<10000x128xf32, #tpu.memory_space<hbm>>
    tpu.enqueue_indirect_dma source(%dma_start3A_194 : memref<10000x128xf32, #tpu.memory_space<hbm>>) target(%arg11 : memref<80x128xf32, #tpu.memory_space<vmem>>) offsets(%dma_start3A_191 : memref<80xi32, #tpu.memory_space<vmem>>) semaphore(%arg18 : memref<!tpu.dma_semaphore, #tpu.memory_space<semaphore_mem>>)
    %dma_wait3A_195 = arith.constant 1 : i32
    %dma_wait3A_196 = arith.constant 0 : i32
    %dma_wait3A_197 = tpu.memref_slice %arg9[%dma_wait3A_195, %dma_wait3A_196] : memref<3x80xi32, #tpu.memory_space<vmem>> -> memref<1x80xi32, #tpu.memory_space<vmem>>
    %dma_wait3A_198 = tpu.memref_squeeze %dma_wait3A_197 : memref<1x80xi32, #tpu.memory_space<vmem>> -> memref<80xi32, #tpu.memory_space<vmem>>
    %dma_wait3A_199 = arith.constant 0 : i32
    %dma_wait3A_200 = arith.constant 0 : i32
    %dma_wait3A_201 = tpu.memref_slice %arg2[%dma_wait3A_199, %dma_wait3A_200] : memref<10000x128xf32, #tpu.memory_space<hbm>> -> memref<10000x128xf32, #tpu.memory_space<hbm>>
    tpu.wait_indirect_dma semaphore(%arg19 : memref<!tpu.dma_semaphore, #tpu.memory_space<semaphore_mem>>) src(%dma_wait3A_201 : memref<10000x128xf32, #tpu.memory_space<hbm>>) dst(%arg12 : memref<80x128xf32, #tpu.memory_space<vmem>>)
    %dma_start3A_202 = arith.constant 0 : i32
    %dma_start3A_203 = arith.constant 0 : i32
    %dma_start3A_204 = tpu.memref_slice %arg9[%dma_start3A_202, %dma_start3A_203] : memref<3x80xi32, #tpu.memory_space<vmem>> -> memref<1x80xi32, #tpu.memory_space<vmem>>
    %dma_start3A_205 = tpu.memref_squeeze %dma_start3A_204 : memref<1x80xi32, #tpu.memory_space<vmem>> -> memref<80xi32, #tpu.memory_space<vmem>>
    %dma_start3A_206 = arith.constant 0 : i32
    %dma_start3A_207 = arith.constant 0 : i32
    %dma_start3A_208 = tpu.memref_slice %arg7[%dma_start3A_206, %dma_start3A_207] : memref<10000x128xf32, #tpu.memory_space<vmem_shared>> -> memref<10000x128xf32, #tpu.memory_space<vmem_shared>>
    tpu.enqueue_indirect_dma source(%arg12 : memref<80x128xf32, #tpu.memory_space<vmem>>) target(%dma_start3A_208 : memref<10000x128xf32, #tpu.memory_space<vmem_shared>>) offsets(%dma_start3A_205 : memref<80xi32, #tpu.memory_space<vmem>>) semaphore(%arg21 : memref<!tpu.dma_semaphore, #tpu.memory_space<semaphore_mem>>) {add = true}
    %get3A_209 = arith.constant 0 : i32
    %get3A_210 = arith.index_cast %get3A_209 : i32 to index
    %get3A_211 = arith.constant 0 : index
    %get3A_212 = tpu.vector_load %arg9[%get3A_210, %get3A_211] {strides = array<i32>} : memref<3x80xi32, #tpu.memory_space<vmem>>, vector<16xi32>,
    %get3A_213 = arith.constant 2 : i32
    %get3A_214 = arith.index_cast %get3A_213 : i32 to index
    %get3A_215 = arith.constant 0 : index
    %get3A_216 = tpu.vector_load %arg9[%get3A_214, %get3A_215] {strides = array<i32>} : memref<3x80xi32, #tpu.memory_space<vmem>>, vector<16xi32>,
    %bitcast3A_217 = vector.bitcast %get3A_216 : vector<16xi32> to vector<16xf32>
    tpu.vector_store_idx %arg13[%get3A_212], %bitcast3A_217 {add = true} : memref<10000xf32, #tpu.memory_space<vmem>>[vector<16xi32>], vector<16xf32>,
    tpu.vector_store_idx %arg14[%get3A_212], %broadcast_in_dim3A_5 {add = true} : memref<10000xf32, #tpu.memory_space<vmem>>[vector<16xi32>], vector<16xf32>,
    %get3A_218 = arith.constant 0 : i32
    %get3A_219 = arith.index_cast %get3A_218 : i32 to index
    %get3A_220 = arith.constant 16 : index
    %get3A_221 = tpu.vector_load %arg9[%get3A_219, %get3A_220] {strides = array<i32>} : memref<3x80xi32, #tpu.memory_space<vmem>>, vector<16xi32>,
    %get3A_222 = arith.constant 2 : i32
    %get3A_223 = arith.index_cast %get3A_222 : i32 to index
    %get3A_224 = arith.constant 16 : index
    %get3A_225 = tpu.vector_load %arg9[%get3A_223, %get3A_224] {strides = array<i32>} : memref<3x80xi32, #tpu.memory_space<vmem>>, vector<16xi32>,
    %bitcast3A_226 = vector.bitcast %get3A_225 : vector<16xi32> to vector<16xf32>
    tpu.vector_store_idx %arg13[%get3A_221], %bitcast3A_226 {add = true} : memref<10000xf32, #tpu.memory_space<vmem>>[vector<16xi32>], vector<16xf32>,
    tpu.vector_store_idx %arg14[%get3A_221], %broadcast_in_dim3A_5 {add = true} : memref<10000xf32, #tpu.memory_space<vmem>>[vector<16xi32>], vector<16xf32>,
    %get3A_227 = arith.constant 0 : i32
    %get3A_228 = arith.index_cast %get3A_227 : i32 to index
    %get3A_229 = arith.constant 32 : index
    %get3A_230 = tpu.vector_load %arg9[%get3A_228, %get3A_229] {strides = array<i32>} : memref<3x80xi32, #tpu.memory_space<vmem>>, vector<16xi32>,
    %get3A_231 = arith.constant 2 : i32
    %get3A_232 = arith.index_cast %get3A_231 : i32 to index
    %get3A_233 = arith.constant 32 : index
    %get3A_234 = tpu.vector_load %arg9[%get3A_232, %get3A_233] {strides = array<i32>} : memref<3x80xi32, #tpu.memory_space<vmem>>, vector<16xi32>,
    %bitcast3A_235 = vector.bitcast %get3A_234 : vector<16xi32> to vector<16xf32>
    tpu.vector_store_idx %arg13[%get3A_230], %bitcast3A_235 {add = true} : memref<10000xf32, #tpu.memory_space<vmem>>[vector<16xi32>], vector<16xf32>,
    tpu.vector_store_idx %arg14[%get3A_230], %broadcast_in_dim3A_5 {add = true} : memref<10000xf32, #tpu.memory_space<vmem>>[vector<16xi32>], vector<16xf32>,
    %get3A_236 = arith.constant 0 : i32
    %get3A_237 = arith.index_cast %get3A_236 : i32 to index
    %get3A_238 = arith.constant 48 : index
    %get3A_239 = tpu.vector_load %arg9[%get3A_237, %get3A_238] {strides = array<i32>} : memref<3x80xi32, #tpu.memory_space<vmem>>, vector<16xi32>,
    %get3A_240 = arith.constant 2 : i32
    %get3A_241 = arith.index_cast %get3A_240 : i32 to index
    %get3A_242 = arith.constant 48 : index
    %get3A_243 = tpu.vector_load %arg9[%get3A_241, %get3A_242] {strides = array<i32>} : memref<3x80xi32, #tpu.memory_space<vmem>>, vector<16xi32>,
    %bitcast3A_244 = vector.bitcast %get3A_243 : vector<16xi32> to vector<16xf32>
    tpu.vector_store_idx %arg13[%get3A_239], %bitcast3A_244 {add = true} : memref<10000xf32, #tpu.memory_space<vmem>>[vector<16xi32>], vector<16xf32>,
    tpu.vector_store_idx %arg14[%get3A_239], %broadcast_in_dim3A_5 {add = true} : memref<10000xf32, #tpu.memory_space<vmem>>[vector<16xi32>], vector<16xf32>,
    %get3A_245 = arith.constant 0 : i32
    %get3A_246 = arith.index_cast %get3A_245 : i32 to index
    %get3A_247 = arith.constant 64 : index
    %get3A_248 = tpu.vector_load %arg9[%get3A_246, %get3A_247] {strides = array<i32>} : memref<3x80xi32, #tpu.memory_space<vmem>>, vector<16xi32>,
    %get3A_249 = arith.constant 2 : i32
    %get3A_250 = arith.index_cast %get3A_249 : i32 to index
    %get3A_251 = arith.constant 64 : index
    %get3A_252 = tpu.vector_load %arg9[%get3A_250, %get3A_251] {strides = array<i32>} : memref<3x80xi32, #tpu.memory_space<vmem>>, vector<16xi32>,
    %bitcast3A_253 = vector.bitcast %get3A_252 : vector<16xi32> to vector<16xf32>
    tpu.vector_store_idx %arg13[%get3A_248], %bitcast3A_253 {add = true} : memref<10000xf32, #tpu.memory_space<vmem>>[vector<16xi32>], vector<16xf32>,
    tpu.vector_store_idx %arg14[%get3A_248], %broadcast_in_dim3A_5 {add = true} : memref<10000xf32, #tpu.memory_space<vmem>>[vector<16xi32>], vector<16xf32>,
    %add3A_254 = arith.constant 9840 : i32
    %add3A_255 = arith.addi %mul3A_2, %add3A_254 : i32
    %dma_start3A_256 = arith.constant 0 : i32
    %dma_start3A_257 = tpu.memref_slice %arg3[%dma_start3A_256, %add3A_255] : memref<3x320000xi32, #tpu.memory_space<hbm>> -> memref<3x80xi32, #tpu.memory_space<hbm>>
    %dma_start3A_258 = arith.constant 0 : i32
    %dma_start3A_259 = tpu.memref_slice %arg3[%dma_start3A_258, %add3A_255] : memref<3x320000xi32, #tpu.memory_space<hbm>> -> memref<3x80xi32, #tpu.memory_space<hbm>>
    tpu.enqueue_dma source(%dma_start3A_259 : memref<3x80xi32, #tpu.memory_space<hbm>>) target(%arg8 : memref<3x80xi32, #tpu.memory_space<vmem>>) target_semaphore(%arg15 : memref<!tpu.dma_semaphore, #tpu.memory_space<semaphore_mem>>)
    %dma_wait3A_260 = arith.constant 0 : i32
    %dma_wait3A_261 = arith.constant 0 : i32
    %dma_wait3A_262 = tpu.memref_slice %arg9[%dma_wait3A_260, %dma_wait3A_261] : memref<3x80xi32, #tpu.memory_space<vmem>> -> memref<1x80xi32, #tpu.memory_space<vmem>>
    %dma_wait3A_263 = tpu.memref_squeeze %dma_wait3A_262 : memref<1x80xi32, #tpu.memory_space<vmem>> -> memref<80xi32, #tpu.memory_space<vmem>>
    %dma_wait3A_264 = arith.constant 0 : i32
    %dma_wait3A_265 = arith.constant 0 : i32
    %dma_wait3A_266 = tpu.memref_slice %arg7[%dma_wait3A_264, %dma_wait3A_265] : memref<10000x128xf32, #tpu.memory_space<vmem_shared>> -> memref<10000x128xf32, #tpu.memory_space<vmem_shared>>
    tpu.wait_indirect_dma semaphore(%arg21 : memref<!tpu.dma_semaphore, #tpu.memory_space<semaphore_mem>>) src(%arg12 : memref<80x128xf32, #tpu.memory_space<vmem>>) dst(%dma_wait3A_266 : memref<10000x128xf32, #tpu.memory_space<vmem_shared>>)
    %dma_wait3A_267 = arith.constant 0 : i32
    %dma_wait3A_268 = arith.constant 0 : i32
    %dma_wait3A_269 = tpu.memref_slice %arg3[%dma_wait3A_267, %dma_wait3A_268] : memref<3x320000xi32, #tpu.memory_space<hbm>> -> memref<3x80xi32, #tpu.memory_space<hbm>>
    %dma_wait3A_270 = arith.constant 0 : i32
    %dma_wait3A_271 = arith.constant 0 : i32
    %dma_wait3A_272 = tpu.memref_slice %arg3[%dma_wait3A_270, %dma_wait3A_271] : memref<3x320000xi32, #tpu.memory_space<hbm>> -> memref<3x80xi32, #tpu.memory_space<hbm>>
    tpu.wait_dma2 semaphore(%arg15 : memref<!tpu.dma_semaphore, #tpu.memory_space<semaphore_mem>>) src(%dma_wait3A_272 : memref<3x80xi32, #tpu.memory_space<hbm>>) dst(%arg8 : memref<3x80xi32, #tpu.memory_space<vmem>>)
    %dma_start3A_273 = arith.constant 1 : i32
    %dma_start3A_274 = arith.constant 0 : i32
    %dma_start3A_275 = tpu.memref_slice %arg8[%dma_start3A_273, %dma_start3A_274] : memref<3x80xi32, #tpu.memory_space<vmem>> -> memref<1x80xi32, #tpu.memory_space<vmem>>
    %dma_start3A_276 = tpu.memref_squeeze %dma_start3A_275 : memref<1x80xi32, #tpu.memory_space<vmem>> -> memref<80xi32, #tpu.memory_space<vmem>>
    %dma_start3A_277 = arith.constant 0 : i32
    %dma_start3A_278 = arith.constant 0 : i32
    %dma_start3A_279 = tpu.memref_slice %arg2[%dma_start3A_277, %dma_start3A_278] : memref<10000x128xf32, #tpu.memory_space<hbm>> -> memref<10000x128xf32, #tpu.memory_space<hbm>>
    tpu.enqueue_indirect_dma source(%dma_start3A_279 : memref<10000x128xf32, #tpu.memory_space<hbm>>) target(%arg12 : memref<80x128xf32, #tpu.memory_space<vmem>>) offsets(%dma_start3A_276 : memref<80xi32, #tpu.memory_space<vmem>>) semaphore(%arg19 : memref<!tpu.dma_semaphore, #tpu.memory_space<semaphore_mem>>)
    %dma_wait3A_280 = arith.constant 1 : i32
    %dma_wait3A_281 = arith.constant 0 : i32
    %dma_wait3A_282 = tpu.memref_slice %arg10[%dma_wait3A_280, %dma_wait3A_281] : memref<3x80xi32, #tpu.memory_space<vmem>> -> memref<1x80xi32, #tpu.memory_space<vmem>>
    %dma_wait3A_283 = tpu.memref_squeeze %dma_wait3A_282 : memref<1x80xi32, #tpu.memory_space<vmem>> -> memref<80xi32, #tpu.memory_space<vmem>>
    %dma_wait3A_284 = arith.constant 0 : i32
    %dma_wait3A_285 = arith.constant 0 : i32
    %dma_wait3A_286 = tpu.memref_slice %arg2[%dma_wait3A_284, %dma_wait3A_285] : memref<10000x128xf32, #tpu.memory_space<hbm>> -> memref<10000x128xf32, #tpu.memory_space<hbm>>
    tpu.wait_indirect_dma semaphore(%arg18 : memref<!tpu.dma_semaphore, #tpu.memory_space<semaphore_mem>>) src(%dma_wait3A_286 : memref<10000x128xf32, #tpu.memory_space<hbm>>) dst(%arg11 : memref<80x128xf32, #tpu.memory_space<vmem>>)
    %dma_start3A_287 = arith.constant 0 : i32
    %dma_start3A_288 = arith.constant 0 : i32
    %dma_start3A_289 = tpu.memref_slice %arg10[%dma_start3A_287, %dma_start3A_288] : memref<3x80xi32, #tpu.memory_space<vmem>> -> memref<1x80xi32, #tpu.memory_space<vmem>>
    %dma_start3A_290 = tpu.memref_squeeze %dma_start3A_289 : memref<1x80xi32, #tpu.memory_space<vmem>> -> memref<80xi32, #tpu.memory_space<vmem>>
    %dma_start3A_291 = arith.constant 0 : i32
    %dma_start3A_292 = arith.constant 0 : i32
    %dma_start3A_293 = tpu.memref_slice %arg7[%dma_start3A_291, %dma_start3A_292] : memref<10000x128xf32, #tpu.memory_space<vmem_shared>> -> memref<10000x128xf32, #tpu.memory_space<vmem_shared>>
    tpu.enqueue_indirect_dma source(%arg11 : memref<80x128xf32, #tpu.memory_space<vmem>>) target(%dma_start3A_293 : memref<10000x128xf32, #tpu.memory_space<vmem_shared>>) offsets(%dma_start3A_290 : memref<80xi32, #tpu.memory_space<vmem>>) semaphore(%arg20 : memref<!tpu.dma_semaphore, #tpu.memory_space<semaphore_mem>>) {add = true}
    %get3A_294 = arith.constant 0 : i32
    %get3A_295 = arith.index_cast %get3A_294 : i32 to index
    %get3A_296 = arith.constant 0 : index
    %get3A_297 = tpu.vector_load %arg10[%get3A_295, %get3A_296] {strides = array<i32>} : memref<3x80xi32, #tpu.memory_space<vmem>>, vector<16xi32>,
    %get3A_298 = arith.constant 2 : i32
    %get3A_299 = arith.index_cast %get3A_298 : i32 to index
    %get3A_300 = arith.constant 0 : index
    %get3A_301 = tpu.vector_load %arg10[%get3A_299, %get3A_300] {strides = array<i32>} : memref<3x80xi32, #tpu.memory_space<vmem>>, vector<16xi32>,
    %bitcast3A_302 = vector.bitcast %get3A_301 : vector<16xi32> to vector<16xf32>
    tpu.vector_store_idx %arg13[%get3A_297], %bitcast3A_302 {add = true} : memref<10000xf32, #tpu.memory_space<vmem>>[vector<16xi32>], vector<16xf32>,
    tpu.vector_store_idx %arg14[%get3A_297], %broadcast_in_dim3A_5 {add = true} : memref<10000xf32, #tpu.memory_space<vmem>>[vector<16xi32>], vector<16xf32>,
    %get3A_303 = arith.constant 0 : i32
    %get3A_304 = arith.index_cast %get3A_303 : i32 to index
    %get3A_305 = arith.constant 16 : index
    %get3A_306 = tpu.vector_load %arg10[%get3A_304, %get3A_305] {strides = array<i32>} : memref<3x80xi32, #tpu.memory_space<vmem>>, vector<16xi32>,
    %get3A_307 = arith.constant 2 : i32
    %get3A_308 = arith.index_cast %get3A_307 : i32 to index
    %get3A_309 = arith.constant 16 : index
    %get3A_310 = tpu.vector_load %arg10[%get3A_308, %get3A_309] {strides = array<i32>} : memref<3x80xi32, #tpu.memory_space<vmem>>, vector<16xi32>,
    %bitcast3A_311 = vector.bitcast %get3A_310 : vector<16xi32> to vector<16xf32>
    tpu.vector_store_idx %arg13[%get3A_306], %bitcast3A_311 {add = true} : memref<10000xf32, #tpu.memory_space<vmem>>[vector<16xi32>], vector<16xf32>,
    tpu.vector_store_idx %arg14[%get3A_306], %broadcast_in_dim3A_5 {add = true} : memref<10000xf32, #tpu.memory_space<vmem>>[vector<16xi32>], vector<16xf32>,
    %get3A_312 = arith.constant 0 : i32
    %get3A_313 = arith.index_cast %get3A_312 : i32 to index
    %get3A_314 = arith.constant 32 : index
    %get3A_315 = tpu.vector_load %arg10[%get3A_313, %get3A_314] {strides = array<i32>} : memref<3x80xi32, #tpu.memory_space<vmem>>, vector<16xi32>,
    %get3A_316 = arith.constant 2 : i32
    %get3A_317 = arith.index_cast %get3A_316 : i32 to index
    %get3A_318 = arith.constant 32 : index
    %get3A_319 = tpu.vector_load %arg10[%get3A_317, %get3A_318] {strides = array<i32>} : memref<3x80xi32, #tpu.memory_space<vmem>>, vector<16xi32>,
    %bitcast3A_320 = vector.bitcast %get3A_319 : vector<16xi32> to vector<16xf32>
    tpu.vector_store_idx %arg13[%get3A_315], %bitcast3A_320 {add = true} : memref<10000xf32, #tpu.memory_space<vmem>>[vector<16xi32>], vector<16xf32>,
    tpu.vector_store_idx %arg14[%get3A_315], %broadcast_in_dim3A_5 {add = true} : memref<10000xf32, #tpu.memory_space<vmem>>[vector<16xi32>], vector<16xf32>,
    %get3A_321 = arith.constant 0 : i32
    %get3A_322 = arith.index_cast %get3A_321 : i32 to index
    %get3A_323 = arith.constant 48 : index
    %get3A_324 = tpu.vector_load %arg10[%get3A_322, %get3A_323] {strides = array<i32>} : memref<3x80xi32, #tpu.memory_space<vmem>>, vector<16xi32>,
    %get3A_325 = arith.constant 2 : i32
    %get3A_326 = arith.index_cast %get3A_325 : i32 to index
    %get3A_327 = arith.constant 48 : index
    %get3A_328 = tpu.vector_load %arg10[%get3A_326, %get3A_327] {strides = array<i32>} : memref<3x80xi32, #tpu.memory_space<vmem>>, vector<16xi32>,
    %bitcast3A_329 = vector.bitcast %get3A_328 : vector<16xi32> to vector<16xf32>
    tpu.vector_store_idx %arg13[%get3A_324], %bitcast3A_329 {add = true} : memref<10000xf32, #tpu.memory_space<vmem>>[vector<16xi32>], vector<16xf32>,
    tpu.vector_store_idx %arg14[%get3A_324], %broadcast_in_dim3A_5 {add = true} : memref<10000xf32, #tpu.memory_space<vmem>>[vector<16xi32>], vector<16xf32>,
    %get3A_330 = arith.constant 0 : i32
    %get3A_331 = arith.index_cast %get3A_330 : i32 to index
    %get3A_332 = arith.constant 64 : index
    %get3A_333 = tpu.vector_load %arg10[%get3A_331, %get3A_332] {strides = array<i32>} : memref<3x80xi32, #tpu.memory_space<vmem>>, vector<16xi32>,
    %get3A_334 = arith.constant 2 : i32
    %get3A_335 = arith.index_cast %get3A_334 : i32 to index
    %get3A_336 = arith.constant 64 : index
    %get3A_337 = tpu.vector_load %arg10[%get3A_335, %get3A_336] {strides = array<i32>} : memref<3x80xi32, #tpu.memory_space<vmem>>, vector<16xi32>,
    %bitcast3A_338 = vector.bitcast %get3A_337 : vector<16xi32> to vector<16xf32>
    tpu.vector_store_idx %arg13[%get3A_333], %bitcast3A_338 {add = true} : memref<10000xf32, #tpu.memory_space<vmem>>[vector<16xi32>], vector<16xf32>,
    tpu.vector_store_idx %arg14[%get3A_333], %broadcast_in_dim3A_5 {add = true} : memref<10000xf32, #tpu.memory_space<vmem>>[vector<16xi32>], vector<16xf32>,
    %add3A_339 = arith.constant 9920 : i32
    %add3A_340 = arith.addi %mul3A_2, %add3A_339 : i32
    %dma_start3A_341 = arith.constant 0 : i32
    %dma_start3A_342 = tpu.memref_slice %arg3[%dma_start3A_341, %add3A_340] : memref<3x320000xi32, #tpu.memory_space<hbm>> -> memref<3x80xi32, #tpu.memory_space<hbm>>
    %dma_start3A_343 = arith.constant 0 : i32
    %dma_start3A_344 = tpu.memref_slice %arg3[%dma_start3A_343, %add3A_340] : memref<3x320000xi32, #tpu.memory_space<hbm>> -> memref<3x80xi32, #tpu.memory_space<hbm>>
    tpu.enqueue_dma source(%dma_start3A_344 : memref<3x80xi32, #tpu.memory_space<hbm>>) target(%arg9 : memref<3x80xi32, #tpu.memory_space<vmem>>) target_semaphore(%arg16 : memref<!tpu.dma_semaphore, #tpu.memory_space<semaphore_mem>>)
    %dma_wait3A_345 = arith.constant 0 : i32
    %dma_wait3A_346 = arith.constant 0 : i32
    %dma_wait3A_347 = tpu.memref_slice %arg10[%dma_wait3A_345, %dma_wait3A_346] : memref<3x80xi32, #tpu.memory_space<vmem>> -> memref<1x80xi32, #tpu.memory_space<vmem>>
    %dma_wait3A_348 = tpu.memref_squeeze %dma_wait3A_347 : memref<1x80xi32, #tpu.memory_space<vmem>> -> memref<80xi32, #tpu.memory_space<vmem>>
    %dma_wait3A_349 = arith.constant 0 : i32
    %dma_wait3A_350 = arith.constant 0 : i32
    %dma_wait3A_351 = tpu.memref_slice %arg7[%dma_wait3A_349, %dma_wait3A_350] : memref<10000x128xf32, #tpu.memory_space<vmem_shared>> -> memref<10000x128xf32, #tpu.memory_space<vmem_shared>>
    tpu.wait_indirect_dma semaphore(%arg20 : memref<!tpu.dma_semaphore, #tpu.memory_space<semaphore_mem>>) src(%arg11 : memref<80x128xf32, #tpu.memory_space<vmem>>) dst(%dma_wait3A_351 : memref<10000x128xf32, #tpu.memory_space<vmem_shared>>)
    %dma_wait3A_352 = arith.constant 0 : i32
    %dma_wait3A_353 = arith.constant 0 : i32
    %dma_wait3A_354 = tpu.memref_slice %arg3[%dma_wait3A_352, %dma_wait3A_353] : memref<3x320000xi32, #tpu.memory_space<hbm>> -> memref<3x80xi32, #tpu.memory_space<hbm>>
    %dma_wait3A_355 = arith.constant 0 : i32
    %dma_wait3A_356 = arith.constant 0 : i32
    %dma_wait3A_357 = tpu.memref_slice %arg3[%dma_wait3A_355, %dma_wait3A_356] : memref<3x320000xi32, #tpu.memory_space<hbm>> -> memref<3x80xi32, #tpu.memory_space<hbm>>
    tpu.wait_dma2 semaphore(%arg16 : memref<!tpu.dma_semaphore, #tpu.memory_space<semaphore_mem>>) src(%dma_wait3A_357 : memref<3x80xi32, #tpu.memory_space<hbm>>) dst(%arg9 : memref<3x80xi32, #tpu.memory_space<vmem>>)
    %dma_start3A_358 = arith.constant 1 : i32
    %dma_start3A_359 = arith.constant 0 : i32
    %dma_start3A_360 = tpu.memref_slice %arg9[%dma_start3A_358, %dma_start3A_359] : memref<3x80xi32, #tpu.memory_space<vmem>> -> memref<1x80xi32, #tpu.memory_space<vmem>>
    %dma_start3A_361 = tpu.memref_squeeze %dma_start3A_360 : memref<1x80xi32, #tpu.memory_space<vmem>> -> memref<80xi32, #tpu.memory_space<vmem>>
    %dma_start3A_362 = arith.constant 0 : i32
    %dma_start3A_363 = arith.constant 0 : i32
    %dma_start3A_364 = tpu.memref_slice %arg2[%dma_start3A_362, %dma_start3A_363] : memref<10000x128xf32, #tpu.memory_space<hbm>> -> memref<10000x128xf32, #tpu.memory_space<hbm>>
    tpu.enqueue_indirect_dma source(%dma_start3A_364 : memref<10000x128xf32, #tpu.memory_space<hbm>>) target(%arg11 : memref<80x128xf32, #tpu.memory_space<vmem>>) offsets(%dma_start3A_361 : memref<80xi32, #tpu.memory_space<vmem>>) semaphore(%arg18 : memref<!tpu.dma_semaphore, #tpu.memory_space<semaphore_mem>>)
    %dma_wait3A_365 = arith.constant 1 : i32
    %dma_wait3A_366 = arith.constant 0 : i32
    %dma_wait3A_367 = tpu.memref_slice %arg8[%dma_wait3A_365, %dma_wait3A_366] : memref<3x80xi32, #tpu.memory_space<vmem>> -> memref<1x80xi32, #tpu.memory_space<vmem>>
    %dma_wait3A_368 = tpu.memref_squeeze %dma_wait3A_367 : memref<1x80xi32, #tpu.memory_space<vmem>> -> memref<80xi32, #tpu.memory_space<vmem>>
    %dma_wait3A_369 = arith.constant 0 : i32
    %dma_wait3A_370 = arith.constant 0 : i32
    %dma_wait3A_371 = tpu.memref_slice %arg2[%dma_wait3A_369, %dma_wait3A_370] : memref<10000x128xf32, #tpu.memory_space<hbm>> -> memref<10000x128xf32, #tpu.memory_space<hbm>>
    tpu.wait_indirect_dma semaphore(%arg19 : memref<!tpu.dma_semaphore, #tpu.memory_space<semaphore_mem>>) src(%dma_wait3A_371 : memref<10000x128xf32, #tpu.memory_space<hbm>>) dst(%arg12 : memref<80x128xf32, #tpu.memory_space<vmem>>)
    %dma_start3A_372 = arith.constant 0 : i32
    %dma_start3A_373 = arith.constant 0 : i32
    %dma_start3A_374 = tpu.memref_slice %arg8[%dma_start3A_372, %dma_start3A_373] : memref<3x80xi32, #tpu.memory_space<vmem>> -> memref<1x80xi32, #tpu.memory_space<vmem>>
    %dma_start3A_375 = tpu.memref_squeeze %dma_start3A_374 : memref<1x80xi32, #tpu.memory_space<vmem>> -> memref<80xi32, #tpu.memory_space<vmem>>
    %dma_start3A_376 = arith.constant 0 : i32
    %dma_start3A_377 = arith.constant 0 : i32
    %dma_start3A_378 = tpu.memref_slice %arg7[%dma_start3A_376, %dma_start3A_377] : memref<10000x128xf32, #tpu.memory_space<vmem_shared>> -> memref<10000x128xf32, #tpu.memory_space<vmem_shared>>
    tpu.enqueue_indirect_dma source(%arg12 : memref<80x128xf32, #tpu.memory_space<vmem>>) target(%dma_start3A_378 : memref<10000x128xf32, #tpu.memory_space<vmem_shared>>) offsets(%dma_start3A_375 : memref<80xi32, #tpu.memory_space<vmem>>) semaphore(%arg21 : memref<!tpu.dma_semaphore, #tpu.memory_space<semaphore_mem>>) {add = true}
    %get3A_379 = arith.constant 0 : i32
    %get3A_380 = arith.index_cast %get3A_379 : i32 to index
    %get3A_381 = arith.constant 0 : index
    %get3A_382 = tpu.vector_load %arg8[%get3A_380, %get3A_381] {strides = array<i32>} : memref<3x80xi32, #tpu.memory_space<vmem>>, vector<16xi32>,
    %get3A_383 = arith.constant 2 : i32
    %get3A_384 = arith.index_cast %get3A_383 : i32 to index
    %get3A_385 = arith.constant 0 : index
    %get3A_386 = tpu.vector_load %arg8[%get3A_384, %get3A_385] {strides = array<i32>} : memref<3x80xi32, #tpu.memory_space<vmem>>, vector<16xi32>,
    %bitcast3A_387 = vector.bitcast %get3A_386 : vector<16xi32> to vector<16xf32>
    tpu.vector_store_idx %arg13[%get3A_382], %bitcast3A_387 {add = true} : memref<10000xf32, #tpu.memory_space<vmem>>[vector<16xi32>], vector<16xf32>,
    tpu.vector_store_idx %arg14[%get3A_382], %broadcast_in_dim3A_5 {add = true} : memref<10000xf32, #tpu.memory_space<vmem>>[vector<16xi32>], vector<16xf32>,
    %get3A_388 = arith.constant 0 : i32
    %get3A_389 = arith.index_cast %get3A_388 : i32 to index
    %get3A_390 = arith.constant 16 : index
    %get3A_391 = tpu.vector_load %arg8[%get3A_389, %get3A_390] {strides = array<i32>} : memref<3x80xi32, #tpu.memory_space<vmem>>, vector<16xi32>,
    %get3A_392 = arith.constant 2 : i32
    %get3A_393 = arith.index_cast %get3A_392 : i32 to index
    %get3A_394 = arith.constant 16 : index
    %get3A_395 = tpu.vector_load %arg8[%get3A_393, %get3A_394] {strides = array<i32>} : memref<3x80xi32, #tpu.memory_space<vmem>>, vector<16xi32>,
    %bitcast3A_396 = vector.bitcast %get3A_395 : vector<16xi32> to vector<16xf32>
    tpu.vector_store_idx %arg13[%get3A_391], %bitcast3A_396 {add = true} : memref<10000xf32, #tpu.memory_space<vmem>>[vector<16xi32>], vector<16xf32>,
    tpu.vector_store_idx %arg14[%get3A_391], %broadcast_in_dim3A_5 {add = true} : memref<10000xf32, #tpu.memory_space<vmem>>[vector<16xi32>], vector<16xf32>,
    %get3A_397 = arith.constant 0 : i32
    %get3A_398 = arith.index_cast %get3A_397 : i32 to index
    %get3A_399 = arith.constant 32 : index
    %get3A_400 = tpu.vector_load %arg8[%get3A_398, %get3A_399] {strides = array<i32>} : memref<3x80xi32, #tpu.memory_space<vmem>>, vector<16xi32>,
    %get3A_401 = arith.constant 2 : i32
    %get3A_402 = arith.index_cast %get3A_401 : i32 to index
    %get3A_403 = arith.constant 32 : index
    %get3A_404 = tpu.vector_load %arg8[%get3A_402, %get3A_403] {strides = array<i32>} : memref<3x80xi32, #tpu.memory_space<vmem>>, vector<16xi32>,
    %bitcast3A_405 = vector.bitcast %get3A_404 : vector<16xi32> to vector<16xf32>
    tpu.vector_store_idx %arg13[%get3A_400], %bitcast3A_405 {add = true} : memref<10000xf32, #tpu.memory_space<vmem>>[vector<16xi32>], vector<16xf32>,
    tpu.vector_store_idx %arg14[%get3A_400], %broadcast_in_dim3A_5 {add = true} : memref<10000xf32, #tpu.memory_space<vmem>>[vector<16xi32>], vector<16xf32>,
    %get3A_406 = arith.constant 0 : i32
    %get3A_407 = arith.index_cast %get3A_406 : i32 to index
    %get3A_408 = arith.constant 48 : index
    %get3A_409 = tpu.vector_load %arg8[%get3A_407, %get3A_408] {strides = array<i32>} : memref<3x80xi32, #tpu.memory_space<vmem>>, vector<16xi32>,
    %get3A_410 = arith.constant 2 : i32
    %get3A_411 = arith.index_cast %get3A_410 : i32 to index
    %get3A_412 = arith.constant 48 : index
    %get3A_413 = tpu.vector_load %arg8[%get3A_411, %get3A_412] {strides = array<i32>} : memref<3x80xi32, #tpu.memory_space<vmem>>, vector<16xi32>,
    %bitcast3A_414 = vector.bitcast %get3A_413 : vector<16xi32> to vector<16xf32>
    tpu.vector_store_idx %arg13[%get3A_409], %bitcast3A_414 {add = true} : memref<10000xf32, #tpu.memory_space<vmem>>[vector<16xi32>], vector<16xf32>,
    tpu.vector_store_idx %arg14[%get3A_409], %broadcast_in_dim3A_5 {add = true} : memref<10000xf32, #tpu.memory_space<vmem>>[vector<16xi32>], vector<16xf32>,
    %get3A_415 = arith.constant 0 : i32
    %get3A_416 = arith.index_cast %get3A_415 : i32 to index
    %get3A_417 = arith.constant 64 : index
    %get3A_418 = tpu.vector_load %arg8[%get3A_416, %get3A_417] {strides = array<i32>} : memref<3x80xi32, #tpu.memory_space<vmem>>, vector<16xi32>,
    %get3A_419 = arith.constant 2 : i32
    %get3A_420 = arith.index_cast %get3A_419 : i32 to index
    %get3A_421 = arith.constant 64 : index
    %get3A_422 = tpu.vector_load %arg8[%get3A_420, %get3A_421] {strides = array<i32>} : memref<3x80xi32, #tpu.memory_space<vmem>>, vector<16xi32>,
    %bitcast3A_423 = vector.bitcast %get3A_422 : vector<16xi32> to vector<16xf32>
    tpu.vector_store_idx %arg13[%get3A_418], %bitcast3A_423 {add = true} : memref<10000xf32, #tpu.memory_space<vmem>>[vector<16xi32>], vector<16xf32>,
    tpu.vector_store_idx %arg14[%get3A_418], %broadcast_in_dim3A_5 {add = true} : memref<10000xf32, #tpu.memory_space<vmem>>[vector<16xi32>], vector<16xf32>,
    %dma_wait3A_424 = arith.constant 0 : i32
    %dma_wait3A_425 = arith.constant 0 : i32
    %dma_wait3A_426 = tpu.memref_slice %arg8[%dma_wait3A_424, %dma_wait3A_425] : memref<3x80xi32, #tpu.memory_space<vmem>> -> memref<1x80xi32, #tpu.memory_space<vmem>>
    %dma_wait3A_427 = tpu.memref_squeeze %dma_wait3A_426 : memref<1x80xi32, #tpu.memory_space<vmem>> -> memref<80xi32, #tpu.memory_space<vmem>>
    %dma_wait3A_428 = arith.constant 0 : i32
    %dma_wait3A_429 = arith.constant 0 : i32
    %dma_wait3A_430 = tpu.memref_slice %arg7[%dma_wait3A_428, %dma_wait3A_429] : memref<10000x128xf32, #tpu.memory_space<vmem_shared>> -> memref<10000x128xf32, #tpu.memory_space<vmem_shared>>
    tpu.wait_indirect_dma semaphore(%arg21 : memref<!tpu.dma_semaphore, #tpu.memory_space<semaphore_mem>>) src(%arg12 : memref<80x128xf32, #tpu.memory_space<vmem>>) dst(%dma_wait3A_430 : memref<10000x128xf32, #tpu.memory_space<vmem_shared>>)
    %dma_wait3A_431 = arith.constant 1 : i32
    %dma_wait3A_432 = arith.constant 0 : i32
    %dma_wait3A_433 = tpu.memref_slice %arg9[%dma_wait3A_431, %dma_wait3A_432] : memref<3x80xi32, #tpu.memory_space<vmem>> -> memref<1x80xi32, #tpu.memory_space<vmem>>
    %dma_wait3A_434 = tpu.memref_squeeze %dma_wait3A_433 : memref<1x80xi32, #tpu.memory_space<vmem>> -> memref<80xi32, #tpu.memory_space<vmem>>
    %dma_wait3A_435 = arith.constant 0 : i32
    %dma_wait3A_436 = arith.constant 0 : i32
    %dma_wait3A_437 = tpu.memref_slice %arg2[%dma_wait3A_435, %dma_wait3A_436] : memref<10000x128xf32, #tpu.memory_space<hbm>> -> memref<10000x128xf32, #tpu.memory_space<hbm>>
    tpu.wait_indirect_dma semaphore(%arg18 : memref<!tpu.dma_semaphore, #tpu.memory_space<semaphore_mem>>) src(%dma_wait3A_437 : memref<10000x128xf32, #tpu.memory_space<hbm>>) dst(%arg11 : memref<80x128xf32, #tpu.memory_space<vmem>>)
    %dma_start3A_438 = arith.constant 0 : i32
    %dma_start3A_439 = arith.constant 0 : i32
    %dma_start3A_440 = tpu.memref_slice %arg9[%dma_start3A_438, %dma_start3A_439] : memref<3x80xi32, #tpu.memory_space<vmem>> -> memref<1x80xi32, #tpu.memory_space<vmem>>
    %dma_start3A_441 = tpu.memref_squeeze %dma_start3A_440 : memref<1x80xi32, #tpu.memory_space<vmem>> -> memref<80xi32, #tpu.memory_space<vmem>>
    %dma_start3A_442 = arith.constant 0 : i32
    %dma_start3A_443 = arith.constant 0 : i32
    %dma_start3A_444 = tpu.memref_slice %arg7[%dma_start3A_442, %dma_start3A_443] : memref<10000x128xf32, #tpu.memory_space<vmem_shared>> -> memref<10000x128xf32, #tpu.memory_space<vmem_shared>>
    tpu.enqueue_indirect_dma source(%arg11 : memref<80x128xf32, #tpu.memory_space<vmem>>) target(%dma_start3A_444 : memref<10000x128xf32, #tpu.memory_space<vmem_shared>>) offsets(%dma_start3A_441 : memref<80xi32, #tpu.memory_space<vmem>>) semaphore(%arg20 : memref<!tpu.dma_semaphore, #tpu.memory_space<semaphore_mem>>) {add = true}
    %get3A_445 = arith.constant 0 : i32
    %get3A_446 = arith.index_cast %get3A_445 : i32 to index
    %get3A_447 = arith.constant 0 : index
    %get3A_448 = tpu.vector_load %arg9[%get3A_446, %get3A_447] {strides = array<i32>} : memref<3x80xi32, #tpu.memory_space<vmem>>, vector<16xi32>,
    %get3A_449 = arith.constant 2 : i32
    %get3A_450 = arith.index_cast %get3A_449 : i32 to index
    %get3A_451 = arith.constant 0 : index
    %get3A_452 = tpu.vector_load %arg9[%get3A_450, %get3A_451] {strides = array<i32>} : memref<3x80xi32, #tpu.memory_space<vmem>>, vector<16xi32>,
    %bitcast3A_453 = vector.bitcast %get3A_452 : vector<16xi32> to vector<16xf32>
    tpu.vector_store_idx %arg13[%get3A_448], %bitcast3A_453 {add = true} : memref<10000xf32, #tpu.memory_space<vmem>>[vector<16xi32>], vector<16xf32>,
    tpu.vector_store_idx %arg14[%get3A_448], %broadcast_in_dim3A_5 {add = true} : memref<10000xf32, #tpu.memory_space<vmem>>[vector<16xi32>], vector<16xf32>,
    %get3A_454 = arith.constant 0 : i32
    %get3A_455 = arith.index_cast %get3A_454 : i32 to index
    %get3A_456 = arith.constant 16 : index
    %get3A_457 = tpu.vector_load %arg9[%get3A_455, %get3A_456] {strides = array<i32>} : memref<3x80xi32, #tpu.memory_space<vmem>>, vector<16xi32>,
    %get3A_458 = arith.constant 2 : i32
    %get3A_459 = arith.index_cast %get3A_458 : i32 to index
    %get3A_460 = arith.constant 16 : index
    %get3A_461 = tpu.vector_load %arg9[%get3A_459, %get3A_460] {strides = array<i32>} : memref<3x80xi32, #tpu.memory_space<vmem>>, vector<16xi32>,
    %bitcast3A_462 = vector.bitcast %get3A_461 : vector<16xi32> to vector<16xf32>
    tpu.vector_store_idx %arg13[%get3A_457], %bitcast3A_462 {add = true} : memref<10000xf32, #tpu.memory_space<vmem>>[vector<16xi32>], vector<16xf32>,
    tpu.vector_store_idx %arg14[%get3A_457], %broadcast_in_dim3A_5 {add = true} : memref<10000xf32, #tpu.memory_space<vmem>>[vector<16xi32>], vector<16xf32>,
    %get3A_463 = arith.constant 0 : i32
    %get3A_464 = arith.index_cast %get3A_463 : i32 to index
    %get3A_465 = arith.constant 32 : index
    %get3A_466 = tpu.vector_load %arg9[%get3A_464, %get3A_465] {strides = array<i32>} : memref<3x80xi32, #tpu.memory_space<vmem>>, vector<16xi32>,
    %get3A_467 = arith.constant 2 : i32
    %get3A_468 = arith.index_cast %get3A_467 : i32 to index
    %get3A_469 = arith.constant 32 : index
    %get3A_470 = tpu.vector_load %arg9[%get3A_468, %get3A_469] {strides = array<i32>} : memref<3x80xi32, #tpu.memory_space<vmem>>, vector<16xi32>,
    %bitcast3A_471 = vector.bitcast %get3A_470 : vector<16xi32> to vector<16xf32>
    tpu.vector_store_idx %arg13[%get3A_466], %bitcast3A_471 {add = true} : memref<10000xf32, #tpu.memory_space<vmem>>[vector<16xi32>], vector<16xf32>,
    tpu.vector_store_idx %arg14[%get3A_466], %broadcast_in_dim3A_5 {add = true} : memref<10000xf32, #tpu.memory_space<vmem>>[vector<16xi32>], vector<16xf32>,
    %get3A_472 = arith.constant 0 : i32
    %get3A_473 = arith.index_cast %get3A_472 : i32 to index
    %get3A_474 = arith.constant 48 : index
    %get3A_475 = tpu.vector_load %arg9[%get3A_473, %get3A_474] {strides = array<i32>} : memref<3x80xi32, #tpu.memory_space<vmem>>, vector<16xi32>,
    %get3A_476 = arith.constant 2 : i32
    %get3A_477 = arith.index_cast %get3A_476 : i32 to index
    %get3A_478 = arith.constant 48 : index
    %get3A_479 = tpu.vector_load %arg9[%get3A_477, %get3A_478] {strides = array<i32>} : memref<3x80xi32, #tpu.memory_space<vmem>>, vector<16xi32>,
    %bitcast3A_480 = vector.bitcast %get3A_479 : vector<16xi32> to vector<16xf32>
    tpu.vector_store_idx %arg13[%get3A_475], %bitcast3A_480 {add = true} : memref<10000xf32, #tpu.memory_space<vmem>>[vector<16xi32>], vector<16xf32>,
    tpu.vector_store_idx %arg14[%get3A_475], %broadcast_in_dim3A_5 {add = true} : memref<10000xf32, #tpu.memory_space<vmem>>[vector<16xi32>], vector<16xf32>,
    %get3A_481 = arith.constant 0 : i32
    %get3A_482 = arith.index_cast %get3A_481 : i32 to index
    %get3A_483 = arith.constant 64 : index
    %get3A_484 = tpu.vector_load %arg9[%get3A_482, %get3A_483] {strides = array<i32>} : memref<3x80xi32, #tpu.memory_space<vmem>>, vector<16xi32>,
    %get3A_485 = arith.constant 2 : i32
    %get3A_486 = arith.index_cast %get3A_485 : i32 to index
    %get3A_487 = arith.constant 64 : index
    %get3A_488 = tpu.vector_load %arg9[%get3A_486, %get3A_487] {strides = array<i32>} : memref<3x80xi32, #tpu.memory_space<vmem>>, vector<16xi32>,
    %bitcast3A_489 = vector.bitcast %get3A_488 : vector<16xi32> to vector<16xf32>
    tpu.vector_store_idx %arg13[%get3A_484], %bitcast3A_489 {add = true} : memref<10000xf32, #tpu.memory_space<vmem>>[vector<16xi32>], vector<16xf32>,
    tpu.vector_store_idx %arg14[%get3A_484], %broadcast_in_dim3A_5 {add = true} : memref<10000xf32, #tpu.memory_space<vmem>>[vector<16xi32>], vector<16xf32>,
    %dma_wait3A_490 = arith.constant 0 : i32
    %dma_wait3A_491 = arith.constant 0 : i32
    %dma_wait3A_492 = tpu.memref_slice %arg9[%dma_wait3A_490, %dma_wait3A_491] : memref<3x80xi32, #tpu.memory_space<vmem>> -> memref<1x80xi32, #tpu.memory_space<vmem>>
    %dma_wait3A_493 = tpu.memref_squeeze %dma_wait3A_492 : memref<1x80xi32, #tpu.memory_space<vmem>> -> memref<80xi32, #tpu.memory_space<vmem>>
    %dma_wait3A_494 = arith.constant 0 : i32
    %dma_wait3A_495 = arith.constant 0 : i32
    %dma_wait3A_496 = tpu.memref_slice %arg7[%dma_wait3A_494, %dma_wait3A_495] : memref<10000x128xf32, #tpu.memory_space<vmem_shared>> -> memref<10000x128xf32, #tpu.memory_space<vmem_shared>>
    tpu.wait_indirect_dma semaphore(%arg20 : memref<!tpu.dma_semaphore, #tpu.memory_space<semaphore_mem>>) src(%arg11 : memref<80x128xf32, #tpu.memory_space<vmem>>) dst(%dma_wait3A_496 : memref<10000x128xf32, #tpu.memory_space<vmem_shared>>)
    %barrier3A_497 = arith.constant 0 : index
    tpu.barrier barrier_id(%barrier3A_497)
    %add3A_498 = arith.constant 0 : i32
    %add3A_499 = arith.addi %arg1, %add3A_498 : i32
    %lt3A_500 = arith.constant 125 : i32
    %lt3A_501 = arith.cmpi slt, %add3A_499, %lt3A_500 : i32
    %convert_element_type3A_502 = arith.extui %lt3A_501 : i1 to i32
    %cond3A_503 = arith.constant 0 : i32
    %cond3A_504 = arith.cmpi ne, %convert_element_type3A_502, %cond3A_503 : i32
    scf.if %cond3A_504 {
      %mul3A_573 = arith.constant 80 : i32
      %mul3A_574 = arith.muli %add3A_499, %mul3A_573 : i32
      %mul3A_575 = arith.constant 80 : i32
      %mul3A_576 = arith.muli %add3A_499, %mul3A_575 : i32
      "tpu.region"() ({
        %run_scoped3A_577 = tpu.sem_alloc : memref<!tpu.dma_semaphore, #tpu.memory_space<semaphore_mem>>
        %dma_start3A_578 = arith.constant 0 : i32
        %dma_start3A_579 = tpu.memref_slice %arg4[%arg0, %mul3A_576, %dma_start3A_578] : memref<2x10000x128xf32, #tpu.memory_space<hbm>> -> memref<1x80x128xf32, #tpu.memory_space<hbm>>
        %dma_start3A_580 = tpu.memref_squeeze %dma_start3A_579 : memref<1x80x128xf32, #tpu.memory_space<hbm>> -> memref<80x128xf32, #tpu.memory_space<hbm>>
        %dma_start3A_581 = arith.constant 0 : i32
        %dma_start3A_582 = tpu.memref_slice %arg7[%mul3A_574, %dma_start3A_581] : memref<10000x128xf32, #tpu.memory_space<vmem_shared>> -> memref<80x128xf32, #tpu.memory_space<vmem_shared>>
        tpu.enqueue_dma source(%dma_start3A_582 : memref<80x128xf32, #tpu.memory_space<vmem_shared>>) target(%dma_start3A_580 : memref<80x128xf32, #tpu.memory_space<hbm>>) target_semaphore(%run_scoped3A_577 : memref<!tpu.dma_semaphore, #tpu.memory_space<semaphore_mem>>)
        %dma_wait3A_583 = arith.constant 0 : i32
        %dma_wait3A_584 = tpu.memref_slice %arg4[%arg0, %mul3A_576, %dma_wait3A_583] : memref<2x10000x128xf32, #tpu.memory_space<hbm>> -> memref<1x80x128xf32, #tpu.memory_space<hbm>>
        %dma_wait3A_585 = tpu.memref_squeeze %dma_wait3A_584 : memref<1x80x128xf32, #tpu.memory_space<hbm>> -> memref<80x128xf32, #tpu.memory_space<hbm>>
        %dma_wait3A_586 = arith.constant 0 : i32
        %dma_wait3A_587 = tpu.memref_slice %arg7[%mul3A_574, %dma_wait3A_586] : memref<10000x128xf32, #tpu.memory_space<vmem_shared>> -> memref<80x128xf32, #tpu.memory_space<vmem_shared>>
        tpu.wait_dma2 semaphore(%run_scoped3A_577 : memref<!tpu.dma_semaphore, #tpu.memory_space<semaphore_mem>>) src(%dma_wait3A_587 : memref<80x128xf32, #tpu.memory_space<vmem_shared>>) dst(%dma_wait3A_585 : memref<80x128xf32, #tpu.memory_space<hbm>>)
        tpu.yield
      }) : () -> ()
    } else {
    }
    %add3A_505 = arith.constant 16 : i32
    %add3A_506 = arith.addi %arg1, %add3A_505 : i32
    %lt3A_507 = arith.constant 125 : i32
    %lt3A_508 = arith.cmpi slt, %add3A_506, %lt3A_507 : i32
    %convert_element_type3A_509 = arith.extui %lt3A_508 : i1 to i32
    %cond3A_510 = arith.constant 0 : i32
    %cond3A_511 = arith.cmpi ne, %convert_element_type3A_509, %cond3A_510 : i32
    scf.if %cond3A_511 {
      %mul3A_573 = arith.constant 80 : i32
      %mul3A_574 = arith.muli %add3A_506, %mul3A_573 : i32
      %mul3A_575 = arith.constant 80 : i32
      %mul3A_576 = arith.muli %add3A_506, %mul3A_575 : i32
      "tpu.region"() ({
        %run_scoped3A_577 = tpu.sem_alloc : memref<!tpu.dma_semaphore, #tpu.memory_space<semaphore_mem>>
        %dma_start3A_578 = arith.constant 0 : i32
        %dma_start3A_579 = tpu.memref_slice %arg4[%arg0, %mul3A_576, %dma_start3A_578] : memref<2x10000x128xf32, #tpu.memory_space<hbm>> -> memref<1x80x128xf32, #tpu.memory_space<hbm>>
        %dma_start3A_580 = tpu.memref_squeeze %dma_start3A_579 : memref<1x80x128xf32, #tpu.memory_space<hbm>> -> memref<80x128xf32, #tpu.memory_space<hbm>>
        %dma_start3A_581 = arith.constant 0 : i32
        %dma_start3A_582 = tpu.memref_slice %arg7[%mul3A_574, %dma_start3A_581] : memref<10000x128xf32, #tpu.memory_space<vmem_shared>> -> memref<80x128xf32, #tpu.memory_space<vmem_shared>>
        tpu.enqueue_dma source(%dma_start3A_582 : memref<80x128xf32, #tpu.memory_space<vmem_shared>>) target(%dma_start3A_580 : memref<80x128xf32, #tpu.memory_space<hbm>>) target_semaphore(%run_scoped3A_577 : memref<!tpu.dma_semaphore, #tpu.memory_space<semaphore_mem>>)
        %dma_wait3A_583 = arith.constant 0 : i32
        %dma_wait3A_584 = tpu.memref_slice %arg4[%arg0, %mul3A_576, %dma_wait3A_583] : memref<2x10000x128xf32, #tpu.memory_space<hbm>> -> memref<1x80x128xf32, #tpu.memory_space<hbm>>
        %dma_wait3A_585 = tpu.memref_squeeze %dma_wait3A_584 : memref<1x80x128xf32, #tpu.memory_space<hbm>> -> memref<80x128xf32, #tpu.memory_space<hbm>>
        %dma_wait3A_586 = arith.constant 0 : i32
        %dma_wait3A_587 = tpu.memref_slice %arg7[%mul3A_574, %dma_wait3A_586] : memref<10000x128xf32, #tpu.memory_space<vmem_shared>> -> memref<80x128xf32, #tpu.memory_space<vmem_shared>>
        tpu.wait_dma2 semaphore(%run_scoped3A_577 : memref<!tpu.dma_semaphore, #tpu.memory_space<semaphore_mem>>) src(%dma_wait3A_587 : memref<80x128xf32, #tpu.memory_space<vmem_shared>>) dst(%dma_wait3A_585 : memref<80x128xf32, #tpu.memory_space<hbm>>)
        tpu.yield
      }) : () -> ()
    } else {
    }
    %add3A_512 = arith.constant 32 : i32
    %add3A_513 = arith.addi %arg1, %add3A_512 : i32
    %lt3A_514 = arith.constant 125 : i32
    %lt3A_515 = arith.cmpi slt, %add3A_513, %lt3A_514 : i32
    %convert_element_type3A_516 = arith.extui %lt3A_515 : i1 to i32
    %cond3A_517 = arith.constant 0 : i32
    %cond3A_518 = arith.cmpi ne, %convert_element_type3A_516, %cond3A_517 : i32
    scf.if %cond3A_518 {
      %mul3A_573 = arith.constant 80 : i32
      %mul3A_574 = arith.muli %add3A_513, %mul3A_573 : i32
      %mul3A_575 = arith.constant 80 : i32
      %mul3A_576 = arith.muli %add3A_513, %mul3A_575 : i32
      "tpu.region"() ({
        %run_scoped3A_577 = tpu.sem_alloc : memref<!tpu.dma_semaphore, #tpu.memory_space<semaphore_mem>>
        %dma_start3A_578 = arith.constant 0 : i32
        %dma_start3A_579 = tpu.memref_slice %arg4[%arg0, %mul3A_576, %dma_start3A_578] : memref<2x10000x128xf32, #tpu.memory_space<hbm>> -> memref<1x80x128xf32, #tpu.memory_space<hbm>>
        %dma_start3A_580 = tpu.memref_squeeze %dma_start3A_579 : memref<1x80x128xf32, #tpu.memory_space<hbm>> -> memref<80x128xf32, #tpu.memory_space<hbm>>
        %dma_start3A_581 = arith.constant 0 : i32
        %dma_start3A_582 = tpu.memref_slice %arg7[%mul3A_574, %dma_start3A_581] : memref<10000x128xf32, #tpu.memory_space<vmem_shared>> -> memref<80x128xf32, #tpu.memory_space<vmem_shared>>
        tpu.enqueue_dma source(%dma_start3A_582 : memref<80x128xf32, #tpu.memory_space<vmem_shared>>) target(%dma_start3A_580 : memref<80x128xf32, #tpu.memory_space<hbm>>) target_semaphore(%run_scoped3A_577 : memref<!tpu.dma_semaphore, #tpu.memory_space<semaphore_mem>>)
        %dma_wait3A_583 = arith.constant 0 : i32
        %dma_wait3A_584 = tpu.memref_slice %arg4[%arg0, %mul3A_576, %dma_wait3A_583] : memref<2x10000x128xf32, #tpu.memory_space<hbm>> -> memref<1x80x128xf32, #tpu.memory_space<hbm>>
        %dma_wait3A_585 = tpu.memref_squeeze %dma_wait3A_584 : memref<1x80x128xf32, #tpu.memory_space<hbm>> -> memref<80x128xf32, #tpu.memory_space<hbm>>
        %dma_wait3A_586 = arith.constant 0 : i32
        %dma_wait3A_587 = tpu.memref_slice %arg7[%mul3A_574, %dma_wait3A_586] : memref<10000x128xf32, #tpu.memory_space<vmem_shared>> -> memref<80x128xf32, #tpu.memory_space<vmem_shared>>
        tpu.wait_dma2 semaphore(%run_scoped3A_577 : memref<!tpu.dma_semaphore, #tpu.memory_space<semaphore_mem>>) src(%dma_wait3A_587 : memref<80x128xf32, #tpu.memory_space<vmem_shared>>) dst(%dma_wait3A_585 : memref<80x128xf32, #tpu.memory_space<hbm>>)
        tpu.yield
      }) : () -> ()
    } else {
    }
    %add3A_519 = arith.constant 48 : i32
    %add3A_520 = arith.addi %arg1, %add3A_519 : i32
    %lt3A_521 = arith.constant 125 : i32
    %lt3A_522 = arith.cmpi slt, %add3A_520, %lt3A_521 : i32
    %convert_element_type3A_523 = arith.extui %lt3A_522 : i1 to i32
    %cond3A_524 = arith.constant 0 : i32
    %cond3A_525 = arith.cmpi ne, %convert_element_type3A_523, %cond3A_524 : i32
    scf.if %cond3A_525 {
      %mul3A_573 = arith.constant 80 : i32
      %mul3A_574 = arith.muli %add3A_520, %mul3A_573 : i32
      %mul3A_575 = arith.constant 80 : i32
      %mul3A_576 = arith.muli %add3A_520, %mul3A_575 : i32
      "tpu.region"() ({
        %run_scoped3A_577 = tpu.sem_alloc : memref<!tpu.dma_semaphore, #tpu.memory_space<semaphore_mem>>
        %dma_start3A_578 = arith.constant 0 : i32
        %dma_start3A_579 = tpu.memref_slice %arg4[%arg0, %mul3A_576, %dma_start3A_578] : memref<2x10000x128xf32, #tpu.memory_space<hbm>> -> memref<1x80x128xf32, #tpu.memory_space<hbm>>
        %dma_start3A_580 = tpu.memref_squeeze %dma_start3A_579 : memref<1x80x128xf32, #tpu.memory_space<hbm>> -> memref<80x128xf32, #tpu.memory_space<hbm>>
        %dma_start3A_581 = arith.constant 0 : i32
        %dma_start3A_582 = tpu.memref_slice %arg7[%mul3A_574, %dma_start3A_581] : memref<10000x128xf32, #tpu.memory_space<vmem_shared>> -> memref<80x128xf32, #tpu.memory_space<vmem_shared>>
        tpu.enqueue_dma source(%dma_start3A_582 : memref<80x128xf32, #tpu.memory_space<vmem_shared>>) target(%dma_start3A_580 : memref<80x128xf32, #tpu.memory_space<hbm>>) target_semaphore(%run_scoped3A_577 : memref<!tpu.dma_semaphore, #tpu.memory_space<semaphore_mem>>)
        %dma_wait3A_583 = arith.constant 0 : i32
        %dma_wait3A_584 = tpu.memref_slice %arg4[%arg0, %mul3A_576, %dma_wait3A_583] : memref<2x10000x128xf32, #tpu.memory_space<hbm>> -> memref<1x80x128xf32, #tpu.memory_space<hbm>>
        %dma_wait3A_585 = tpu.memref_squeeze %dma_wait3A_584 : memref<1x80x128xf32, #tpu.memory_space<hbm>> -> memref<80x128xf32, #tpu.memory_space<hbm>>
        %dma_wait3A_586 = arith.constant 0 : i32
        %dma_wait3A_587 = tpu.memref_slice %arg7[%mul3A_574, %dma_wait3A_586] : memref<10000x128xf32, #tpu.memory_space<vmem_shared>> -> memref<80x128xf32, #tpu.memory_space<vmem_shared>>
        tpu.wait_dma2 semaphore(%run_scoped3A_577 : memref<!tpu.dma_semaphore, #tpu.memory_space<semaphore_mem>>) src(%dma_wait3A_587 : memref<80x128xf32, #tpu.memory_space<vmem_shared>>) dst(%dma_wait3A_585 : memref<80x128xf32, #tpu.memory_space<hbm>>)
        tpu.yield
      }) : () -> ()
    } else {
    }
    %add3A_526 = arith.constant 64 : i32
    %add3A_527 = arith.addi %arg1, %add3A_526 : i32
    %lt3A_528 = arith.constant 125 : i32
    %lt3A_529 = arith.cmpi slt, %add3A_527, %lt3A_528 : i32
    %convert_element_type3A_530 = arith.extui %lt3A_529 : i1 to i32
    %cond3A_531 = arith.constant 0 : i32
    %cond3A_532 = arith.cmpi ne, %convert_element_type3A_530, %cond3A_531 : i32
    scf.if %cond3A_532 {
      %mul3A_573 = arith.constant 80 : i32
      %mul3A_574 = arith.muli %add3A_527, %mul3A_573 : i32
      %mul3A_575 = arith.constant 80 : i32
      %mul3A_576 = arith.muli %add3A_527, %mul3A_575 : i32
      "tpu.region"() ({
        %run_scoped3A_577 = tpu.sem_alloc : memref<!tpu.dma_semaphore, #tpu.memory_space<semaphore_mem>>
        %dma_start3A_578 = arith.constant 0 : i32
        %dma_start3A_579 = tpu.memref_slice %arg4[%arg0, %mul3A_576, %dma_start3A_578] : memref<2x10000x128xf32, #tpu.memory_space<hbm>> -> memref<1x80x128xf32, #tpu.memory_space<hbm>>
        %dma_start3A_580 = tpu.memref_squeeze %dma_start3A_579 : memref<1x80x128xf32, #tpu.memory_space<hbm>> -> memref<80x128xf32, #tpu.memory_space<hbm>>
        %dma_start3A_581 = arith.constant 0 : i32
        %dma_start3A_582 = tpu.memref_slice %arg7[%mul3A_574, %dma_start3A_581] : memref<10000x128xf32, #tpu.memory_space<vmem_shared>> -> memref<80x128xf32, #tpu.memory_space<vmem_shared>>
        tpu.enqueue_dma source(%dma_start3A_582 : memref<80x128xf32, #tpu.memory_space<vmem_shared>>) target(%dma_start3A_580 : memref<80x128xf32, #tpu.memory_space<hbm>>) target_semaphore(%run_scoped3A_577 : memref<!tpu.dma_semaphore, #tpu.memory_space<semaphore_mem>>)
        %dma_wait3A_583 = arith.constant 0 : i32
        %dma_wait3A_584 = tpu.memref_slice %arg4[%arg0, %mul3A_576, %dma_wait3A_583] : memref<2x10000x128xf32, #tpu.memory_space<hbm>> -> memref<1x80x128xf32, #tpu.memory_space<hbm>>
        %dma_wait3A_585 = tpu.memref_squeeze %dma_wait3A_584 : memref<1x80x128xf32, #tpu.memory_space<hbm>> -> memref<80x128xf32, #tpu.memory_space<hbm>>
        %dma_wait3A_586 = arith.constant 0 : i32
        %dma_wait3A_587 = tpu.memref_slice %arg7[%mul3A_574, %dma_wait3A_586] : memref<10000x128xf32, #tpu.memory_space<vmem_shared>> -> memref<80x128xf32, #tpu.memory_space<vmem_shared>>
        tpu.wait_dma2 semaphore(%run_scoped3A_577 : memref<!tpu.dma_semaphore, #tpu.memory_space<semaphore_mem>>) src(%dma_wait3A_587 : memref<80x128xf32, #tpu.memory_space<vmem_shared>>) dst(%dma_wait3A_585 : memref<80x128xf32, #tpu.memory_space<hbm>>)
        tpu.yield
      }) : () -> ()
    } else {
    }
    %add3A_533 = arith.constant 80 : i32
    %add3A_534 = arith.addi %arg1, %add3A_533 : i32
    %lt3A_535 = arith.constant 125 : i32
    %lt3A_536 = arith.cmpi slt, %add3A_534, %lt3A_535 : i32
    %convert_element_type3A_537 = arith.extui %lt3A_536 : i1 to i32
    %cond3A_538 = arith.constant 0 : i32
    %cond3A_539 = arith.cmpi ne, %convert_element_type3A_537, %cond3A_538 : i32
    scf.if %cond3A_539 {
      %mul3A_573 = arith.constant 80 : i32
      %mul3A_574 = arith.muli %add3A_534, %mul3A_573 : i32
      %mul3A_575 = arith.constant 80 : i32
      %mul3A_576 = arith.muli %add3A_534, %mul3A_575 : i32
      "tpu.region"() ({
        %run_scoped3A_577 = tpu.sem_alloc : memref<!tpu.dma_semaphore, #tpu.memory_space<semaphore_mem>>
        %dma_start3A_578 = arith.constant 0 : i32
        %dma_start3A_579 = tpu.memref_slice %arg4[%arg0, %mul3A_576, %dma_start3A_578] : memref<2x10000x128xf32, #tpu.memory_space<hbm>> -> memref<1x80x128xf32, #tpu.memory_space<hbm>>
        %dma_start3A_580 = tpu.memref_squeeze %dma_start3A_579 : memref<1x80x128xf32, #tpu.memory_space<hbm>> -> memref<80x128xf32, #tpu.memory_space<hbm>>
        %dma_start3A_581 = arith.constant 0 : i32
        %dma_start3A_582 = tpu.memref_slice %arg7[%mul3A_574, %dma_start3A_581] : memref<10000x128xf32, #tpu.memory_space<vmem_shared>> -> memref<80x128xf32, #tpu.memory_space<vmem_shared>>
        tpu.enqueue_dma source(%dma_start3A_582 : memref<80x128xf32, #tpu.memory_space<vmem_shared>>) target(%dma_start3A_580 : memref<80x128xf32, #tpu.memory_space<hbm>>) target_semaphore(%run_scoped3A_577 : memref<!tpu.dma_semaphore, #tpu.memory_space<semaphore_mem>>)
        %dma_wait3A_583 = arith.constant 0 : i32
        %dma_wait3A_584 = tpu.memref_slice %arg4[%arg0, %mul3A_576, %dma_wait3A_583] : memref<2x10000x128xf32, #tpu.memory_space<hbm>> -> memref<1x80x128xf32, #tpu.memory_space<hbm>>
        %dma_wait3A_585 = tpu.memref_squeeze %dma_wait3A_584 : memref<1x80x128xf32, #tpu.memory_space<hbm>> -> memref<80x128xf32, #tpu.memory_space<hbm>>
        %dma_wait3A_586 = arith.constant 0 : i32
        %dma_wait3A_587 = tpu.memref_slice %arg7[%mul3A_574, %dma_wait3A_586] : memref<10000x128xf32, #tpu.memory_space<vmem_shared>> -> memref<80x128xf32, #tpu.memory_space<vmem_shared>>
        tpu.wait_dma2 semaphore(%run_scoped3A_577 : memref<!tpu.dma_semaphore, #tpu.memory_space<semaphore_mem>>) src(%dma_wait3A_587 : memref<80x128xf32, #tpu.memory_space<vmem_shared>>) dst(%dma_wait3A_585 : memref<80x128xf32, #tpu.memory_space<hbm>>)
        tpu.yield
      }) : () -> ()
    } else {
    }
    %add3A_540 = arith.constant 96 : i32
    %add3A_541 = arith.addi %arg1, %add3A_540 : i32
    %lt3A_542 = arith.constant 125 : i32
    %lt3A_543 = arith.cmpi slt, %add3A_541, %lt3A_542 : i32
    %convert_element_type3A_544 = arith.extui %lt3A_543 : i1 to i32
    %cond3A_545 = arith.constant 0 : i32
    %cond3A_546 = arith.cmpi ne, %convert_element_type3A_544, %cond3A_545 : i32
    scf.if %cond3A_546 {
      %mul3A_573 = arith.constant 80 : i32
      %mul3A_574 = arith.muli %add3A_541, %mul3A_573 : i32
      %mul3A_575 = arith.constant 80 : i32
      %mul3A_576 = arith.muli %add3A_541, %mul3A_575 : i32
      "tpu.region"() ({
        %run_scoped3A_577 = tpu.sem_alloc : memref<!tpu.dma_semaphore, #tpu.memory_space<semaphore_mem>>
        %dma_start3A_578 = arith.constant 0 : i32
        %dma_start3A_579 = tpu.memref_slice %arg4[%arg0, %mul3A_576, %dma_start3A_578] : memref<2x10000x128xf32, #tpu.memory_space<hbm>> -> memref<1x80x128xf32, #tpu.memory_space<hbm>>
        %dma_start3A_580 = tpu.memref_squeeze %dma_start3A_579 : memref<1x80x128xf32, #tpu.memory_space<hbm>> -> memref<80x128xf32, #tpu.memory_space<hbm>>
        %dma_start3A_581 = arith.constant 0 : i32
        %dma_start3A_582 = tpu.memref_slice %arg7[%mul3A_574, %dma_start3A_581] : memref<10000x128xf32, #tpu.memory_space<vmem_shared>> -> memref<80x128xf32, #tpu.memory_space<vmem_shared>>
        tpu.enqueue_dma source(%dma_start3A_582 : memref<80x128xf32, #tpu.memory_space<vmem_shared>>) target(%dma_start3A_580 : memref<80x128xf32, #tpu.memory_space<hbm>>) target_semaphore(%run_scoped3A_577 : memref<!tpu.dma_semaphore, #tpu.memory_space<semaphore_mem>>)
        %dma_wait3A_583 = arith.constant 0 : i32
        %dma_wait3A_584 = tpu.memref_slice %arg4[%arg0, %mul3A_576, %dma_wait3A_583] : memref<2x10000x128xf32, #tpu.memory_space<hbm>> -> memref<1x80x128xf32, #tpu.memory_space<hbm>>
        %dma_wait3A_585 = tpu.memref_squeeze %dma_wait3A_584 : memref<1x80x128xf32, #tpu.memory_space<hbm>> -> memref<80x128xf32, #tpu.memory_space<hbm>>
        %dma_wait3A_586 = arith.constant 0 : i32
        %dma_wait3A_587 = tpu.memref_slice %arg7[%mul3A_574, %dma_wait3A_586] : memref<10000x128xf32, #tpu.memory_space<vmem_shared>> -> memref<80x128xf32, #tpu.memory_space<vmem_shared>>
        tpu.wait_dma2 semaphore(%run_scoped3A_577 : memref<!tpu.dma_semaphore, #tpu.memory_space<semaphore_mem>>) src(%dma_wait3A_587 : memref<80x128xf32, #tpu.memory_space<vmem_shared>>) dst(%dma_wait3A_585 : memref<80x128xf32, #tpu.memory_space<hbm>>)
        tpu.yield
      }) : () -> ()
    } else {
    }
    %add3A_547 = arith.constant 112 : i32
    %add3A_548 = arith.addi %arg1, %add3A_547 : i32
    %lt3A_549 = arith.constant 125 : i32
    %lt3A_550 = arith.cmpi slt, %add3A_548, %lt3A_549 : i32
    %convert_element_type3A_551 = arith.extui %lt3A_550 : i1 to i32
    %cond3A_552 = arith.constant 0 : i32
    %cond3A_553 = arith.cmpi ne, %convert_element_type3A_551, %cond3A_552 : i32
    scf.if %cond3A_553 {
      %mul3A_573 = arith.constant 80 : i32
      %mul3A_574 = arith.muli %add3A_548, %mul3A_573 : i32
      %mul3A_575 = arith.constant 80 : i32
      %mul3A_576 = arith.muli %add3A_548, %mul3A_575 : i32
      "tpu.region"() ({
        %run_scoped3A_577 = tpu.sem_alloc : memref<!tpu.dma_semaphore, #tpu.memory_space<semaphore_mem>>
        %dma_start3A_578 = arith.constant 0 : i32
        %dma_start3A_579 = tpu.memref_slice %arg4[%arg0, %mul3A_576, %dma_start3A_578] : memref<2x10000x128xf32, #tpu.memory_space<hbm>> -> memref<1x80x128xf32, #tpu.memory_space<hbm>>
        %dma_start3A_580 = tpu.memref_squeeze %dma_start3A_579 : memref<1x80x128xf32, #tpu.memory_space<hbm>> -> memref<80x128xf32, #tpu.memory_space<hbm>>
        %dma_start3A_581 = arith.constant 0 : i32
        %dma_start3A_582 = tpu.memref_slice %arg7[%mul3A_574, %dma_start3A_581] : memref<10000x128xf32, #tpu.memory_space<vmem_shared>> -> memref<80x128xf32, #tpu.memory_space<vmem_shared>>
        tpu.enqueue_dma source(%dma_start3A_582 : memref<80x128xf32, #tpu.memory_space<vmem_shared>>) target(%dma_start3A_580 : memref<80x128xf32, #tpu.memory_space<hbm>>) target_semaphore(%run_scoped3A_577 : memref<!tpu.dma_semaphore, #tpu.memory_space<semaphore_mem>>)
        %dma_wait3A_583 = arith.constant 0 : i32
        %dma_wait3A_584 = tpu.memref_slice %arg4[%arg0, %mul3A_576, %dma_wait3A_583] : memref<2x10000x128xf32, #tpu.memory_space<hbm>> -> memref<1x80x128xf32, #tpu.memory_space<hbm>>
        %dma_wait3A_585 = tpu.memref_squeeze %dma_wait3A_584 : memref<1x80x128xf32, #tpu.memory_space<hbm>> -> memref<80x128xf32, #tpu.memory_space<hbm>>
        %dma_wait3A_586 = arith.constant 0 : i32
        %dma_wait3A_587 = tpu.memref_slice %arg7[%mul3A_574, %dma_wait3A_586] : memref<10000x128xf32, #tpu.memory_space<vmem_shared>> -> memref<80x128xf32, #tpu.memory_space<vmem_shared>>
        tpu.wait_dma2 semaphore(%run_scoped3A_577 : memref<!tpu.dma_semaphore, #tpu.memory_space<semaphore_mem>>) src(%dma_wait3A_587 : memref<80x128xf32, #tpu.memory_space<vmem_shared>>) dst(%dma_wait3A_585 : memref<80x128xf32, #tpu.memory_space<hbm>>)
        tpu.yield
      }) : () -> ()
    } else {
    }
    %run_scoped3A = arith.constant 0 : i32
    "tpu.region"() ({
      %run_scoped3A_573 = tpu.sem_alloc : memref<!tpu.dma_semaphore, #tpu.memory_space<semaphore_mem>>
      %dma_start3A_574 = arith.constant 0 : i32
      %dma_start3A_575 = tpu.memref_slice %arg13[%dma_start3A_574] : memref<10000xf32, #tpu.memory_space<vmem>> -> memref<1000xf32, #tpu.memory_space<vmem>>
      %dma_start3A_576 = arith.constant 0 : i32
      %dma_start3A_577 = tpu.memref_slice %arg5[%run_scoped3A, %add3A, %dma_start3A_576] : memref<10x32x1000xf32, #tpu.memory_space<hbm>> -> memref<1x1x1000xf32, #tpu.memory_space<hbm>>
      %dma_start3A_578 = tpu.memref_squeeze %dma_start3A_577 : memref<1x1x1000xf32, #tpu.memory_space<hbm>> -> memref<1000xf32, #tpu.memory_space<hbm>>
      %dma_start3A_579 = arith.constant 0 : i32
      %dma_start3A_580 = tpu.memref_slice %arg5[%run_scoped3A, %add3A, %dma_start3A_579] : memref<10x32x1000xf32, #tpu.memory_space<hbm>> -> memref<1x1x1000xf32, #tpu.memory_space<hbm>>
      %dma_start3A_581 = tpu.memref_squeeze %dma_start3A_580 : memref<1x1x1000xf32, #tpu.memory_space<hbm>> -> memref<1000xf32, #tpu.memory_space<hbm>>
      %dma_start3A_582 = arith.constant 0 : i32
      %dma_start3A_583 = tpu.memref_slice %arg13[%dma_start3A_582] : memref<10000xf32, #tpu.memory_space<vmem>> -> memref<1000xf32, #tpu.memory_space<vmem>>
      tpu.enqueue_dma source(%dma_start3A_583 : memref<1000xf32, #tpu.memory_space<vmem>>) target(%dma_start3A_581 : memref<1000xf32, #tpu.memory_space<hbm>>) target_semaphore(%run_scoped3A_573 : memref<!tpu.dma_semaphore, #tpu.memory_space<semaphore_mem>>)
      %dma_wait3A_584 = arith.constant 0 : i32
      %dma_wait3A_585 = tpu.memref_slice %arg13[%dma_wait3A_584] : memref<10000xf32, #tpu.memory_space<vmem>> -> memref<1000xf32, #tpu.memory_space<vmem>>
      %dma_wait3A_586 = arith.constant 0 : i32
      %dma_wait3A_587 = tpu.memref_slice %arg5[%run_scoped3A, %add3A, %dma_wait3A_586] : memref<10x32x1000xf32, #tpu.memory_space<hbm>> -> memref<1x1x1000xf32, #tpu.memory_space<hbm>>
      %dma_wait3A_588 = tpu.memref_squeeze %dma_wait3A_587 : memref<1x1x1000xf32, #tpu.memory_space<hbm>> -> memref<1000xf32, #tpu.memory_space<hbm>>
      %dma_wait3A_589 = arith.constant 0 : i32
      %dma_wait3A_590 = tpu.memref_slice %arg5[%run_scoped3A, %add3A, %dma_wait3A_589] : memref<10x32x1000xf32, #tpu.memory_space<hbm>> -> memref<1x1x1000xf32, #tpu.memory_space<hbm>>
      %dma_wait3A_591 = tpu.memref_squeeze %dma_wait3A_590 : memref<1x1x1000xf32, #tpu.memory_space<hbm>> -> memref<1000xf32, #tpu.memory_space<hbm>>
      %dma_wait3A_592 = arith.constant 0 : i32
      %dma_wait3A_593 = tpu.memref_slice %arg13[%dma_wait3A_592] : memref<10000xf32, #tpu.memory_space<vmem>> -> memref<1000xf32, #tpu.memory_space<vmem>>
      tpu.wait_dma2 semaphore(%run_scoped3A_573 : memref<!tpu.dma_semaphore, #tpu.memory_space<semaphore_mem>>) src(%dma_wait3A_593 : memref<1000xf32, #tpu.memory_space<vmem>>) dst(%dma_wait3A_591 : memref<1000xf32, #tpu.memory_space<hbm>>)
      tpu.yield
    }) : () -> ()
    %run_scoped3A_554 = arith.constant 0 : i32
    "tpu.region"() ({
      %run_scoped3A_573 = tpu.sem_alloc : memref<!tpu.dma_semaphore, #tpu.memory_space<semaphore_mem>>
      %dma_start3A_574 = arith.constant 0 : i32
      %dma_start3A_575 = tpu.memref_slice %arg14[%dma_start3A_574] : memref<10000xf32, #tpu.memory_space<vmem>> -> memref<1000xf32, #tpu.memory_space<vmem>>
      %dma_start3A_576 = arith.constant 0 : i32
      %dma_start3A_577 = tpu.memref_slice %arg6[%run_scoped3A_554, %add3A, %dma_start3A_576] : memref<10x32x1000xf32, #tpu.memory_space<hbm>> -> memref<1x1x1000xf32, #tpu.memory_space<hbm>>
      %dma_start3A_578 = tpu.memref_squeeze %dma_start3A_577 : memref<1x1x1000xf32, #tpu.memory_space<hbm>> -> memref<1000xf32, #tpu.memory_space<hbm>>
      %dma_start3A_579 = arith.constant 0 : i32
      %dma_start3A_580 = tpu.memref_slice %arg6[%run_scoped3A_554, %add3A, %dma_start3A_579] : memref<10x32x1000xf32, #tpu.memory_space<hbm>> -> memref<1x1x1000xf32, #tpu.memory_space<hbm>>
      %dma_start3A_581 = tpu.memref_squeeze %dma_start3A_580 : memref<1x1x1000xf32, #tpu.memory_space<hbm>> -> memref<1000xf32, #tpu.memory_space<hbm>>
      %dma_start3A_582 = arith.constant 0 : i32
      %dma_start3A_583 = tpu.memref_slice %arg14[%dma_start3A_582] : memref<10000xf32, #tpu.memory_space<vmem>> -> memref<1000xf32, #tpu.memory_space<vmem>>
      tpu.enqueue_dma source(%dma_start3A_583 : memref<1000xf32, #tpu.memory_space<vmem>>) target(%dma_start3A_581 : memref<1000xf32, #tpu.memory_space<hbm>>) target_semaphore(%run_scoped3A_573 : memref<!tpu.dma_semaphore, #tpu.memory_space<semaphore_mem>>)
      %dma_wait3A_584 = arith.constant 0 : i32
      %dma_wait3A_585 = tpu.memref_slice %arg14[%dma_wait3A_584] : memref<10000xf32, #tpu.memory_space<vmem>> -> memref<1000xf32, #tpu.memory_space<vmem>>
      %dma_wait3A_586 = arith.constant 0 : i32
      %dma_wait3A_587 = tpu.memref_slice %arg6[%run_scoped3A_554, %add3A, %dma_wait3A_586] : memref<10x32x1000xf32, #tpu.memory_space<hbm>> -> memref<1x1x1000xf32, #tpu.memory_space<hbm>>
      %dma_wait3A_588 = tpu.memref_squeeze %dma_wait3A_587 : memref<1x1x1000xf32, #tpu.memory_space<hbm>> -> memref<1000xf32, #tpu.memory_space<hbm>>
      %dma_wait3A_589 = arith.constant 0 : i32
      %dma_wait3A_590 = tpu.memref_slice %arg6[%run_scoped3A_554, %add3A, %dma_wait3A_589] : memref<10x32x1000xf32, #tpu.memory_space<hbm>> -> memref<1x1x1000xf32, #tpu.memory_space<hbm>>
      %dma_wait3A_591 = tpu.memref_squeeze %dma_wait3A_590 : memref<1x1x1000xf32, #tpu.memory_space<hbm>> -> memref<1000xf32, #tpu.memory_space<hbm>>
      %dma_wait3A_592 = arith.constant 0 : i32
      %dma_wait3A_593 = tpu.memref_slice %arg14[%dma_wait3A_592] : memref<10000xf32, #tpu.memory_space<vmem>> -> memref<1000xf32, #tpu.memory_space<vmem>>
      tpu.wait_dma2 semaphore(%run_scoped3A_573 : memref<!tpu.dma_semaphore, #tpu.memory_space<semaphore_mem>>) src(%dma_wait3A_593 : memref<1000xf32, #tpu.memory_space<vmem>>) dst(%dma_wait3A_591 : memref<1000xf32, #tpu.memory_space<hbm>>)
      tpu.yield
    }) : () -> ()
    %run_scoped3A_555 = arith.constant 1 : i32
    "tpu.region"() ({
      %run_scoped3A_573 = tpu.sem_alloc : memref<!tpu.dma_semaphore, #tpu.memory_space<semaphore_mem>>
      %dma_start3A_574 = arith.constant 1000 : i32
      %dma_start3A_575 = tpu.memref_slice %arg13[%dma_start3A_574] : memref<10000xf32, #tpu.memory_space<vmem>> -> memref<1000xf32, #tpu.memory_space<vmem>>
      %dma_start3A_576 = arith.constant 0 : i32
      %dma_start3A_577 = tpu.memref_slice %arg5[%run_scoped3A_555, %add3A, %dma_start3A_576] : memref<10x32x1000xf32, #tpu.memory_space<hbm>> -> memref<1x1x1000xf32, #tpu.memory_space<hbm>>
      %dma_start3A_578 = tpu.memref_squeeze %dma_start3A_577 : memref<1x1x1000xf32, #tpu.memory_space<hbm>> -> memref<1000xf32, #tpu.memory_space<hbm>>
      %dma_start3A_579 = arith.constant 0 : i32
      %dma_start3A_580 = tpu.memref_slice %arg5[%run_scoped3A_555, %add3A, %dma_start3A_579] : memref<10x32x1000xf32, #tpu.memory_space<hbm>> -> memref<1x1x1000xf32, #tpu.memory_space<hbm>>
      %dma_start3A_581 = tpu.memref_squeeze %dma_start3A_580 : memref<1x1x1000xf32, #tpu.memory_space<hbm>> -> memref<1000xf32, #tpu.memory_space<hbm>>
      %dma_start3A_582 = arith.constant 1000 : i32
      %dma_start3A_583 = tpu.memref_slice %arg13[%dma_start3A_582] : memref<10000xf32, #tpu.memory_space<vmem>> -> memref<1000xf32, #tpu.memory_space<vmem>>
      tpu.enqueue_dma source(%dma_start3A_583 : memref<1000xf32, #tpu.memory_space<vmem>>) target(%dma_start3A_581 : memref<1000xf32, #tpu.memory_space<hbm>>) target_semaphore(%run_scoped3A_573 : memref<!tpu.dma_semaphore, #tpu.memory_space<semaphore_mem>>)
      %dma_wait3A_584 = arith.constant 1000 : i32
      %dma_wait3A_585 = tpu.memref_slice %arg13[%dma_wait3A_584] : memref<10000xf32, #tpu.memory_space<vmem>> -> memref<1000xf32, #tpu.memory_space<vmem>>
      %dma_wait3A_586 = arith.constant 0 : i32
      %dma_wait3A_587 = tpu.memref_slice %arg5[%run_scoped3A_555, %add3A, %dma_wait3A_586] : memref<10x32x1000xf32, #tpu.memory_space<hbm>> -> memref<1x1x1000xf32, #tpu.memory_space<hbm>>
      %dma_wait3A_588 = tpu.memref_squeeze %dma_wait3A_587 : memref<1x1x1000xf32, #tpu.memory_space<hbm>> -> memref<1000xf32, #tpu.memory_space<hbm>>
      %dma_wait3A_589 = arith.constant 0 : i32
      %dma_wait3A_590 = tpu.memref_slice %arg5[%run_scoped3A_555, %add3A, %dma_wait3A_589] : memref<10x32x1000xf32, #tpu.memory_space<hbm>> -> memref<1x1x1000xf32, #tpu.memory_space<hbm>>
      %dma_wait3A_591 = tpu.memref_squeeze %dma_wait3A_590 : memref<1x1x1000xf32, #tpu.memory_space<hbm>> -> memref<1000xf32, #tpu.memory_space<hbm>>
      %dma_wait3A_592 = arith.constant 1000 : i32
      %dma_wait3A_593 = tpu.memref_slice %arg13[%dma_wait3A_592] : memref<10000xf32, #tpu.memory_space<vmem>> -> memref<1000xf32, #tpu.memory_space<vmem>>
      tpu.wait_dma2 semaphore(%run_scoped3A_573 : memref<!tpu.dma_semaphore, #tpu.memory_space<semaphore_mem>>) src(%dma_wait3A_593 : memref<1000xf32, #tpu.memory_space<vmem>>) dst(%dma_wait3A_591 : memref<1000xf32, #tpu.memory_space<hbm>>)
      tpu.yield
    }) : () -> ()
    %run_scoped3A_556 = arith.constant 1 : i32
    "tpu.region"() ({
      %run_scoped3A_573 = tpu.sem_alloc : memref<!tpu.dma_semaphore, #tpu.memory_space<semaphore_mem>>
      %dma_start3A_574 = arith.constant 1000 : i32
      %dma_start3A_575 = tpu.memref_slice %arg14[%dma_start3A_574] : memref<10000xf32, #tpu.memory_space<vmem>> -> memref<1000xf32, #tpu.memory_space<vmem>>
      %dma_start3A_576 = arith.constant 0 : i32
      %dma_start3A_577 = tpu.memref_slice %arg6[%run_scoped3A_556, %add3A, %dma_start3A_576] : memref<10x32x1000xf32, #tpu.memory_space<hbm>> -> memref<1x1x1000xf32, #tpu.memory_space<hbm>>
      %dma_start3A_578 = tpu.memref_squeeze %dma_start3A_577 : memref<1x1x1000xf32, #tpu.memory_space<hbm>> -> memref<1000xf32, #tpu.memory_space<hbm>>
      %dma_start3A_579 = arith.constant 0 : i32
      %dma_start3A_580 = tpu.memref_slice %arg6[%run_scoped3A_556, %add3A, %dma_start3A_579] : memref<10x32x1000xf32, #tpu.memory_space<hbm>> -> memref<1x1x1000xf32, #tpu.memory_space<hbm>>
      %dma_start3A_581 = tpu.memref_squeeze %dma_start3A_580 : memref<1x1x1000xf32, #tpu.memory_space<hbm>> -> memref<1000xf32, #tpu.memory_space<hbm>>
      %dma_start3A_582 = arith.constant 1000 : i32
      %dma_start3A_583 = tpu.memref_slice %arg14[%dma_start3A_582] : memref<10000xf32, #tpu.memory_space<vmem>> -> memref<1000xf32, #tpu.memory_space<vmem>>
      tpu.enqueue_dma source(%dma_start3A_583 : memref<1000xf32, #tpu.memory_space<vmem>>) target(%dma_start3A_581 : memref<1000xf32, #tpu.memory_space<hbm>>) target_semaphore(%run_scoped3A_573 : memref<!tpu.dma_semaphore, #tpu.memory_space<semaphore_mem>>)
      %dma_wait3A_584 = arith.constant 1000 : i32
      %dma_wait3A_585 = tpu.memref_slice %arg14[%dma_wait3A_584] : memref<10000xf32, #tpu.memory_space<vmem>> -> memref<1000xf32, #tpu.memory_space<vmem>>
      %dma_wait3A_586 = arith.constant 0 : i32
      %dma_wait3A_587 = tpu.memref_slice %arg6[%run_scoped3A_556, %add3A, %dma_wait3A_586] : memref<10x32x1000xf32, #tpu.memory_space<hbm>> -> memref<1x1x1000xf32, #tpu.memory_space<hbm>>
      %dma_wait3A_588 = tpu.memref_squeeze %dma_wait3A_587 : memref<1x1x1000xf32, #tpu.memory_space<hbm>> -> memref<1000xf32, #tpu.memory_space<hbm>>
      %dma_wait3A_589 = arith.constant 0 : i32
      %dma_wait3A_590 = tpu.memref_slice %arg6[%run_scoped3A_556, %add3A, %dma_wait3A_589] : memref<10x32x1000xf32, #tpu.memory_space<hbm>> -> memref<1x1x1000xf32, #tpu.memory_space<hbm>>
      %dma_wait3A_591 = tpu.memref_squeeze %dma_wait3A_590 : memref<1x1x1000xf32, #tpu.memory_space<hbm>> -> memref<1000xf32, #tpu.memory_space<hbm>>
      %dma_wait3A_592 = arith.constant 1000 : i32
      %dma_wait3A_593 = tpu.memref_slice %arg14[%dma_wait3A_592] : memref<10000xf32, #tpu.memory_space<vmem>> -> memref<1000xf32, #tpu.memory_space<vmem>>
      tpu.wait_dma2 semaphore(%run_scoped3A_573 : memref<!tpu.dma_semaphore, #tpu.memory_space<semaphore_mem>>) src(%dma_wait3A_593 : memref<1000xf32, #tpu.memory_space<vmem>>) dst(%dma_wait3A_591 : memref<1000xf32, #tpu.memory_space<hbm>>)
      tpu.yield
    }) : () -> ()
    %run_scoped3A_557 = arith.constant 2 : i32
    "tpu.region"() ({
      %run_scoped3A_573 = tpu.sem_alloc : memref<!tpu.dma_semaphore, #tpu.memory_space<semaphore_mem>>
      %dma_start3A_574 = arith.constant 2000 : i32
      %dma_start3A_575 = tpu.memref_slice %arg13[%dma_start3A_574] : memref<10000xf32, #tpu.memory_space<vmem>> -> memref<1000xf32, #tpu.memory_space<vmem>>
      %dma_start3A_576 = arith.constant 0 : i32
      %dma_start3A_577 = tpu.memref_slice %arg5[%run_scoped3A_557, %add3A, %dma_start3A_576] : memref<10x32x1000xf32, #tpu.memory_space<hbm>> -> memref<1x1x1000xf32, #tpu.memory_space<hbm>>
      %dma_start3A_578 = tpu.memref_squeeze %dma_start3A_577 : memref<1x1x1000xf32, #tpu.memory_space<hbm>> -> memref<1000xf32, #tpu.memory_space<hbm>>
      %dma_start3A_579 = arith.constant 0 : i32
      %dma_start3A_580 = tpu.memref_slice %arg5[%run_scoped3A_557, %add3A, %dma_start3A_579] : memref<10x32x1000xf32, #tpu.memory_space<hbm>> -> memref<1x1x1000xf32, #tpu.memory_space<hbm>>
      %dma_start3A_581 = tpu.memref_squeeze %dma_start3A_580 : memref<1x1x1000xf32, #tpu.memory_space<hbm>> -> memref<1000xf32, #tpu.memory_space<hbm>>
      %dma_start3A_582 = arith.constant 2000 : i32
      %dma_start3A_583 = tpu.memref_slice %arg13[%dma_start3A_582] : memref<10000xf32, #tpu.memory_space<vmem>> -> memref<1000xf32, #tpu.memory_space<vmem>>
      tpu.enqueue_dma source(%dma_start3A_583 : memref<1000xf32, #tpu.memory_space<vmem>>) target(%dma_start3A_581 : memref<1000xf32, #tpu.memory_space<hbm>>) target_semaphore(%run_scoped3A_573 : memref<!tpu.dma_semaphore, #tpu.memory_space<semaphore_mem>>)
      %dma_wait3A_584 = arith.constant 2000 : i32
      %dma_wait3A_585 = tpu.memref_slice %arg13[%dma_wait3A_584] : memref<10000xf32, #tpu.memory_space<vmem>> -> memref<1000xf32, #tpu.memory_space<vmem>>
      %dma_wait3A_586 = arith.constant 0 : i32
      %dma_wait3A_587 = tpu.memref_slice %arg5[%run_scoped3A_557, %add3A, %dma_wait3A_586] : memref<10x32x1000xf32, #tpu.memory_space<hbm>> -> memref<1x1x1000xf32, #tpu.memory_space<hbm>>
      %dma_wait3A_588 = tpu.memref_squeeze %dma_wait3A_587 : memref<1x1x1000xf32, #tpu.memory_space<hbm>> -> memref<1000xf32, #tpu.memory_space<hbm>>
      %dma_wait3A_589 = arith.constant 0 : i32
      %dma_wait3A_590 = tpu.memref_slice %arg5[%run_scoped3A_557, %add3A, %dma_wait3A_589] : memref<10x32x1000xf32, #tpu.memory_space<hbm>> -> memref<1x1x1000xf32, #tpu.memory_space<hbm>>
      %dma_wait3A_591 = tpu.memref_squeeze %dma_wait3A_590 : memref<1x1x1000xf32, #tpu.memory_space<hbm>> -> memref<1000xf32, #tpu.memory_space<hbm>>
      %dma_wait3A_592 = arith.constant 2000 : i32
      %dma_wait3A_593 = tpu.memref_slice %arg13[%dma_wait3A_592] : memref<10000xf32, #tpu.memory_space<vmem>> -> memref<1000xf32, #tpu.memory_space<vmem>>
      tpu.wait_dma2 semaphore(%run_scoped3A_573 : memref<!tpu.dma_semaphore, #tpu.memory_space<semaphore_mem>>) src(%dma_wait3A_593 : memref<1000xf32, #tpu.memory_space<vmem>>) dst(%dma_wait3A_591 : memref<1000xf32, #tpu.memory_space<hbm>>)
      tpu.yield
    }) : () -> ()
    %run_scoped3A_558 = arith.constant 2 : i32
    "tpu.region"() ({
      %run_scoped3A_573 = tpu.sem_alloc : memref<!tpu.dma_semaphore, #tpu.memory_space<semaphore_mem>>
      %dma_start3A_574 = arith.constant 2000 : i32
      %dma_start3A_575 = tpu.memref_slice %arg14[%dma_start3A_574] : memref<10000xf32, #tpu.memory_space<vmem>> -> memref<1000xf32, #tpu.memory_space<vmem>>
      %dma_start3A_576 = arith.constant 0 : i32
      %dma_start3A_577 = tpu.memref_slice %arg6[%run_scoped3A_558, %add3A, %dma_start3A_576] : memref<10x32x1000xf32, #tpu.memory_space<hbm>> -> memref<1x1x1000xf32, #tpu.memory_space<hbm>>
      %dma_start3A_578 = tpu.memref_squeeze %dma_start3A_577 : memref<1x1x1000xf32, #tpu.memory_space<hbm>> -> memref<1000xf32, #tpu.memory_space<hbm>>
      %dma_start3A_579 = arith.constant 0 : i32
      %dma_start3A_580 = tpu.memref_slice %arg6[%run_scoped3A_558, %add3A, %dma_start3A_579] : memref<10x32x1000xf32, #tpu.memory_space<hbm>> -> memref<1x1x1000xf32, #tpu.memory_space<hbm>>
      %dma_start3A_581 = tpu.memref_squeeze %dma_start3A_580 : memref<1x1x1000xf32, #tpu.memory_space<hbm>> -> memref<1000xf32, #tpu.memory_space<hbm>>
      %dma_start3A_582 = arith.constant 2000 : i32
      %dma_start3A_583 = tpu.memref_slice %arg14[%dma_start3A_582] : memref<10000xf32, #tpu.memory_space<vmem>> -> memref<1000xf32, #tpu.memory_space<vmem>>
      tpu.enqueue_dma source(%dma_start3A_583 : memref<1000xf32, #tpu.memory_space<vmem>>) target(%dma_start3A_581 : memref<1000xf32, #tpu.memory_space<hbm>>) target_semaphore(%run_scoped3A_573 : memref<!tpu.dma_semaphore, #tpu.memory_space<semaphore_mem>>)
      %dma_wait3A_584 = arith.constant 2000 : i32
      %dma_wait3A_585 = tpu.memref_slice %arg14[%dma_wait3A_584] : memref<10000xf32, #tpu.memory_space<vmem>> -> memref<1000xf32, #tpu.memory_space<vmem>>
      %dma_wait3A_586 = arith.constant 0 : i32
      %dma_wait3A_587 = tpu.memref_slice %arg6[%run_scoped3A_558, %add3A, %dma_wait3A_586] : memref<10x32x1000xf32, #tpu.memory_space<hbm>> -> memref<1x1x1000xf32, #tpu.memory_space<hbm>>
      %dma_wait3A_588 = tpu.memref_squeeze %dma_wait3A_587 : memref<1x1x1000xf32, #tpu.memory_space<hbm>> -> memref<1000xf32, #tpu.memory_space<hbm>>
      %dma_wait3A_589 = arith.constant 0 : i32
      %dma_wait3A_590 = tpu.memref_slice %arg6[%run_scoped3A_558, %add3A, %dma_wait3A_589] : memref<10x32x1000xf32, #tpu.memory_space<hbm>> -> memref<1x1x1000xf32, #tpu.memory_space<hbm>>
      %dma_wait3A_591 = tpu.memref_squeeze %dma_wait3A_590 : memref<1x1x1000xf32, #tpu.memory_space<hbm>> -> memref<1000xf32, #tpu.memory_space<hbm>>
      %dma_wait3A_592 = arith.constant 2000 : i32
      %dma_wait3A_593 = tpu.memref_slice %arg14[%dma_wait3A_592] : memref<10000xf32, #tpu.memory_space<vmem>> -> memref<1000xf32, #tpu.memory_space<vmem>>
      tpu.wait_dma2 semaphore(%run_scoped3A_573 : memref<!tpu.dma_semaphore, #tpu.memory_space<semaphore_mem>>) src(%dma_wait3A_593 : memref<1000xf32, #tpu.memory_space<vmem>>) dst(%dma_wait3A_591 : memref<1000xf32, #tpu.memory_space<hbm>>)
      tpu.yield
    }) : () -> ()
    %run_scoped3A_559 = arith.constant 3 : i32
    "tpu.region"() ({
      %run_scoped3A_573 = tpu.sem_alloc : memref<!tpu.dma_semaphore, #tpu.memory_space<semaphore_mem>>
      %dma_start3A_574 = arith.constant 3000 : i32
      %dma_start3A_575 = tpu.memref_slice %arg13[%dma_start3A_574] : memref<10000xf32, #tpu.memory_space<vmem>> -> memref<1000xf32, #tpu.memory_space<vmem>>
      %dma_start3A_576 = arith.constant 0 : i32
      %dma_start3A_577 = tpu.memref_slice %arg5[%run_scoped3A_559, %add3A, %dma_start3A_576] : memref<10x32x1000xf32, #tpu.memory_space<hbm>> -> memref<1x1x1000xf32, #tpu.memory_space<hbm>>
      %dma_start3A_578 = tpu.memref_squeeze %dma_start3A_577 : memref<1x1x1000xf32, #tpu.memory_space<hbm>> -> memref<1000xf32, #tpu.memory_space<hbm>>
      %dma_start3A_579 = arith.constant 0 : i32
      %dma_start3A_580 = tpu.memref_slice %arg5[%run_scoped3A_559, %add3A, %dma_start3A_579] : memref<10x32x1000xf32, #tpu.memory_space<hbm>> -> memref<1x1x1000xf32, #tpu.memory_space<hbm>>
      %dma_start3A_581 = tpu.memref_squeeze %dma_start3A_580 : memref<1x1x1000xf32, #tpu.memory_space<hbm>> -> memref<1000xf32, #tpu.memory_space<hbm>>
      %dma_start3A_582 = arith.constant 3000 : i32
      %dma_start3A_583 = tpu.memref_slice %arg13[%dma_start3A_582] : memref<10000xf32, #tpu.memory_space<vmem>> -> memref<1000xf32, #tpu.memory_space<vmem>>
      tpu.enqueue_dma source(%dma_start3A_583 : memref<1000xf32, #tpu.memory_space<vmem>>) target(%dma_start3A_581 : memref<1000xf32, #tpu.memory_space<hbm>>) target_semaphore(%run_scoped3A_573 : memref<!tpu.dma_semaphore, #tpu.memory_space<semaphore_mem>>)
      %dma_wait3A_584 = arith.constant 3000 : i32
      %dma_wait3A_585 = tpu.memref_slice %arg13[%dma_wait3A_584] : memref<10000xf32, #tpu.memory_space<vmem>> -> memref<1000xf32, #tpu.memory_space<vmem>>
      %dma_wait3A_586 = arith.constant 0 : i32
      %dma_wait3A_587 = tpu.memref_slice %arg5[%run_scoped3A_559, %add3A, %dma_wait3A_586] : memref<10x32x1000xf32, #tpu.memory_space<hbm>> -> memref<1x1x1000xf32, #tpu.memory_space<hbm>>
      %dma_wait3A_588 = tpu.memref_squeeze %dma_wait3A_587 : memref<1x1x1000xf32, #tpu.memory_space<hbm>> -> memref<1000xf32, #tpu.memory_space<hbm>>
      %dma_wait3A_589 = arith.constant 0 : i32
      %dma_wait3A_590 = tpu.memref_slice %arg5[%run_scoped3A_559, %add3A, %dma_wait3A_589] : memref<10x32x1000xf32, #tpu.memory_space<hbm>> -> memref<1x1x1000xf32, #tpu.memory_space<hbm>>
      %dma_wait3A_591 = tpu.memref_squeeze %dma_wait3A_590 : memref<1x1x1000xf32, #tpu.memory_space<hbm>> -> memref<1000xf32, #tpu.memory_space<hbm>>
      %dma_wait3A_592 = arith.constant 3000 : i32
      %dma_wait3A_593 = tpu.memref_slice %arg13[%dma_wait3A_592] : memref<10000xf32, #tpu.memory_space<vmem>> -> memref<1000xf32, #tpu.memory_space<vmem>>
      tpu.wait_dma2 semaphore(%run_scoped3A_573 : memref<!tpu.dma_semaphore, #tpu.memory_space<semaphore_mem>>) src(%dma_wait3A_593 : memref<1000xf32, #tpu.memory_space<vmem>>) dst(%dma_wait3A_591 : memref<1000xf32, #tpu.memory_space<hbm>>)
      tpu.yield
    }) : () -> ()
    %run_scoped3A_560 = arith.constant 3 : i32
    "tpu.region"() ({
      %run_scoped3A_573 = tpu.sem_alloc : memref<!tpu.dma_semaphore, #tpu.memory_space<semaphore_mem>>
      %dma_start3A_574 = arith.constant 3000 : i32
      %dma_start3A_575 = tpu.memref_slice %arg14[%dma_start3A_574] : memref<10000xf32, #tpu.memory_space<vmem>> -> memref<1000xf32, #tpu.memory_space<vmem>>
      %dma_start3A_576 = arith.constant 0 : i32
      %dma_start3A_577 = tpu.memref_slice %arg6[%run_scoped3A_560, %add3A, %dma_start3A_576] : memref<10x32x1000xf32, #tpu.memory_space<hbm>> -> memref<1x1x1000xf32, #tpu.memory_space<hbm>>
      %dma_start3A_578 = tpu.memref_squeeze %dma_start3A_577 : memref<1x1x1000xf32, #tpu.memory_space<hbm>> -> memref<1000xf32, #tpu.memory_space<hbm>>
      %dma_start3A_579 = arith.constant 0 : i32
      %dma_start3A_580 = tpu.memref_slice %arg6[%run_scoped3A_560, %add3A, %dma_start3A_579] : memref<10x32x1000xf32, #tpu.memory_space<hbm>> -> memref<1x1x1000xf32, #tpu.memory_space<hbm>>
      %dma_start3A_581 = tpu.memref_squeeze %dma_start3A_580 : memref<1x1x1000xf32, #tpu.memory_space<hbm>> -> memref<1000xf32, #tpu.memory_space<hbm>>
      %dma_start3A_582 = arith.constant 3000 : i32
      %dma_start3A_583 = tpu.memref_slice %arg14[%dma_start3A_582] : memref<10000xf32, #tpu.memory_space<vmem>> -> memref<1000xf32, #tpu.memory_space<vmem>>
      tpu.enqueue_dma source(%dma_start3A_583 : memref<1000xf32, #tpu.memory_space<vmem>>) target(%dma_start3A_581 : memref<1000xf32, #tpu.memory_space<hbm>>) target_semaphore(%run_scoped3A_573 : memref<!tpu.dma_semaphore, #tpu.memory_space<semaphore_mem>>)
      %dma_wait3A_584 = arith.constant 3000 : i32
      %dma_wait3A_585 = tpu.memref_slice %arg14[%dma_wait3A_584] : memref<10000xf32, #tpu.memory_space<vmem>> -> memref<1000xf32, #tpu.memory_space<vmem>>
      %dma_wait3A_586 = arith.constant 0 : i32
      %dma_wait3A_587 = tpu.memref_slice %arg6[%run_scoped3A_560, %add3A, %dma_wait3A_586] : memref<10x32x1000xf32, #tpu.memory_space<hbm>> -> memref<1x1x1000xf32, #tpu.memory_space<hbm>>
      %dma_wait3A_588 = tpu.memref_squeeze %dma_wait3A_587 : memref<1x1x1000xf32, #tpu.memory_space<hbm>> -> memref<1000xf32, #tpu.memory_space<hbm>>
      %dma_wait3A_589 = arith.constant 0 : i32
      %dma_wait3A_590 = tpu.memref_slice %arg6[%run_scoped3A_560, %add3A, %dma_wait3A_589] : memref<10x32x1000xf32, #tpu.memory_space<hbm>> -> memref<1x1x1000xf32, #tpu.memory_space<hbm>>
      %dma_wait3A_591 = tpu.memref_squeeze %dma_wait3A_590 : memref<1x1x1000xf32, #tpu.memory_space<hbm>> -> memref<1000xf32, #tpu.memory_space<hbm>>
      %dma_wait3A_592 = arith.constant 3000 : i32
      %dma_wait3A_593 = tpu.memref_slice %arg14[%dma_wait3A_592] : memref<10000xf32, #tpu.memory_space<vmem>> -> memref<1000xf32, #tpu.memory_space<vmem>>
      tpu.wait_dma2 semaphore(%run_scoped3A_573 : memref<!tpu.dma_semaphore, #tpu.memory_space<semaphore_mem>>) src(%dma_wait3A_593 : memref<1000xf32, #tpu.memory_space<vmem>>) dst(%dma_wait3A_591 : memref<1000xf32, #tpu.memory_space<hbm>>)
      tpu.yield
    }) : () -> ()
    %run_scoped3A_561 = arith.constant 4 : i32
    "tpu.region"() ({
      %run_scoped3A_573 = tpu.sem_alloc : memref<!tpu.dma_semaphore, #tpu.memory_space<semaphore_mem>>
      %dma_start3A_574 = arith.constant 4000 : i32
      %dma_start3A_575 = tpu.memref_slice %arg13[%dma_start3A_574] : memref<10000xf32, #tpu.memory_space<vmem>> -> memref<1000xf32, #tpu.memory_space<vmem>>
      %dma_start3A_576 = arith.constant 0 : i32
      %dma_start3A_577 = tpu.memref_slice %arg5[%run_scoped3A_561, %add3A, %dma_start3A_576] : memref<10x32x1000xf32, #tpu.memory_space<hbm>> -> memref<1x1x1000xf32, #tpu.memory_space<hbm>>
      %dma_start3A_578 = tpu.memref_squeeze %dma_start3A_577 : memref<1x1x1000xf32, #tpu.memory_space<hbm>> -> memref<1000xf32, #tpu.memory_space<hbm>>
      %dma_start3A_579 = arith.constant 0 : i32
      %dma_start3A_580 = tpu.memref_slice %arg5[%run_scoped3A_561, %add3A, %dma_start3A_579] : memref<10x32x1000xf32, #tpu.memory_space<hbm>> -> memref<1x1x1000xf32, #tpu.memory_space<hbm>>
      %dma_start3A_581 = tpu.memref_squeeze %dma_start3A_580 : memref<1x1x1000xf32, #tpu.memory_space<hbm>> -> memref<1000xf32, #tpu.memory_space<hbm>>
      %dma_start3A_582 = arith.constant 4000 : i32
      %dma_start3A_583 = tpu.memref_slice %arg13[%dma_start3A_582] : memref<10000xf32, #tpu.memory_space<vmem>> -> memref<1000xf32, #tpu.memory_space<vmem>>
      tpu.enqueue_dma source(%dma_start3A_583 : memref<1000xf32, #tpu.memory_space<vmem>>) target(%dma_start3A_581 : memref<1000xf32, #tpu.memory_space<hbm>>) target_semaphore(%run_scoped3A_573 : memref<!tpu.dma_semaphore, #tpu.memory_space<semaphore_mem>>)
      %dma_wait3A_584 = arith.constant 4000 : i32
      %dma_wait3A_585 = tpu.memref_slice %arg13[%dma_wait3A_584] : memref<10000xf32, #tpu.memory_space<vmem>> -> memref<1000xf32, #tpu.memory_space<vmem>>
      %dma_wait3A_586 = arith.constant 0 : i32
      %dma_wait3A_587 = tpu.memref_slice %arg5[%run_scoped3A_561, %add3A, %dma_wait3A_586] : memref<10x32x1000xf32, #tpu.memory_space<hbm>> -> memref<1x1x1000xf32, #tpu.memory_space<hbm>>
      %dma_wait3A_588 = tpu.memref_squeeze %dma_wait3A_587 : memref<1x1x1000xf32, #tpu.memory_space<hbm>> -> memref<1000xf32, #tpu.memory_space<hbm>>
      %dma_wait3A_589 = arith.constant 0 : i32
      %dma_wait3A_590 = tpu.memref_slice %arg5[%run_scoped3A_561, %add3A, %dma_wait3A_589] : memref<10x32x1000xf32, #tpu.memory_space<hbm>> -> memref<1x1x1000xf32, #tpu.memory_space<hbm>>
      %dma_wait3A_591 = tpu.memref_squeeze %dma_wait3A_590 : memref<1x1x1000xf32, #tpu.memory_space<hbm>> -> memref<1000xf32, #tpu.memory_space<hbm>>
      %dma_wait3A_592 = arith.constant 4000 : i32
      %dma_wait3A_593 = tpu.memref_slice %arg13[%dma_wait3A_592] : memref<10000xf32, #tpu.memory_space<vmem>> -> memref<1000xf32, #tpu.memory_space<vmem>>
      tpu.wait_dma2 semaphore(%run_scoped3A_573 : memref<!tpu.dma_semaphore, #tpu.memory_space<semaphore_mem>>) src(%dma_wait3A_593 : memref<1000xf32, #tpu.memory_space<vmem>>) dst(%dma_wait3A_591 : memref<1000xf32, #tpu.memory_space<hbm>>)
      tpu.yield
    }) : () -> ()
    %run_scoped3A_562 = arith.constant 4 : i32
    "tpu.region"() ({
      %run_scoped3A_573 = tpu.sem_alloc : memref<!tpu.dma_semaphore, #tpu.memory_space<semaphore_mem>>
      %dma_start3A_574 = arith.constant 4000 : i32
      %dma_start3A_575 = tpu.memref_slice %arg14[%dma_start3A_574] : memref<10000xf32, #tpu.memory_space<vmem>> -> memref<1000xf32, #tpu.memory_space<vmem>>
      %dma_start3A_576 = arith.constant 0 : i32
      %dma_start3A_577 = tpu.memref_slice %arg6[%run_scoped3A_562, %add3A, %dma_start3A_576] : memref<10x32x1000xf32, #tpu.memory_space<hbm>> -> memref<1x1x1000xf32, #tpu.memory_space<hbm>>
      %dma_start3A_578 = tpu.memref_squeeze %dma_start3A_577 : memref<1x1x1000xf32, #tpu.memory_space<hbm>> -> memref<1000xf32, #tpu.memory_space<hbm>>
      %dma_start3A_579 = arith.constant 0 : i32
      %dma_start3A_580 = tpu.memref_slice %arg6[%run_scoped3A_562, %add3A, %dma_start3A_579] : memref<10x32x1000xf32, #tpu.memory_space<hbm>> -> memref<1x1x1000xf32, #tpu.memory_space<hbm>>
      %dma_start3A_581 = tpu.memref_squeeze %dma_start3A_580 : memref<1x1x1000xf32, #tpu.memory_space<hbm>> -> memref<1000xf32, #tpu.memory_space<hbm>>
      %dma_start3A_582 = arith.constant 4000 : i32
      %dma_start3A_583 = tpu.memref_slice %arg14[%dma_start3A_582] : memref<10000xf32, #tpu.memory_space<vmem>> -> memref<1000xf32, #tpu.memory_space<vmem>>
      tpu.enqueue_dma source(%dma_start3A_583 : memref<1000xf32, #tpu.memory_space<vmem>>) target(%dma_start3A_581 : memref<1000xf32, #tpu.memory_space<hbm>>) target_semaphore(%run_scoped3A_573 : memref<!tpu.dma_semaphore, #tpu.memory_space<semaphore_mem>>)
      %dma_wait3A_584 = arith.constant 4000 : i32
      %dma_wait3A_585 = tpu.memref_slice %arg14[%dma_wait3A_584] : memref<10000xf32, #tpu.memory_space<vmem>> -> memref<1000xf32, #tpu.memory_space<vmem>>
      %dma_wait3A_586 = arith.constant 0 : i32
      %dma_wait3A_587 = tpu.memref_slice %arg6[%run_scoped3A_562, %add3A, %dma_wait3A_586] : memref<10x32x1000xf32, #tpu.memory_space<hbm>> -> memref<1x1x1000xf32, #tpu.memory_space<hbm>>
      %dma_wait3A_588 = tpu.memref_squeeze %dma_wait3A_587 : memref<1x1x1000xf32, #tpu.memory_space<hbm>> -> memref<1000xf32, #tpu.memory_space<hbm>>
      %dma_wait3A_589 = arith.constant 0 : i32
      %dma_wait3A_590 = tpu.memref_slice %arg6[%run_scoped3A_562, %add3A, %dma_wait3A_589] : memref<10x32x1000xf32, #tpu.memory_space<hbm>> -> memref<1x1x1000xf32, #tpu.memory_space<hbm>>
      %dma_wait3A_591 = tpu.memref_squeeze %dma_wait3A_590 : memref<1x1x1000xf32, #tpu.memory_space<hbm>> -> memref<1000xf32, #tpu.memory_space<hbm>>
      %dma_wait3A_592 = arith.constant 4000 : i32
      %dma_wait3A_593 = tpu.memref_slice %arg14[%dma_wait3A_592] : memref<10000xf32, #tpu.memory_space<vmem>> -> memref<1000xf32, #tpu.memory_space<vmem>>
      tpu.wait_dma2 semaphore(%run_scoped3A_573 : memref<!tpu.dma_semaphore, #tpu.memory_space<semaphore_mem>>) src(%dma_wait3A_593 : memref<1000xf32, #tpu.memory_space<vmem>>) dst(%dma_wait3A_591 : memref<1000xf32, #tpu.memory_space<hbm>>)
      tpu.yield
    }) : () -> ()
    %run_scoped3A_563 = arith.constant 5 : i32
    "tpu.region"() ({
      %run_scoped3A_573 = tpu.sem_alloc : memref<!tpu.dma_semaphore, #tpu.memory_space<semaphore_mem>>
      %dma_start3A_574 = arith.constant 5000 : i32
      %dma_start3A_575 = tpu.memref_slice %arg13[%dma_start3A_574] : memref<10000xf32, #tpu.memory_space<vmem>> -> memref<1000xf32, #tpu.memory_space<vmem>>
      %dma_start3A_576 = arith.constant 0 : i32
      %dma_start3A_577 = tpu.memref_slice %arg5[%run_scoped3A_563, %add3A, %dma_start3A_576] : memref<10x32x1000xf32, #tpu.memory_space<hbm>> -> memref<1x1x1000xf32, #tpu.memory_space<hbm>>
      %dma_start3A_578 = tpu.memref_squeeze %dma_start3A_577 : memref<1x1x1000xf32, #tpu.memory_space<hbm>> -> memref<1000xf32, #tpu.memory_space<hbm>>
      %dma_start3A_579 = arith.constant 0 : i32
      %dma_start3A_580 = tpu.memref_slice %arg5[%run_scoped3A_563, %add3A, %dma_start3A_579] : memref<10x32x1000xf32, #tpu.memory_space<hbm>> -> memref<1x1x1000xf32, #tpu.memory_space<hbm>>
      %dma_start3A_581 = tpu.memref_squeeze %dma_start3A_580 : memref<1x1x1000xf32, #tpu.memory_space<hbm>> -> memref<1000xf32, #tpu.memory_space<hbm>>
      %dma_start3A_582 = arith.constant 5000 : i32
      %dma_start3A_583 = tpu.memref_slice %arg13[%dma_start3A_582] : memref<10000xf32, #tpu.memory_space<vmem>> -> memref<1000xf32, #tpu.memory_space<vmem>>
      tpu.enqueue_dma source(%dma_start3A_583 : memref<1000xf32, #tpu.memory_space<vmem>>) target(%dma_start3A_581 : memref<1000xf32, #tpu.memory_space<hbm>>) target_semaphore(%run_scoped3A_573 : memref<!tpu.dma_semaphore, #tpu.memory_space<semaphore_mem>>)
      %dma_wait3A_584 = arith.constant 5000 : i32
      %dma_wait3A_585 = tpu.memref_slice %arg13[%dma_wait3A_584] : memref<10000xf32, #tpu.memory_space<vmem>> -> memref<1000xf32, #tpu.memory_space<vmem>>
      %dma_wait3A_586 = arith.constant 0 : i32
      %dma_wait3A_587 = tpu.memref_slice %arg5[%run_scoped3A_563, %add3A, %dma_wait3A_586] : memref<10x32x1000xf32, #tpu.memory_space<hbm>> -> memref<1x1x1000xf32, #tpu.memory_space<hbm>>
      %dma_wait3A_588 = tpu.memref_squeeze %dma_wait3A_587 : memref<1x1x1000xf32, #tpu.memory_space<hbm>> -> memref<1000xf32, #tpu.memory_space<hbm>>
      %dma_wait3A_589 = arith.constant 0 : i32
      %dma_wait3A_590 = tpu.memref_slice %arg5[%run_scoped3A_563, %add3A, %dma_wait3A_589] : memref<10x32x1000xf32, #tpu.memory_space<hbm>> -> memref<1x1x1000xf32, #tpu.memory_space<hbm>>
      %dma_wait3A_591 = tpu.memref_squeeze %dma_wait3A_590 : memref<1x1x1000xf32, #tpu.memory_space<hbm>> -> memref<1000xf32, #tpu.memory_space<hbm>>
      %dma_wait3A_592 = arith.constant 5000 : i32
      %dma_wait3A_593 = tpu.memref_slice %arg13[%dma_wait3A_592] : memref<10000xf32, #tpu.memory_space<vmem>> -> memref<1000xf32, #tpu.memory_space<vmem>>
      tpu.wait_dma2 semaphore(%run_scoped3A_573 : memref<!tpu.dma_semaphore, #tpu.memory_space<semaphore_mem>>) src(%dma_wait3A_593 : memref<1000xf32, #tpu.memory_space<vmem>>) dst(%dma_wait3A_591 : memref<1000xf32, #tpu.memory_space<hbm>>)
      tpu.yield
    }) : () -> ()
    %run_scoped3A_564 = arith.constant 5 : i32
    "tpu.region"() ({
      %run_scoped3A_573 = tpu.sem_alloc : memref<!tpu.dma_semaphore, #tpu.memory_space<semaphore_mem>>
      %dma_start3A_574 = arith.constant 5000 : i32
      %dma_start3A_575 = tpu.memref_slice %arg14[%dma_start3A_574] : memref<10000xf32, #tpu.memory_space<vmem>> -> memref<1000xf32, #tpu.memory_space<vmem>>
      %dma_start3A_576 = arith.constant 0 : i32
      %dma_start3A_577 = tpu.memref_slice %arg6[%run_scoped3A_564, %add3A, %dma_start3A_576] : memref<10x32x1000xf32, #tpu.memory_space<hbm>> -> memref<1x1x1000xf32, #tpu.memory_space<hbm>>
      %dma_start3A_578 = tpu.memref_squeeze %dma_start3A_577 : memref<1x1x1000xf32, #tpu.memory_space<hbm>> -> memref<1000xf32, #tpu.memory_space<hbm>>
      %dma_start3A_579 = arith.constant 0 : i32
      %dma_start3A_580 = tpu.memref_slice %arg6[%run_scoped3A_564, %add3A, %dma_start3A_579] : memref<10x32x1000xf32, #tpu.memory_space<hbm>> -> memref<1x1x1000xf32, #tpu.memory_space<hbm>>
      %dma_start3A_581 = tpu.memref_squeeze %dma_start3A_580 : memref<1x1x1000xf32, #tpu.memory_space<hbm>> -> memref<1000xf32, #tpu.memory_space<hbm>>
      %dma_start3A_582 = arith.constant 5000 : i32
      %dma_start3A_583 = tpu.memref_slice %arg14[%dma_start3A_582] : memref<10000xf32, #tpu.memory_space<vmem>> -> memref<1000xf32, #tpu.memory_space<vmem>>
      tpu.enqueue_dma source(%dma_start3A_583 : memref<1000xf32, #tpu.memory_space<vmem>>) target(%dma_start3A_581 : memref<1000xf32, #tpu.memory_space<hbm>>) target_semaphore(%run_scoped3A_573 : memref<!tpu.dma_semaphore, #tpu.memory_space<semaphore_mem>>)
      %dma_wait3A_584 = arith.constant 5000 : i32
      %dma_wait3A_585 = tpu.memref_slice %arg14[%dma_wait3A_584] : memref<10000xf32, #tpu.memory_space<vmem>> -> memref<1000xf32, #tpu.memory_space<vmem>>
      %dma_wait3A_586 = arith.constant 0 : i32
      %dma_wait3A_587 = tpu.memref_slice %arg6[%run_scoped3A_564, %add3A, %dma_wait3A_586] : memref<10x32x1000xf32, #tpu.memory_space<hbm>> -> memref<1x1x1000xf32, #tpu.memory_space<hbm>>
      %dma_wait3A_588 = tpu.memref_squeeze %dma_wait3A_587 : memref<1x1x1000xf32, #tpu.memory_space<hbm>> -> memref<1000xf32, #tpu.memory_space<hbm>>
      %dma_wait3A_589 = arith.constant 0 : i32
      %dma_wait3A_590 = tpu.memref_slice %arg6[%run_scoped3A_564, %add3A, %dma_wait3A_589] : memref<10x32x1000xf32, #tpu.memory_space<hbm>> -> memref<1x1x1000xf32, #tpu.memory_space<hbm>>
      %dma_wait3A_591 = tpu.memref_squeeze %dma_wait3A_590 : memref<1x1x1000xf32, #tpu.memory_space<hbm>> -> memref<1000xf32, #tpu.memory_space<hbm>>
      %dma_wait3A_592 = arith.constant 5000 : i32
      %dma_wait3A_593 = tpu.memref_slice %arg14[%dma_wait3A_592] : memref<10000xf32, #tpu.memory_space<vmem>> -> memref<1000xf32, #tpu.memory_space<vmem>>
      tpu.wait_dma2 semaphore(%run_scoped3A_573 : memref<!tpu.dma_semaphore, #tpu.memory_space<semaphore_mem>>) src(%dma_wait3A_593 : memref<1000xf32, #tpu.memory_space<vmem>>) dst(%dma_wait3A_591 : memref<1000xf32, #tpu.memory_space<hbm>>)
      tpu.yield
    }) : () -> ()
    %run_scoped3A_565 = arith.constant 6 : i32
    "tpu.region"() ({
      %run_scoped3A_573 = tpu.sem_alloc : memref<!tpu.dma_semaphore, #tpu.memory_space<semaphore_mem>>
      %dma_start3A_574 = arith.constant 6000 : i32
      %dma_start3A_575 = tpu.memref_slice %arg13[%dma_start3A_574] : memref<10000xf32, #tpu.memory_space<vmem>> -> memref<1000xf32, #tpu.memory_space<vmem>>
      %dma_start3A_576 = arith.constant 0 : i32
      %dma_start3A_577 = tpu.memref_slice %arg5[%run_scoped3A_565, %add3A, %dma_start3A_576] : memref<10x32x1000xf32, #tpu.memory_space<hbm>> -> memref<1x1x1000xf32, #tpu.memory_space<hbm>>
      %dma_start3A_578 = tpu.memref_squeeze %dma_start3A_577 : memref<1x1x1000xf32, #tpu.memory_space<hbm>> -> memref<1000xf32, #tpu.memory_space<hbm>>
      %dma_start3A_579 = arith.constant 0 : i32
      %dma_start3A_580 = tpu.memref_slice %arg5[%run_scoped3A_565, %add3A, %dma_start3A_579] : memref<10x32x1000xf32, #tpu.memory_space<hbm>> -> memref<1x1x1000xf32, #tpu.memory_space<hbm>>
      %dma_start3A_581 = tpu.memref_squeeze %dma_start3A_580 : memref<1x1x1000xf32, #tpu.memory_space<hbm>> -> memref<1000xf32, #tpu.memory_space<hbm>>
      %dma_start3A_582 = arith.constant 6000 : i32
      %dma_start3A_583 = tpu.memref_slice %arg13[%dma_start3A_582] : memref<10000xf32, #tpu.memory_space<vmem>> -> memref<1000xf32, #tpu.memory_space<vmem>>
      tpu.enqueue_dma source(%dma_start3A_583 : memref<1000xf32, #tpu.memory_space<vmem>>) target(%dma_start3A_581 : memref<1000xf32, #tpu.memory_space<hbm>>) target_semaphore(%run_scoped3A_573 : memref<!tpu.dma_semaphore, #tpu.memory_space<semaphore_mem>>)
      %dma_wait3A_584 = arith.constant 6000 : i32
      %dma_wait3A_585 = tpu.memref_slice %arg13[%dma_wait3A_584] : memref<10000xf32, #tpu.memory_space<vmem>> -> memref<1000xf32, #tpu.memory_space<vmem>>
      %dma_wait3A_586 = arith.constant 0 : i32
      %dma_wait3A_587 = tpu.memref_slice %arg5[%run_scoped3A_565, %add3A, %dma_wait3A_586] : memref<10x32x1000xf32, #tpu.memory_space<hbm>> -> memref<1x1x1000xf32, #tpu.memory_space<hbm>>
      %dma_wait3A_588 = tpu.memref_squeeze %dma_wait3A_587 : memref<1x1x1000xf32, #tpu.memory_space<hbm>> -> memref<1000xf32, #tpu.memory_space<hbm>>
      %dma_wait3A_589 = arith.constant 0 : i32
      %dma_wait3A_590 = tpu.memref_slice %arg5[%run_scoped3A_565, %add3A, %dma_wait3A_589] : memref<10x32x1000xf32, #tpu.memory_space<hbm>> -> memref<1x1x1000xf32, #tpu.memory_space<hbm>>
      %dma_wait3A_591 = tpu.memref_squeeze %dma_wait3A_590 : memref<1x1x1000xf32, #tpu.memory_space<hbm>> -> memref<1000xf32, #tpu.memory_space<hbm>>
      %dma_wait3A_592 = arith.constant 6000 : i32
      %dma_wait3A_593 = tpu.memref_slice %arg13[%dma_wait3A_592] : memref<10000xf32, #tpu.memory_space<vmem>> -> memref<1000xf32, #tpu.memory_space<vmem>>
      tpu.wait_dma2 semaphore(%run_scoped3A_573 : memref<!tpu.dma_semaphore, #tpu.memory_space<semaphore_mem>>) src(%dma_wait3A_593 : memref<1000xf32, #tpu.memory_space<vmem>>) dst(%dma_wait3A_591 : memref<1000xf32, #tpu.memory_space<hbm>>)
      tpu.yield
    }) : () -> ()
    %run_scoped3A_566 = arith.constant 6 : i32
    "tpu.region"() ({
      %run_scoped3A_573 = tpu.sem_alloc : memref<!tpu.dma_semaphore, #tpu.memory_space<semaphore_mem>>
      %dma_start3A_574 = arith.constant 6000 : i32
      %dma_start3A_575 = tpu.memref_slice %arg14[%dma_start3A_574] : memref<10000xf32, #tpu.memory_space<vmem>> -> memref<1000xf32, #tpu.memory_space<vmem>>
      %dma_start3A_576 = arith.constant 0 : i32
      %dma_start3A_577 = tpu.memref_slice %arg6[%run_scoped3A_566, %add3A, %dma_start3A_576] : memref<10x32x1000xf32, #tpu.memory_space<hbm>> -> memref<1x1x1000xf32, #tpu.memory_space<hbm>>
      %dma_start3A_578 = tpu.memref_squeeze %dma_start3A_577 : memref<1x1x1000xf32, #tpu.memory_space<hbm>> -> memref<1000xf32, #tpu.memory_space<hbm>>
      %dma_start3A_579 = arith.constant 0 : i32
      %dma_start3A_580 = tpu.memref_slice %arg6[%run_scoped3A_566, %add3A, %dma_start3A_579] : memref<10x32x1000xf32, #tpu.memory_space<hbm>> -> memref<1x1x1000xf32, #tpu.memory_space<hbm>>
      %dma_start3A_581 = tpu.memref_squeeze %dma_start3A_580 : memref<1x1x1000xf32, #tpu.memory_space<hbm>> -> memref<1000xf32, #tpu.memory_space<hbm>>
      %dma_start3A_582 = arith.constant 6000 : i32
      %dma_start3A_583 = tpu.memref_slice %arg14[%dma_start3A_582] : memref<10000xf32, #tpu.memory_space<vmem>> -> memref<1000xf32, #tpu.memory_space<vmem>>
      tpu.enqueue_dma source(%dma_start3A_583 : memref<1000xf32, #tpu.memory_space<vmem>>) target(%dma_start3A_581 : memref<1000xf32, #tpu.memory_space<hbm>>) target_semaphore(%run_scoped3A_573 : memref<!tpu.dma_semaphore, #tpu.memory_space<semaphore_mem>>)
      %dma_wait3A_584 = arith.constant 6000 : i32
      %dma_wait3A_585 = tpu.memref_slice %arg14[%dma_wait3A_584] : memref<10000xf32, #tpu.memory_space<vmem>> -> memref<1000xf32, #tpu.memory_space<vmem>>
      %dma_wait3A_586 = arith.constant 0 : i32
      %dma_wait3A_587 = tpu.memref_slice %arg6[%run_scoped3A_566, %add3A, %dma_wait3A_586] : memref<10x32x1000xf32, #tpu.memory_space<hbm>> -> memref<1x1x1000xf32, #tpu.memory_space<hbm>>
      %dma_wait3A_588 = tpu.memref_squeeze %dma_wait3A_587 : memref<1x1x1000xf32, #tpu.memory_space<hbm>> -> memref<1000xf32, #tpu.memory_space<hbm>>
      %dma_wait3A_589 = arith.constant 0 : i32
      %dma_wait3A_590 = tpu.memref_slice %arg6[%run_scoped3A_566, %add3A, %dma_wait3A_589] : memref<10x32x1000xf32, #tpu.memory_space<hbm>> -> memref<1x1x1000xf32, #tpu.memory_space<hbm>>
      %dma_wait3A_591 = tpu.memref_squeeze %dma_wait3A_590 : memref<1x1x1000xf32, #tpu.memory_space<hbm>> -> memref<1000xf32, #tpu.memory_space<hbm>>
      %dma_wait3A_592 = arith.constant 6000 : i32
      %dma_wait3A_593 = tpu.memref_slice %arg14[%dma_wait3A_592] : memref<10000xf32, #tpu.memory_space<vmem>> -> memref<1000xf32, #tpu.memory_space<vmem>>
      tpu.wait_dma2 semaphore(%run_scoped3A_573 : memref<!tpu.dma_semaphore, #tpu.memory_space<semaphore_mem>>) src(%dma_wait3A_593 : memref<1000xf32, #tpu.memory_space<vmem>>) dst(%dma_wait3A_591 : memref<1000xf32, #tpu.memory_space<hbm>>)
      tpu.yield
    }) : () -> ()
    %run_scoped3A_567 = arith.constant 7 : i32
    "tpu.region"() ({
      %run_scoped3A_573 = tpu.sem_alloc : memref<!tpu.dma_semaphore, #tpu.memory_space<semaphore_mem>>
      %dma_start3A_574 = arith.constant 7000 : i32
      %dma_start3A_575 = tpu.memref_slice %arg13[%dma_start3A_574] : memref<10000xf32, #tpu.memory_space<vmem>> -> memref<1000xf32, #tpu.memory_space<vmem>>
      %dma_start3A_576 = arith.constant 0 : i32
      %dma_start3A_577 = tpu.memref_slice %arg5[%run_scoped3A_567, %add3A, %dma_start3A_576] : memref<10x32x1000xf32, #tpu.memory_space<hbm>> -> memref<1x1x1000xf32, #tpu.memory_space<hbm>>
      %dma_start3A_578 = tpu.memref_squeeze %dma_start3A_577 : memref<1x1x1000xf32, #tpu.memory_space<hbm>> -> memref<1000xf32, #tpu.memory_space<hbm>>
      %dma_start3A_579 = arith.constant 0 : i32
      %dma_start3A_580 = tpu.memref_slice %arg5[%run_scoped3A_567, %add3A, %dma_start3A_579] : memref<10x32x1000xf32, #tpu.memory_space<hbm>> -> memref<1x1x1000xf32, #tpu.memory_space<hbm>>
      %dma_start3A_581 = tpu.memref_squeeze %dma_start3A_580 : memref<1x1x1000xf32, #tpu.memory_space<hbm>> -> memref<1000xf32, #tpu.memory_space<hbm>>
      %dma_start3A_582 = arith.constant 7000 : i32
      %dma_start3A_583 = tpu.memref_slice %arg13[%dma_start3A_582] : memref<10000xf32, #tpu.memory_space<vmem>> -> memref<1000xf32, #tpu.memory_space<vmem>>
      tpu.enqueue_dma source(%dma_start3A_583 : memref<1000xf32, #tpu.memory_space<vmem>>) target(%dma_start3A_581 : memref<1000xf32, #tpu.memory_space<hbm>>) target_semaphore(%run_scoped3A_573 : memref<!tpu.dma_semaphore, #tpu.memory_space<semaphore_mem>>)
      %dma_wait3A_584 = arith.constant 7000 : i32
      %dma_wait3A_585 = tpu.memref_slice %arg13[%dma_wait3A_584] : memref<10000xf32, #tpu.memory_space<vmem>> -> memref<1000xf32, #tpu.memory_space<vmem>>
      %dma_wait3A_586 = arith.constant 0 : i32
      %dma_wait3A_587 = tpu.memref_slice %arg5[%run_scoped3A_567, %add3A, %dma_wait3A_586] : memref<10x32x1000xf32, #tpu.memory_space<hbm>> -> memref<1x1x1000xf32, #tpu.memory_space<hbm>>
      %dma_wait3A_588 = tpu.memref_squeeze %dma_wait3A_587 : memref<1x1x1000xf32, #tpu.memory_space<hbm>> -> memref<1000xf32, #tpu.memory_space<hbm>>
      %dma_wait3A_589 = arith.constant 0 : i32
      %dma_wait3A_590 = tpu.memref_slice %arg5[%run_scoped3A_567, %add3A, %dma_wait3A_589] : memref<10x32x1000xf32, #tpu.memory_space<hbm>> -> memref<1x1x1000xf32, #tpu.memory_space<hbm>>
      %dma_wait3A_591 = tpu.memref_squeeze %dma_wait3A_590 : memref<1x1x1000xf32, #tpu.memory_space<hbm>> -> memref<1000xf32, #tpu.memory_space<hbm>>
      %dma_wait3A_592 = arith.constant 7000 : i32
      %dma_wait3A_593 = tpu.memref_slice %arg13[%dma_wait3A_592] : memref<10000xf32, #tpu.memory_space<vmem>> -> memref<1000xf32, #tpu.memory_space<vmem>>
      tpu.wait_dma2 semaphore(%run_scoped3A_573 : memref<!tpu.dma_semaphore, #tpu.memory_space<semaphore_mem>>) src(%dma_wait3A_593 : memref<1000xf32, #tpu.memory_space<vmem>>) dst(%dma_wait3A_591 : memref<1000xf32, #tpu.memory_space<hbm>>)
      tpu.yield
    }) : () -> ()
    %run_scoped3A_568 = arith.constant 7 : i32
    "tpu.region"() ({
      %run_scoped3A_573 = tpu.sem_alloc : memref<!tpu.dma_semaphore, #tpu.memory_space<semaphore_mem>>
      %dma_start3A_574 = arith.constant 7000 : i32
      %dma_start3A_575 = tpu.memref_slice %arg14[%dma_start3A_574] : memref<10000xf32, #tpu.memory_space<vmem>> -> memref<1000xf32, #tpu.memory_space<vmem>>
      %dma_start3A_576 = arith.constant 0 : i32
      %dma_start3A_577 = tpu.memref_slice %arg6[%run_scoped3A_568, %add3A, %dma_start3A_576] : memref<10x32x1000xf32, #tpu.memory_space<hbm>> -> memref<1x1x1000xf32, #tpu.memory_space<hbm>>
      %dma_start3A_578 = tpu.memref_squeeze %dma_start3A_577 : memref<1x1x1000xf32, #tpu.memory_space<hbm>> -> memref<1000xf32, #tpu.memory_space<hbm>>
      %dma_start3A_579 = arith.constant 0 : i32
      %dma_start3A_580 = tpu.memref_slice %arg6[%run_scoped3A_568, %add3A, %dma_start3A_579] : memref<10x32x1000xf32, #tpu.memory_space<hbm>> -> memref<1x1x1000xf32, #tpu.memory_space<hbm>>
      %dma_start3A_581 = tpu.memref_squeeze %dma_start3A_580 : memref<1x1x1000xf32, #tpu.memory_space<hbm>> -> memref<1000xf32, #tpu.memory_space<hbm>>
      %dma_start3A_582 = arith.constant 7000 : i32
      %dma_start3A_583 = tpu.memref_slice %arg14[%dma_start3A_582] : memref<10000xf32, #tpu.memory_space<vmem>> -> memref<1000xf32, #tpu.memory_space<vmem>>
      tpu.enqueue_dma source(%dma_start3A_583 : memref<1000xf32, #tpu.memory_space<vmem>>) target(%dma_start3A_581 : memref<1000xf32, #tpu.memory_space<hbm>>) target_semaphore(%run_scoped3A_573 : memref<!tpu.dma_semaphore, #tpu.memory_space<semaphore_mem>>)
      %dma_wait3A_584 = arith.constant 7000 : i32
      %dma_wait3A_585 = tpu.memref_slice %arg14[%dma_wait3A_584] : memref<10000xf32, #tpu.memory_space<vmem>> -> memref<1000xf32, #tpu.memory_space<vmem>>
      %dma_wait3A_586 = arith.constant 0 : i32
      %dma_wait3A_587 = tpu.memref_slice %arg6[%run_scoped3A_568, %add3A, %dma_wait3A_586] : memref<10x32x1000xf32, #tpu.memory_space<hbm>> -> memref<1x1x1000xf32, #tpu.memory_space<hbm>>
      %dma_wait3A_588 = tpu.memref_squeeze %dma_wait3A_587 : memref<1x1x1000xf32, #tpu.memory_space<hbm>> -> memref<1000xf32, #tpu.memory_space<hbm>>
      %dma_wait3A_589 = arith.constant 0 : i32
      %dma_wait3A_590 = tpu.memref_slice %arg6[%run_scoped3A_568, %add3A, %dma_wait3A_589] : memref<10x32x1000xf32, #tpu.memory_space<hbm>> -> memref<1x1x1000xf32, #tpu.memory_space<hbm>>
      %dma_wait3A_591 = tpu.memref_squeeze %dma_wait3A_590 : memref<1x1x1000xf32, #tpu.memory_space<hbm>> -> memref<1000xf32, #tpu.memory_space<hbm>>
      %dma_wait3A_592 = arith.constant 7000 : i32
      %dma_wait3A_593 = tpu.memref_slice %arg14[%dma_wait3A_592] : memref<10000xf32, #tpu.memory_space<vmem>> -> memref<1000xf32, #tpu.memory_space<vmem>>
      tpu.wait_dma2 semaphore(%run_scoped3A_573 : memref<!tpu.dma_semaphore, #tpu.memory_space<semaphore_mem>>) src(%dma_wait3A_593 : memref<1000xf32, #tpu.memory_space<vmem>>) dst(%dma_wait3A_591 : memref<1000xf32, #tpu.memory_space<hbm>>)
      tpu.yield
    }) : () -> ()
    %run_scoped3A_569 = arith.constant 8 : i32
    "tpu.region"() ({
      %run_scoped3A_573 = tpu.sem_alloc : memref<!tpu.dma_semaphore, #tpu.memory_space<semaphore_mem>>
      %dma_start3A_574 = arith.constant 8000 : i32
      %dma_start3A_575 = tpu.memref_slice %arg13[%dma_start3A_574] : memref<10000xf32, #tpu.memory_space<vmem>> -> memref<1000xf32, #tpu.memory_space<vmem>>
      %dma_start3A_576 = arith.constant 0 : i32
      %dma_start3A_577 = tpu.memref_slice %arg5[%run_scoped3A_569, %add3A, %dma_start3A_576] : memref<10x32x1000xf32, #tpu.memory_space<hbm>> -> memref<1x1x1000xf32, #tpu.memory_space<hbm>>
      %dma_start3A_578 = tpu.memref_squeeze %dma_start3A_577 : memref<1x1x1000xf32, #tpu.memory_space<hbm>> -> memref<1000xf32, #tpu.memory_space<hbm>>
      %dma_start3A_579 = arith.constant 0 : i32
      %dma_start3A_580 = tpu.memref_slice %arg5[%run_scoped3A_569, %add3A, %dma_start3A_579] : memref<10x32x1000xf32, #tpu.memory_space<hbm>> -> memref<1x1x1000xf32, #tpu.memory_space<hbm>>
      %dma_start3A_581 = tpu.memref_squeeze %dma_start3A_580 : memref<1x1x1000xf32, #tpu.memory_space<hbm>> -> memref<1000xf32, #tpu.memory_space<hbm>>
      %dma_start3A_582 = arith.constant 8000 : i32
      %dma_start3A_583 = tpu.memref_slice %arg13[%dma_start3A_582] : memref<10000xf32, #tpu.memory_space<vmem>> -> memref<1000xf32, #tpu.memory_space<vmem>>
      tpu.enqueue_dma source(%dma_start3A_583 : memref<1000xf32, #tpu.memory_space<vmem>>) target(%dma_start3A_581 : memref<1000xf32, #tpu.memory_space<hbm>>) target_semaphore(%run_scoped3A_573 : memref<!tpu.dma_semaphore, #tpu.memory_space<semaphore_mem>>)
      %dma_wait3A_584 = arith.constant 8000 : i32
      %dma_wait3A_585 = tpu.memref_slice %arg13[%dma_wait3A_584] : memref<10000xf32, #tpu.memory_space<vmem>> -> memref<1000xf32, #tpu.memory_space<vmem>>
      %dma_wait3A_586 = arith.constant 0 : i32
      %dma_wait3A_587 = tpu.memref_slice %arg5[%run_scoped3A_569, %add3A, %dma_wait3A_586] : memref<10x32x1000xf32, #tpu.memory_space<hbm>> -> memref<1x1x1000xf32, #tpu.memory_space<hbm>>
      %dma_wait3A_588 = tpu.memref_squeeze %dma_wait3A_587 : memref<1x1x1000xf32, #tpu.memory_space<hbm>> -> memref<1000xf32, #tpu.memory_space<hbm>>
      %dma_wait3A_589 = arith.constant 0 : i32
      %dma_wait3A_590 = tpu.memref_slice %arg5[%run_scoped3A_569, %add3A, %dma_wait3A_589] : memref<10x32x1000xf32, #tpu.memory_space<hbm>> -> memref<1x1x1000xf32, #tpu.memory_space<hbm>>
      %dma_wait3A_591 = tpu.memref_squeeze %dma_wait3A_590 : memref<1x1x1000xf32, #tpu.memory_space<hbm>> -> memref<1000xf32, #tpu.memory_space<hbm>>
      %dma_wait3A_592 = arith.constant 8000 : i32
      %dma_wait3A_593 = tpu.memref_slice %arg13[%dma_wait3A_592] : memref<10000xf32, #tpu.memory_space<vmem>> -> memref<1000xf32, #tpu.memory_space<vmem>>
      tpu.wait_dma2 semaphore(%run_scoped3A_573 : memref<!tpu.dma_semaphore, #tpu.memory_space<semaphore_mem>>) src(%dma_wait3A_593 : memref<1000xf32, #tpu.memory_space<vmem>>) dst(%dma_wait3A_591 : memref<1000xf32, #tpu.memory_space<hbm>>)
      tpu.yield
    }) : () -> ()
    %run_scoped3A_570 = arith.constant 8 : i32
    "tpu.region"() ({
      %run_scoped3A_573 = tpu.sem_alloc : memref<!tpu.dma_semaphore, #tpu.memory_space<semaphore_mem>>
      %dma_start3A_574 = arith.constant 8000 : i32
      %dma_start3A_575 = tpu.memref_slice %arg14[%dma_start3A_574] : memref<10000xf32, #tpu.memory_space<vmem>> -> memref<1000xf32, #tpu.memory_space<vmem>>
      %dma_start3A_576 = arith.constant 0 : i32
      %dma_start3A_577 = tpu.memref_slice %arg6[%run_scoped3A_570, %add3A, %dma_start3A_576] : memref<10x32x1000xf32, #tpu.memory_space<hbm>> -> memref<1x1x1000xf32, #tpu.memory_space<hbm>>
      %dma_start3A_578 = tpu.memref_squeeze %dma_start3A_577 : memref<1x1x1000xf32, #tpu.memory_space<hbm>> -> memref<1000xf32, #tpu.memory_space<hbm>>
      %dma_start3A_579 = arith.constant 0 : i32
      %dma_start3A_580 = tpu.memref_slice %arg6[%run_scoped3A_570, %add3A, %dma_start3A_579] : memref<10x32x1000xf32, #tpu.memory_space<hbm>> -> memref<1x1x1000xf32, #tpu.memory_space<hbm>>
      %dma_start3A_581 = tpu.memref_squeeze %dma_start3A_580 : memref<1x1x1000xf32, #tpu.memory_space<hbm>> -> memref<1000xf32, #tpu.memory_space<hbm>>
      %dma_start3A_582 = arith.constant 8000 : i32
      %dma_start3A_583 = tpu.memref_slice %arg14[%dma_start3A_582] : memref<10000xf32, #tpu.memory_space<vmem>> -> memref<1000xf32, #tpu.memory_space<vmem>>
      tpu.enqueue_dma source(%dma_start3A_583 : memref<1000xf32, #tpu.memory_space<vmem>>) target(%dma_start3A_581 : memref<1000xf32, #tpu.memory_space<hbm>>) target_semaphore(%run_scoped3A_573 : memref<!tpu.dma_semaphore, #tpu.memory_space<semaphore_mem>>)
      %dma_wait3A_584 = arith.constant 8000 : i32
      %dma_wait3A_585 = tpu.memref_slice %arg14[%dma_wait3A_584] : memref<10000xf32, #tpu.memory_space<vmem>> -> memref<1000xf32, #tpu.memory_space<vmem>>
      %dma_wait3A_586 = arith.constant 0 : i32
      %dma_wait3A_587 = tpu.memref_slice %arg6[%run_scoped3A_570, %add3A, %dma_wait3A_586] : memref<10x32x1000xf32, #tpu.memory_space<hbm>> -> memref<1x1x1000xf32, #tpu.memory_space<hbm>>
      %dma_wait3A_588 = tpu.memref_squeeze %dma_wait3A_587 : memref<1x1x1000xf32, #tpu.memory_space<hbm>> -> memref<1000xf32, #tpu.memory_space<hbm>>
      %dma_wait3A_589 = arith.constant 0 : i32
      %dma_wait3A_590 = tpu.memref_slice %arg6[%run_scoped3A_570, %add3A, %dma_wait3A_589] : memref<10x32x1000xf32, #tpu.memory_space<hbm>> -> memref<1x1x1000xf32, #tpu.memory_space<hbm>>
      %dma_wait3A_591 = tpu.memref_squeeze %dma_wait3A_590 : memref<1x1x1000xf32, #tpu.memory_space<hbm>> -> memref<1000xf32, #tpu.memory_space<hbm>>
      %dma_wait3A_592 = arith.constant 8000 : i32
      %dma_wait3A_593 = tpu.memref_slice %arg14[%dma_wait3A_592] : memref<10000xf32, #tpu.memory_space<vmem>> -> memref<1000xf32, #tpu.memory_space<vmem>>
      tpu.wait_dma2 semaphore(%run_scoped3A_573 : memref<!tpu.dma_semaphore, #tpu.memory_space<semaphore_mem>>) src(%dma_wait3A_593 : memref<1000xf32, #tpu.memory_space<vmem>>) dst(%dma_wait3A_591 : memref<1000xf32, #tpu.memory_space<hbm>>)
      tpu.yield
    }) : () -> ()
    %run_scoped3A_571 = arith.constant 9 : i32
    "tpu.region"() ({
      %run_scoped3A_573 = tpu.sem_alloc : memref<!tpu.dma_semaphore, #tpu.memory_space<semaphore_mem>>
      %dma_start3A_574 = arith.constant 9000 : i32
      %dma_start3A_575 = tpu.memref_slice %arg13[%dma_start3A_574] : memref<10000xf32, #tpu.memory_space<vmem>> -> memref<1000xf32, #tpu.memory_space<vmem>>
      %dma_start3A_576 = arith.constant 0 : i32
      %dma_start3A_577 = tpu.memref_slice %arg5[%run_scoped3A_571, %add3A, %dma_start3A_576] : memref<10x32x1000xf32, #tpu.memory_space<hbm>> -> memref<1x1x1000xf32, #tpu.memory_space<hbm>>
      %dma_start3A_578 = tpu.memref_squeeze %dma_start3A_577 : memref<1x1x1000xf32, #tpu.memory_space<hbm>> -> memref<1000xf32, #tpu.memory_space<hbm>>
      %dma_start3A_579 = arith.constant 0 : i32
      %dma_start3A_580 = tpu.memref_slice %arg5[%run_scoped3A_571, %add3A, %dma_start3A_579] : memref<10x32x1000xf32, #tpu.memory_space<hbm>> -> memref<1x1x1000xf32, #tpu.memory_space<hbm>>
      %dma_start3A_581 = tpu.memref_squeeze %dma_start3A_580 : memref<1x1x1000xf32, #tpu.memory_space<hbm>> -> memref<1000xf32, #tpu.memory_space<hbm>>
      %dma_start3A_582 = arith.constant 9000 : i32
      %dma_start3A_583 = tpu.memref_slice %arg13[%dma_start3A_582] : memref<10000xf32, #tpu.memory_space<vmem>> -> memref<1000xf32, #tpu.memory_space<vmem>>
      tpu.enqueue_dma source(%dma_start3A_583 : memref<1000xf32, #tpu.memory_space<vmem>>) target(%dma_start3A_581 : memref<1000xf32, #tpu.memory_space<hbm>>) target_semaphore(%run_scoped3A_573 : memref<!tpu.dma_semaphore, #tpu.memory_space<semaphore_mem>>)
      %dma_wait3A_584 = arith.constant 9000 : i32
      %dma_wait3A_585 = tpu.memref_slice %arg13[%dma_wait3A_584] : memref<10000xf32, #tpu.memory_space<vmem>> -> memref<1000xf32, #tpu.memory_space<vmem>>
      %dma_wait3A_586 = arith.constant 0 : i32
      %dma_wait3A_587 = tpu.memref_slice %arg5[%run_scoped3A_571, %add3A, %dma_wait3A_586] : memref<10x32x1000xf32, #tpu.memory_space<hbm>> -> memref<1x1x1000xf32, #tpu.memory_space<hbm>>
      %dma_wait3A_588 = tpu.memref_squeeze %dma_wait3A_587 : memref<1x1x1000xf32, #tpu.memory_space<hbm>> -> memref<1000xf32, #tpu.memory_space<hbm>>
      %dma_wait3A_589 = arith.constant 0 : i32
      %dma_wait3A_590 = tpu.memref_slice %arg5[%run_scoped3A_571, %add3A, %dma_wait3A_589] : memref<10x32x1000xf32, #tpu.memory_space<hbm>> -> memref<1x1x1000xf32, #tpu.memory_space<hbm>>
      %dma_wait3A_591 = tpu.memref_squeeze %dma_wait3A_590 : memref<1x1x1000xf32, #tpu.memory_space<hbm>> -> memref<1000xf32, #tpu.memory_space<hbm>>
      %dma_wait3A_592 = arith.constant 9000 : i32
      %dma_wait3A_593 = tpu.memref_slice %arg13[%dma_wait3A_592] : memref<10000xf32, #tpu.memory_space<vmem>> -> memref<1000xf32, #tpu.memory_space<vmem>>
      tpu.wait_dma2 semaphore(%run_scoped3A_573 : memref<!tpu.dma_semaphore, #tpu.memory_space<semaphore_mem>>) src(%dma_wait3A_593 : memref<1000xf32, #tpu.memory_space<vmem>>) dst(%dma_wait3A_591 : memref<1000xf32, #tpu.memory_space<hbm>>)
      tpu.yield
    }) : () -> ()
    %run_scoped3A_572 = arith.constant 9 : i32
    "tpu.region"() ({
      %run_scoped3A_573 = tpu.sem_alloc : memref<!tpu.dma_semaphore, #tpu.memory_space<semaphore_mem>>
      %dma_start3A_574 = arith.constant 9000 : i32
      %dma_start3A_575 = tpu.memref_slice %arg14[%dma_start3A_574] : memref<10000xf32, #tpu.memory_space<vmem>> -> memref<1000xf32, #tpu.memory_space<vmem>>
      %dma_start3A_576 = arith.constant 0 : i32
      %dma_start3A_577 = tpu.memref_slice %arg6[%run_scoped3A_572, %add3A, %dma_start3A_576] : memref<10x32x1000xf32, #tpu.memory_space<hbm>> -> memref<1x1x1000xf32, #tpu.memory_space<hbm>>
      %dma_start3A_578 = tpu.memref_squeeze %dma_start3A_577 : memref<1x1x1000xf32, #tpu.memory_space<hbm>> -> memref<1000xf32, #tpu.memory_space<hbm>>
      %dma_start3A_579 = arith.constant 0 : i32
      %dma_start3A_580 = tpu.memref_slice %arg6[%run_scoped3A_572, %add3A, %dma_start3A_579] : memref<10x32x1000xf32, #tpu.memory_space<hbm>> -> memref<1x1x1000xf32, #tpu.memory_space<hbm>>
      %dma_start3A_581 = tpu.memref_squeeze %dma_start3A_580 : memref<1x1x1000xf32, #tpu.memory_space<hbm>> -> memref<1000xf32, #tpu.memory_space<hbm>>
      %dma_start3A_582 = arith.constant 9000 : i32
      %dma_start3A_583 = tpu.memref_slice %arg14[%dma_start3A_582] : memref<10000xf32, #tpu.memory_space<vmem>> -> memref<1000xf32, #tpu.memory_space<vmem>>
      tpu.enqueue_dma source(%dma_start3A_583 : memref<1000xf32, #tpu.memory_space<vmem>>) target(%dma_start3A_581 : memref<1000xf32, #tpu.memory_space<hbm>>) target_semaphore(%run_scoped3A_573 : memref<!tpu.dma_semaphore, #tpu.memory_space<semaphore_mem>>)
      %dma_wait3A_584 = arith.constant 9000 : i32
      %dma_wait3A_585 = tpu.memref_slice %arg14[%dma_wait3A_584] : memref<10000xf32, #tpu.memory_space<vmem>> -> memref<1000xf32, #tpu.memory_space<vmem>>
      %dma_wait3A_586 = arith.constant 0 : i32
      %dma_wait3A_587 = tpu.memref_slice %arg6[%run_scoped3A_572, %add3A, %dma_wait3A_586] : memref<10x32x1000xf32, #tpu.memory_space<hbm>> -> memref<1x1x1000xf32, #tpu.memory_space<hbm>>
      %dma_wait3A_588 = tpu.memref_squeeze %dma_wait3A_587 : memref<1x1x1000xf32, #tpu.memory_space<hbm>> -> memref<1000xf32, #tpu.memory_space<hbm>>
      %dma_wait3A_589 = arith.constant 0 : i32
      %dma_wait3A_590 = tpu.memref_slice %arg6[%run_scoped3A_572, %add3A, %dma_wait3A_589] : memref<10x32x1000xf32, #tpu.memory_space<hbm>> -> memref<1x1x1000xf32, #tpu.memory_space<hbm>>
      %dma_wait3A_591 = tpu.memref_squeeze %dma_wait3A_590 : memref<1x1x1000xf32, #tpu.memory_space<hbm>> -> memref<1000xf32, #tpu.memory_space<hbm>>
      %dma_wait3A_592 = arith.constant 9000 : i32
      %dma_wait3A_593 = tpu.memref_slice %arg14[%dma_wait3A_592] : memref<10000xf32, #tpu.memory_space<vmem>> -> memref<1000xf32, #tpu.memory_space<vmem>>
      tpu.wait_dma2 semaphore(%run_scoped3A_573 : memref<!tpu.dma_semaphore, #tpu.memory_space<semaphore_mem>>) src(%dma_wait3A_593 : memref<1000xf32, #tpu.memory_space<vmem>>) dst(%dma_wait3A_591 : memref<1000xf32, #tpu.memory_space<hbm>>)
      tpu.yield
    }) : () -> ()
    return
  }
}

module attributes {stable_mosaic.version = 14 : i64} {
  func.func @_matmul_body(%arg0: i32, %arg1: memref<1000x128xf32, #tpu.memory_space<vmem>>, %arg2: memref<128x128xf32, #tpu.memory_space<vmem>>, %arg3: memref<1x128xf32, #tpu.memory_space<vmem>>, %arg4: memref<2x32000xi32, #tpu.memory_space<vmem>>, %arg5: memref<1x32000xi32, #tpu.memory_space<vmem>>, %arg6: memref<1000x128xf32, #tpu.memory_space<vmem>>, %arg7: memref<3x32000xi32, #tpu.memory_space<vmem>>) attributes {dimension_semantics = [#tpu.dimension_semantics<arbitrary>], iteration_bounds = array<i64: 10>, scalar_prefetch = 0 : i64, scratch_operands = 0 : i64, tpu.core_type = #tpu.core_type<tc>, window_params = [{transform_indices = @transform_0, window_bounds = array<i64: 1000, 128>}, {pipeline_mode = #tpu.pipeline_mode<synchronous>, transform_indices = @transform_1, window_bounds = array<i64: 128, 128>}, {pipeline_mode = #tpu.pipeline_mode<synchronous>, transform_indices = @transform_2, window_bounds = array<i64: 1, 128>}, {transform_indices = @transform_3, window_bounds = array<i64: 2, 32000>}, {transform_indices = @transform_4, window_bounds = array<i64: 1, 32000>}, {transform_indices = @transform_5, window_bounds = array<i64: 1000, 128>}, {transform_indices = @transform_6, window_bounds = array<i64: 3, 32000>}]} {
    %get3A = arith.constant 0 : index
    %get3A_0 = arith.constant 0 : index
    %get3A_1 = vector.load %arg1[%get3A, %get3A_0] : memref<1000x128xf32, #tpu.memory_space<vmem>>, vector<1000x128xf32>
    %get3A_2 = arith.constant 0 : index
    %get3A_3 = arith.constant 0 : index
    %get3A_4 = vector.load %arg2[%get3A_2, %get3A_3] : memref<128x128xf32, #tpu.memory_space<vmem>>, vector<128x128xf32>
    %dot_general3A = arith.constant dense<0.000000e+00> : vector<1000x128xf32>
    %dot_general3A_5 = tpu.matmul %get3A_1, %get3A_4, %dot_general3A {dimension_numbers = #tpu.dot_dimension_numbers<[1], [0], [0], [1], [0, 0, 1, 1], [], []>, transpose_lhs_hint = false} : vector<1000x128xf32>, vector<128x128xf32>, vector<1000x128xf32> -> vector<1000x128xf32>
    %get3A_6 = arith.constant 0 : index
    %get3A_7 = arith.constant 0 : index
    %get3A_8 = vector.load %arg3[%get3A_6, %get3A_7] : memref<1x128xf32, #tpu.memory_space<vmem>>, vector<1x128xf32>
    %add3A = vector.broadcast %get3A_8 : vector<1x128xf32> to vector<1000x128xf32>
    %add3A_9 = arith.addf %dot_general3A_5, %add3A : vector<1000x128xf32>
    %swap3A = arith.constant 0 : index
    %swap3A_10 = arith.constant 0 : index
    %swap3A_11 = vector.load %arg6[%swap3A, %swap3A_10] : memref<1000x128xf32, #tpu.memory_space<vmem>>, vector<1000x128xf32>
    tpu.vector_store %arg6[%swap3A, %swap3A_10], %add3A_9 {strides = array<i32>} : memref<1000x128xf32, #tpu.memory_space<vmem>>, vector<1000x128xf32>,
    %get3A_12 = arith.constant 0 : index
    %get3A_13 = arith.constant 0 : index
    %get3A_14 = vector.load %arg4[%get3A_12, %get3A_13] : memref<2x32000xi32, #tpu.memory_space<vmem>>, vector<2x32000xi32>
    %swap3A_15 = arith.constant 0 : index
    %swap3A_16 = arith.constant 0 : index
    %swap3A_17 = vector.load %arg7[%swap3A_15, %swap3A_16] : memref<3x32000xi32, #tpu.memory_space<vmem>>, vector<2x32000xi32>
    tpu.vector_store %arg7[%swap3A_15, %swap3A_16], %get3A_14 {strides = array<i32>} : memref<3x32000xi32, #tpu.memory_space<vmem>>, vector<2x32000xi32>,
    %get3A_18 = arith.constant 0 : index
    %get3A_19 = arith.constant 0 : index
    %get3A_20 = vector.load %arg5[%get3A_18, %get3A_19] : memref<1x32000xi32, #tpu.memory_space<vmem>>, vector<1x32000xi32>
    %swap3A_21 = arith.constant 2 : index
    %swap3A_22 = arith.constant 0 : index
    %swap3A_23 = vector.load %arg7[%swap3A_21, %swap3A_22] : memref<3x32000xi32, #tpu.memory_space<vmem>>, vector<1x32000xi32>
    tpu.vector_store %arg7[%swap3A_21, %swap3A_22], %get3A_20 {strides = array<i32>} : memref<3x32000xi32, #tpu.memory_space<vmem>>, vector<1x32000xi32>,
    return
  }
  func.func @transform_0(%arg0: i32) -> (i32, i32) {
    %c0_i32 = arith.constant 0 : i32
    %c0_i32_0 = arith.constant 0 : i32
    return %arg0, %c0_i32 : i32, i32
  }
  func.func @transform_1(%arg0: i32) -> (i32, i32) {
    %c0_i32 = arith.constant 0 : i32
    %c0_i32_0 = arith.constant 0 : i32
    %c0_i32_1 = arith.constant 0 : i32
    return %c0_i32, %c0_i32_0 : i32, i32
  }
  func.func @transform_2(%arg0: i32) -> (i32, i32) {
    %c0_i32 = arith.constant 0 : i32
    %c0_i32_0 = arith.constant 0 : i32
    %c0_i32_1 = arith.constant 0 : i32
    return %c0_i32, %c0_i32_0 : i32, i32
  }
  func.func @transform_3(%arg0: i32) -> (i32, i32) {
    %c0_i32 = arith.constant 0 : i32
    %c0_i32_0 = arith.constant 0 : i32
    return %c0_i32, %arg0 : i32, i32
  }
  func.func @transform_4(%arg0: i32) -> (i32, i32) {
    %c0_i32 = arith.constant 0 : i32
    %c0_i32_0 = arith.constant 0 : i32
    return %c0_i32, %arg0 : i32, i32
  }
  func.func @transform_5(%arg0: i32) -> (i32, i32) {
    %c0_i32 = arith.constant 0 : i32
    %c0_i32_0 = arith.constant 0 : i32
    return %arg0, %c0_i32 : i32, i32
  }
  func.func @transform_6(%arg0: i32) -> (i32, i32) {
    %c0_i32 = arith.constant 0 : i32
    %c0_i32_0 = arith.constant 0 : i32
    return %c0_i32, %arg0 : i32, i32
  }
}

module attributes {stable_mosaic.version = 14 : i64} {
  func.func @_epi_body(%arg0: i32, %arg1: memref<2x1000x128xf32, #tpu.memory_space<vmem>>, %arg2: memref<1000x128xf32, #tpu.memory_space<vmem>>, %arg3: memref<1x32x1000xf32, #tpu.memory_space<vmem>>, %arg4: memref<1x32x1000xf32, #tpu.memory_space<vmem>>, %arg5: memref<1x128xf32, #tpu.memory_space<vmem>>, %arg6: memref<1x128xf32, #tpu.memory_space<vmem>>, %arg7: memref<1x128xf32, #tpu.memory_space<vmem>>, %arg8: memref<1x128xf32, #tpu.memory_space<vmem>>, %arg9: memref<1000x128xf32, #tpu.memory_space<vmem>>) attributes {dimension_semantics = [#tpu.dimension_semantics<arbitrary>], iteration_bounds = array<i64: 10>, scalar_prefetch = 0 : i64, scratch_operands = 0 : i64, tpu.core_type = #tpu.core_type<tc>, window_params = [{transform_indices = @transform_0, window_bounds = array<i64: 2, 1000, 128>}, {transform_indices = @transform_1, window_bounds = array<i64: 1000, 128>}, {transform_indices = @transform_2, window_bounds = array<i64: 1, 32, 1000>}, {transform_indices = @transform_3, window_bounds = array<i64: 1, 32, 1000>}, {pipeline_mode = #tpu.pipeline_mode<synchronous>, transform_indices = @transform_4, window_bounds = array<i64: 1, 128>}, {pipeline_mode = #tpu.pipeline_mode<synchronous>, transform_indices = @transform_5, window_bounds = array<i64: 1, 128>}, {pipeline_mode = #tpu.pipeline_mode<synchronous>, transform_indices = @transform_6, window_bounds = array<i64: 1, 128>}, {pipeline_mode = #tpu.pipeline_mode<synchronous>, transform_indices = @transform_7, window_bounds = array<i64: 1, 128>}, {transform_indices = @transform_8, window_bounds = array<i64: 1000, 128>}]} {
    %get3A = arith.constant 0 : index
    %get3A_0 = arith.constant 0 : index
    %get3A_1 = arith.constant 0 : index
    %get3A_2 = vector.load %arg1[%get3A, %get3A_0, %get3A_1] : memref<2x1000x128xf32, #tpu.memory_space<vmem>>, vector<1x1000x128xf32>
    %get3A_3 = vector.shape_cast %get3A_2 : vector<1x1000x128xf32> to vector<1000x128xf32>
    %get3A_4 = arith.constant 1 : index
    %get3A_5 = arith.constant 0 : index
    %get3A_6 = arith.constant 0 : index
    %get3A_7 = vector.load %arg1[%get3A_4, %get3A_5, %get3A_6] : memref<2x1000x128xf32, #tpu.memory_space<vmem>>, vector<1x1000x128xf32>
    %get3A_8 = vector.shape_cast %get3A_7 : vector<1x1000x128xf32> to vector<1000x128xf32>
    %add3A = arith.addf %get3A_3, %get3A_8 : vector<1000x128xf32>
    %get3A_9 = arith.constant 0 : index
    %get3A_10 = arith.constant 0 : index
    %get3A_11 = arith.constant 0 : index
    %get3A_12 = vector.load %arg3[%get3A_9, %get3A_10, %get3A_11] : memref<1x32x1000xf32, #tpu.memory_space<vmem>>, vector<1x32x1000xf32>
    %get3A_13 = vector.shape_cast %get3A_12 : vector<1x32x1000xf32> to vector<32x1000xf32>
    %reduce_sum3A = arith.constant dense<0.000000e+00> : vector<1000xf32>
    %reduce_sum3A_14 = vector.multi_reduction <add>, %get3A_13, %reduce_sum3A [0] : vector<32x1000xf32> to vector<1000xf32>
    %get3A_15 = arith.constant 0 : index
    %get3A_16 = arith.constant 0 : index
    %get3A_17 = arith.constant 0 : index
    %get3A_18 = vector.load %arg4[%get3A_15, %get3A_16, %get3A_17] : memref<1x32x1000xf32, #tpu.memory_space<vmem>>, vector<1x32x1000xf32>
    %get3A_19 = vector.shape_cast %get3A_18 : vector<1x32x1000xf32> to vector<32x1000xf32>
    %reduce_sum3A_20 = arith.constant dense<0.000000e+00> : vector<1000xf32>
    %reduce_sum3A_21 = vector.multi_reduction <add>, %get3A_19, %reduce_sum3A_20 [0] : vector<32x1000xf32> to vector<1000xf32>
    %get3A_22 = arith.constant 0 : index
    %get3A_23 = arith.constant 0 : index
    %get3A_24 = vector.load %arg2[%get3A_22, %get3A_23] : memref<1000x128xf32, #tpu.memory_space<vmem>>, vector<1000x128xf32>
    %add3A_25 = arith.addf %add3A, %get3A_24 : vector<1000x128xf32>
    %broadcast_in_dim3A = vector.shape_cast %reduce_sum3A_14 : vector<1000xf32> to vector<1000x1xf32>
    %get3A_26 = arith.constant 0 : index
    %get3A_27 = arith.constant 0 : index
    %get3A_28 = vector.load %arg5[%get3A_26, %get3A_27] : memref<1x128xf32, #tpu.memory_space<vmem>>, vector<1x128xf32>
    %mul3A = vector.broadcast %broadcast_in_dim3A : vector<1000x1xf32> to vector<1000x128xf32>
    %mul3A_29 = vector.broadcast %get3A_28 : vector<1x128xf32> to vector<1000x128xf32>
    %mul3A_30 = arith.mulf %mul3A, %mul3A_29 : vector<1000x128xf32>
    %add3A_31 = arith.addf %add3A_25, %mul3A_30 : vector<1000x128xf32>
    %broadcast_in_dim3A_32 = vector.shape_cast %reduce_sum3A_21 : vector<1000xf32> to vector<1000x1xf32>
    %get3A_33 = arith.constant 0 : index
    %get3A_34 = arith.constant 0 : index
    %get3A_35 = vector.load %arg6[%get3A_33, %get3A_34] : memref<1x128xf32, #tpu.memory_space<vmem>>, vector<1x128xf32>
    %mul3A_36 = vector.broadcast %broadcast_in_dim3A_32 : vector<1000x1xf32> to vector<1000x128xf32>
    %mul3A_37 = vector.broadcast %get3A_35 : vector<1x128xf32> to vector<1000x128xf32>
    %mul3A_38 = arith.mulf %mul3A_36, %mul3A_37 : vector<1000x128xf32>
    %add3A_39 = arith.addf %add3A_31, %mul3A_38 : vector<1000x128xf32>
    %logistic3A = arith.negf %add3A_39 : vector<1000x128xf32>
    %logistic3A_40 = math.exp %logistic3A : vector<1000x128xf32>
    %logistic3A_41 = arith.constant 1.000000e+00 : f32
    %logistic3A_42 = vector.broadcast %logistic3A_41 : f32 to vector<1000x128xf32>
    %logistic3A_43 = arith.addf %logistic3A_42, %logistic3A_40 : vector<1000x128xf32>
    %logistic3A_44 = arith.divf %logistic3A_42, %logistic3A_43 : vector<1000x128xf32>
    %mul3A_45 = arith.mulf %add3A_39, %logistic3A_44 : vector<1000x128xf32>
    %reduce_sum3A_46 = arith.constant dense<0.000000e+00> : vector<1000xf32>
    %reduce_sum3A_47 = vector.multi_reduction <add>, %mul3A_45, %reduce_sum3A_46 [1] : vector<1000x128xf32> to vector<1000xf32>
    %broadcast_in_dim3A_48 = vector.shape_cast %reduce_sum3A_47 : vector<1000xf32> to vector<1000x1xf32>
    %div3A = arith.constant 1.280000e+02 : f32
    %div3A_49 = vector.broadcast %div3A : f32 to vector<1000x1xf32>
    %div3A_50 = arith.divf %broadcast_in_dim3A_48, %div3A_49 : vector<1000x1xf32>
    %sub3A = vector.broadcast %div3A_50 : vector<1000x1xf32> to vector<1000x128xf32>
    %sub3A_51 = arith.subf %mul3A_45, %sub3A : vector<1000x128xf32>
    %integer_pow3A = arith.mulf %sub3A_51, %sub3A_51 : vector<1000x128xf32>
    %reduce_sum3A_52 = arith.constant dense<0.000000e+00> : vector<1000xf32>
    %reduce_sum3A_53 = vector.multi_reduction <add>, %integer_pow3A, %reduce_sum3A_52 [1] : vector<1000x128xf32> to vector<1000xf32>
    %broadcast_in_dim3A_54 = vector.shape_cast %reduce_sum3A_53 : vector<1000xf32> to vector<1000x1xf32>
    %div3A_55 = arith.constant 1.280000e+02 : f32
    %div3A_56 = vector.broadcast %div3A_55 : f32 to vector<1000x1xf32>
    %div3A_57 = arith.divf %broadcast_in_dim3A_54, %div3A_56 : vector<1000x1xf32>
    %sub3A_58 = vector.broadcast %div3A_50 : vector<1000x1xf32> to vector<1000x128xf32>
    %sub3A_59 = arith.subf %mul3A_45, %sub3A_58 : vector<1000x128xf32>
    %add3A_60 = arith.constant 9.99999974E-6 : f32
    %add3A_61 = vector.broadcast %add3A_60 : f32 to vector<1000x1xf32>
    %add3A_62 = arith.addf %div3A_57, %add3A_61 : vector<1000x1xf32>
    %rsqrt3A = math.rsqrt %add3A_62 : vector<1000x1xf32>
    %mul3A_63 = vector.broadcast %rsqrt3A : vector<1000x1xf32> to vector<1000x128xf32>
    %mul3A_64 = arith.mulf %sub3A_59, %mul3A_63 : vector<1000x128xf32>
    %get3A_65 = arith.constant 0 : index
    %get3A_66 = arith.constant 0 : index
    %get3A_67 = vector.load %arg7[%get3A_65, %get3A_66] : memref<1x128xf32, #tpu.memory_space<vmem>>, vector<1x128xf32>
    %mul3A_68 = vector.broadcast %get3A_67 : vector<1x128xf32> to vector<1000x128xf32>
    %mul3A_69 = arith.mulf %mul3A_64, %mul3A_68 : vector<1000x128xf32>
    %get3A_70 = arith.constant 0 : index
    %get3A_71 = arith.constant 0 : index
    %get3A_72 = vector.load %arg8[%get3A_70, %get3A_71] : memref<1x128xf32, #tpu.memory_space<vmem>>, vector<1x128xf32>
    %add3A_73 = vector.broadcast %get3A_72 : vector<1x128xf32> to vector<1000x128xf32>
    %add3A_74 = arith.addf %mul3A_69, %add3A_73 : vector<1000x128xf32>
    %swap3A = arith.constant 0 : index
    %swap3A_75 = arith.constant 0 : index
    %swap3A_76 = vector.load %arg9[%swap3A, %swap3A_75] : memref<1000x128xf32, #tpu.memory_space<vmem>>, vector<1000x128xf32>
    tpu.vector_store %arg9[%swap3A, %swap3A_75], %add3A_74 {strides = array<i32>} : memref<1000x128xf32, #tpu.memory_space<vmem>>, vector<1000x128xf32>,
    return
  }
  func.func @transform_0(%arg0: i32) -> (i32, i32, i32) {
    %c0_i32 = arith.constant 0 : i32
    %c0_i32_0 = arith.constant 0 : i32
    %c0_i32_1 = arith.constant 0 : i32
    return %c0_i32, %arg0, %c0_i32_0 : i32, i32, i32
  }
  func.func @transform_1(%arg0: i32) -> (i32, i32) {
    %c0_i32 = arith.constant 0 : i32
    %c0_i32_0 = arith.constant 0 : i32
    return %arg0, %c0_i32 : i32, i32
  }
  func.func @transform_2(%arg0: i32) -> (i32, i32, i32) {
    %c0_i32 = arith.constant 0 : i32
    %c0_i32_0 = arith.constant 0 : i32
    %c0_i32_1 = arith.constant 0 : i32
    return %arg0, %c0_i32, %c0_i32_0 : i32, i32, i32
  }
  func.func @transform_3(%arg0: i32) -> (i32, i32, i32) {
    %c0_i32 = arith.constant 0 : i32
    %c0_i32_0 = arith.constant 0 : i32
    %c0_i32_1 = arith.constant 0 : i32
    return %arg0, %c0_i32, %c0_i32_0 : i32, i32, i32
  }
  func.func @transform_4(%arg0: i32) -> (i32, i32) {
    %c0_i32 = arith.constant 0 : i32
    %c0_i32_0 = arith.constant 0 : i32
    %c0_i32_1 = arith.constant 0 : i32
    return %c0_i32, %c0_i32_0 : i32, i32
  }
  func.func @transform_5(%arg0: i32) -> (i32, i32) {
    %c0_i32 = arith.constant 0 : i32
    %c0_i32_0 = arith.constant 0 : i32
    %c0_i32_1 = arith.constant 0 : i32
    return %c0_i32, %c0_i32_0 : i32, i32
  }
  func.func @transform_6(%arg0: i32) -> (i32, i32) {
    %c0_i32 = arith.constant 0 : i32
    %c0_i32_0 = arith.constant 0 : i32
    %c0_i32_1 = arith.constant 0 : i32
    return %c0_i32, %c0_i32_0 : i32, i32
  }
  func.func @transform_7(%arg0: i32) -> (i32, i32) {
    %c0_i32 = arith.constant 0 : i32
    %c0_i32_0 = arith.constant 0 : i32
    %c0_i32_1 = arith.constant 0 : i32
    return %c0_i32, %c0_i32_0 : i32, i32
  }
  func.func @transform_8(%arg0: i32) -> (i32, i32) {
    %c0_i32 = arith.constant 0 : i32
    %c0_i32_0 = arith.constant 0 : i32
    return %arg0, %c0_i32 : i32, i32
  }
}

</mosaic_0001>

<sc_bundles>
// kernel: kernel.5.cloned.1.call-start
scs
__scs_entry_jumppad:
0x0: {  	(pc) =	sbr.rel $0x88, $3  }
0x1: {  	(tag) =	ssettag $0x0;
	lr =	simm.s32 $0x1  }
0x2: {  	[smem:$0x3F98] =	sst lr;
	_ =	strace $0xD0000000  }
0x3: {  	_ = 	snop  }
0x4: {  	_ = 	snop  }
0x5: {  	_ = 	snop  }
0x6: {  	_ = 	snop  }
0x7: {  	_ = 	snop  }
__scs_overlays_trampoline_lowered:
0x8: {  	[smem:$0x3FA7] =	sst s0  }
0x9: {  	[smem:$0x3FA8] =	sst s1  }
0xa: {  	[smem:$0x3FA9] =	sst s2  }
0xb: {  	[smem:$0x3FAA] =	sst s3  }
0xc: {  	[smem:$0x3FAB] =	sst s4  }
0xd: {  	[smem:$0x3FAC] =	sst s5  }
0xe: {  	[smem:$0x3FAD] =	sst s6  }
0xf: {  	[smem:$0x3FAE] =	sst s7  }
0x10: {  	[smem:$0x3FAF] =	sst s8  }
0x11: {  	[smem:$0x3FB0] =	sst s9;
	s0 =	simm.s32 @!p0 $0x0  }
0x12: {  	s1 =	sld [smem:$0x3F96];
	s0 =	simm.s32 @p0 $0x1  }
0x13: {  	[smem:$0x3FB1] =	sst s0;
	s0 =	simm.s32 @!p1 $0x0  }
0x14: {  	s2 =	sld [smem:$0x3F95];
	s0 =	simm.s32 @p1 $0x1  }
0x15: {  	[smem:$0x3FB2] =	sst s0;
	s0 =	simm.s32 @!p2 $0x0  }
0x16: {  	s3 =	sld [smem:$0x3FDB];
	s0 =	simm.s32 @p2 $0x1  }
0x17: {  	s4 =	simm.s32 $0x1BF5;
	[smem:$0x3FB4] =	sst s0  }
0x18: {  	s0 =	sld [smem:$0x3F97];
	_ =	swait.ge [sflag:s4], $0x0  }
0x19: {  	s7 =	sld [smem:$0x3F98]  }
0x1a: {  	s8 =	sadd.s32 $0xFFFFE003, lr  }
0x1b: {  	s9 =	sadd.s32 $0xFFFFFEF7, lr;
	s5 =	simm.s32 $0xFFFFFFFF;
	p2 =	slt.u32 s8, $0xFFFFF086  }
0x1c: {  	p1 =	slt.u32 s9, $0xF7A;
	s5 =	simm.s32 @!p2 $0x0  }
0x1d: {  	s5 =	simm.s32 @p1 $0x1;
	p0 =	seq.s32 s7, s2  }
0x1e: {  	s7 =	smul.u32 @!p0 $0xF7A, s2;
	p2 =	seq.s32 @!p0 s5, $0x0  }
0x1f: {  	s9 =	smul.u32 $0xF7A, s1;
	s8 =	simm.s32 @!p0 $0x1BF5;
	p2 =	por !p2, p0  }
0x20: {  	[sflag:s8] =	ssyncset.s32 @!p0 $0xFFFFF086;
	s6 =	sadd.s32 @!p0 s3, s7;
	s7 =	simm.s32 @!p0 $0x108  }
0x21: {  	s3 =	sadd.s32 s3, s9;
	s6 =	sadd.s32 @!p0 $0x88, s6;
	s7 =	simm.s32 @p2 $0x1082  }
0x22: {  	[simem:s7], [sflag:s8] =	dma.local @!p0 [hbm:s6], $0xF7A  }
0x23: {  	s9 =	sor.u32 $0xD0000000, s2;
	s6 =	simm.s32 $0x108;
	_ =	swait.ge @!p0 [sflag:s8], $0x0  }
0x24: {  	s3 =	sadd.s32 $0x88, s3;
	s6 =	simm.s32 @!p1 $0x1082;
	[sflag:s4] =	ssyncset.s32 $0xFFFFF086  }
0x25: {  	[simem:s6], [sflag:s4] =	dma.local [hbm:s3], $0xF7A  }
0x26: {  	[smem:$0x3F98] =	sst s1;
	(tag) =	ssettag s2;
	_ =	strace s9  }
0x27: {  	s1 =	sld [smem:$0x3FA8]  }
0x28: {  	s2 =	sld [smem:$0x3FA9]  }
0x29: {  	s4 =	sld [smem:$0x3FAB]  }
0x2a: {  	p0 =	seq.s32 s5, $0x0;
	s5 =	sld [smem:$0x3FAC]  }
0x2b: {  	s6 =	sld [smem:$0x3FAD]  }
0x2c: {  	s7 =	sld [smem:$0x3FAE]  }
0x2d: {  	s3 =	simm.s32 $0x108;
	s8 =	sld [smem:$0x3FAF]  }
0x2e: {  	s3 =	simm.s32 @!p0 $0x1082;
	s9 =	sld [smem:$0x3FB0]  }
0x2f: {  	lr =	sadd.s32 s0, s3;
	s0 =	sld [smem:$0x3FA7]  }
0x30: {  	s3 =	sld [smem:$0x3FAA]  }
0x31: {  	[smem:$0x3FB3] =	sst s10  }
0x32: {  	s10 =	sld [smem:$0x3FB1];
	_ =	sdelay $0x3  }
0x33: {  	p0 =	seq.s32 s10, $0x1;
	s10 =	sld [smem:$0x3FB3];
	_ =	sdelay $0x3  }
0x34: {  	[smem:$0x3FB3] =	sst s10  }
0x35: {  	s10 =	sld [smem:$0x3FB2];
	_ =	sdelay $0x3  }
0x36: {  	p1 =	seq.s32 s10, $0x1;
	s10 =	sld [smem:$0x3FB3];
	_ =	sdelay $0x3  }
0x37: {  	[smem:$0x3FB3] =	sst s10  }
0x38: {  	s10 =	sld [smem:$0x3FB4]  }
0x39: {  	_ = 	snop;
	(pc) =	sbr.ind lr, $3  }
0x3a: {  	_ = 	snop  }
0x3b: {  	_ = 	snop  }
0x3c: {  	p2 =	seq.s32 s10, $0x1;
	s10 =	sld [smem:$0x3FB3]  }
0x3d: {  	_ =	shalt  }
0x3e: {  	_ =	shalt  }
0x3f: {  	_ =	shalt  }
0x40: {  	_ =	shalt  }
0x41: {  	_ =	shalt  }
0x42: {  	_ =	shalt  }
0x43: {  	_ =	shalt  }
0x44: {  	_ =	shalt  }
0x45: {  	_ =	shalt  }
0x46: {  	_ =	shalt  }
0x47: {  	_ =	shalt  }
0x48: {  	_ =	shalt  }
0x49: {  	_ =	shalt  }
0x4a: {  	_ =	shalt  }
0x4b: {  	_ =	shalt  }
0x4c: {  	_ =	shalt  }
0x4d: {  	_ =	shalt  }
0x4e: {  	_ =	shalt  }
0x4f: {  	_ =	shalt  }
0x50: {  	_ =	shalt  }
0x51: {  	_ =	shalt  }
0x52: {  	_ =	shalt  }
0x53: {  	_ =	shalt  }
0x54: {  	_ =	shalt  }
0x55: {  	_ =	shalt  }
0x56: {  	_ =	shalt  }
0x57: {  	_ =	shalt  }
0x58: {  	_ =	shalt  }
0x59: {  	_ =	shalt  }
0x5a: {  	_ =	shalt  }
0x5b: {  	_ =	shalt  }
0x5c: {  	_ =	shalt  }
0x5d: {  	_ =	shalt  }
0x5e: {  	_ =	shalt  }
0x5f: {  	_ =	shalt  }
0x60: {  	_ =	shalt  }
0x61: {  	_ =	shalt  }
0x62: {  	_ =	shalt  }
0x63: {  	_ =	shalt  }
0x64: {  	_ =	shalt  }
0x65: {  	_ =	shalt  }
0x66: {  	_ =	shalt  }
0x67: {  	_ =	shalt  }
0x68: {  	_ =	shalt  }
0x69: {  	_ =	shalt  }
0x6a: {  	_ =	shalt  }
0x6b: {  	_ =	shalt  }
0x6c: {  	_ =	shalt  }
0x6d: {  	_ =	shalt  }
0x6e: {  	_ =	shalt  }
0x6f: {  	_ =	shalt  }
0x70: {  	_ =	shalt  }
0x71: {  	_ =	shalt  }
0x72: {  	_ =	shalt  }
0x73: {  	_ =	shalt  }
0x74: {  	_ =	shalt  }
0x75: {  	_ =	shalt  }
0x76: {  	_ =	shalt  }
0x77: {  	_ =	shalt  }
0x78: {  	_ =	shalt  }
0x79: {  	_ =	shalt  }
0x7a: {  	_ =	shalt  }
0x7b: {  	_ =	shalt  }
0x7c: {  	_ =	shalt  }
0x7d: {  	_ =	shalt  }
0x7e: {  	_ =	shalt  }
0x7f: {  	_ =	shalt  }
0x80: {  	_ =	shalt  }
0x81: {  	_ =	shalt  }
0x82: {  	_ =	shalt  }
0x83: {  	_ =	shalt  }
0x84: {  	_ =	shalt  }
0x85: {  	_ =	shalt  }
0x86: {  	_ =	shalt  }
0x87: {  	_ =	shalt  }
.Lfunc_end0:
.L_simem_size_0:
called_computation_lowered:
.L_overlay_start_0:
0x88: {  	s2 =	sld [smem:$0x3FD9]  }
0x89: {  	s3 =	sld [smem:$0x3FFE];
	_ =	sdelay $0x1  }
0x8a: {  	s1 =	srdreg.scid  }
0x8b: {  	s0 =	sand.u32 $0x1, s1  }
0x8c: {  	s17 =	sshll.u32 s0, $0xA;
	s2 =	sadd.s32 s3, s2  }
0x8d: {  	s2 =	sadd.s32 s2, s17  }
0x8e: {  	[smem:$0x3FBF] =	sst s2  }
0x8f: {  	_ = 	snop  }
0x90: {  	s2 =	sld [smem:$0x3FD0];
	(tm) =	ssettm $0x1  }
0x91: {  	s18 =	sld [smem:$0x3FFB];
	_ =	sdelay $0x3  }
0x92: {  	_ =	strace s18  }
0x93: {  	s3 =	sld [smem:$0x3FFC];
	_ =	sdelay $0x3  }
0x94: {  	_ =	strace s3  }
0x95: {  	s3 =	sld [smem:$0x3FFD];
	_ =	sdelay $0x3  }
0x96: {  	_ =	strace s3  }
0x97: {  	_ =	strace $0x8FFFFFFF  }
0x98: {  	s19 =	sld [smem:$0x3FDB];
	_ =	sdelay $0x1  }
0x99: {  	s4 =	simm.s32 $_scs_section_size  }
0x9a: {  	s5 =	simm.s32 $_size__tile_overlayer_lowered;
	s6 =	simm.s32 $_tile_overlayer_lowered  }
0x9b: {  	s22 =	simm.s32 $0x1BFF;
	s21 =	sshll.u32 s6, $0x1;
	s3 =	sadd.s32 s4, s19  }
0x9c: {  	s7 =	simm.s32 $0x0;
	s20 =	sshll.u32 s5, $0x1;
	s5 =	sadd.s32 s21, s3  }
0x9d: {  	[timem:s7], [sflag:s22] =	dma.local [hbm:s5], s20  }
0x9e: {  	_ =	swait.ge [sflag:s22], s20  }
0x9f: {  	s4 =	ssub.s32 $0x0, s20;
	[sflag:s22] =	ssyncset.done $0x0  }
0xa0: {  	[sflag:s22] =	ssyncadd.s32 s4;
	_ =	sdelay $0x1  }
0xa1: {  	s23 =	simm.s32 $0x1B8B  }
0xa2: {  	_ =	swait.ge [sflag:s23], $0x1  }
0xa3: {  	[sflag:s23] =	ssyncset.done $0x0  }
0xa4: {  	s25 =	simm.s32 $0x1B8E;
	s24 =	sld [smem:$0x3FFE];
	[sflag:s23] =	ssyncadd.s32 $0xFFFFFFFF  }
0xa5: {  	s26 =	simm.s32 $execute0_lowered;
	[smem:$0x3FD2] =	sst s25  }
0xa6: {  	s5 =	sshll.u32 s26, $0x1;
	_ =	strace $0x80000046;
	[dreg:$0x1] =	wrdreg $0xFFFFFFFF  }
0xa7: {  	s28 =	simm.s32 $_size_execute0_lowered;
	s3 =	sadd.s32 s3, s5;
	[dreg:$0x0] =	wrdreg $0x0  }
0xa8: {  	s5 =	sshll.u32 s28, $0x1;
	[dreg:$0x2] =	wrdreg s3  }
0xa9: {  	[dreg:$0x3] =	wrdreg s5  }
0xaa: {  	[dreg:$0x4] =	wrdreg $0xC0  }
0xab: {  	_ =	task [dreg:s7], $0x5FFFF  }
0xac: {  	[dreg:$0x1] =	wrdreg $0xFFFFFFFF  }
0xad: {  	[dreg:$0x0] =	wrdreg $0x60  }
0xae: {  	[dreg:$0x2] =	wrdreg s2  }
0xaf: {  	[dreg:$0x3] =	wrdreg s24  }
0xb0: {  	[dreg:$0x4] =	wrdreg $0x0  }
0xb1: {  	[dreg:$0x5] =	wrdreg $0x9  }
0xb2: {  	_ =	task.clear_ibuf [dreg:s7], $0x6FFFF;
	_ =	strace $0x90000046  }
0xb3: {  	s29 =	simm.s32 $0x9;
	_ =	strace $0x80000048  }
0xb4: {  	_ =	swait.ge [sflag:s29], $0x1  }
0xb5: {  	[sflag:s29] =	ssyncadd.s32 $0xFFFFFFFF  }
0xb6: {  	_ =	strace $0x90000048  }
0xb7: {  	_ =	sfence  }
0xb8: {  	s30 =	sld [smem:$0x0];
	_ =	sdelay $0x2  }
0xb9: {  	s31 =	sshll.u32 s1, $0xD;
	s1 =	sshrl.u32 s1, $0x2  }
0xba: {  	s3 =	sand.u32 $0x4000, s31;
	s1 =	sadd.s32 s1, s30  }
0xbb: {  	s0 =	sor.u32 s3, s0;
	s1 =	sshll.u32 s1, $0x11  }
0xbc: {  	s0 =	sor.u32 s1, s0  }
0xbd: {  	s0 =	sadd.s32 $0x8F2B, s0  }
0xbe: {  	[sflag:s0] =	ssyncadd.remote.s32 $0x1  }
0xbf: {  	_ =	sfence.sel $0xFFFF  }
0xc0: {  	[dreg:$0x0] =	wrdreg $0xFFFFFFFF;
	(pc) =	sbr.abs _section_cstart, $3  }
0xc1: {  	[dreg:$0x1] =	wrdreg $0xFFFFFFFF  }
0xc2: {  	_ =	task.clear_ibuf [dreg:s7], $0x2FFFF;
	_ =	strace $0x9FFFFFFF  }
0xc3: {  	(tm) =	ssettm $0x7FFFFFFF  }
tec
execute0_lowered:
.L_overlay_start_1:
0x0: {  	(tag) =	ssettag $0x1  }
0x1: {  	s1 =	rddreg [dreg:$0x0]  }
0x2: {  	s22 =	rddreg [dreg:$0x1]  }
0x3: {  	s2 =	rddreg [dreg:$0x2];
	s3 =	simm.s32 $0x0;
	s0 =	srdreg.scid  }
0x4: {  	s29 =	stileid.u32;
	[smem:$0x7FF] =	sst s3  }
0x5: {  	s5 =	sadd.s32 $0x2600, s22;
	s6 =	sand.u32 $0x1, s0;
	s10 =	smul.u32 $0x2710, s29  }
0x6: {  	s23 =	sadd.s32 $0x33800, s22;
	s17 =	sor.u32 $0x10, s29;
	s24 =	smul.u32 $0x138800, s6  }
0x7: {  	s0 =	ssub.s32 $0x2, s6;
	s7 =	sshll.u32 s6, $0x4;
	s6 =	smul.u32 $0x27100, s6  }
0x8: {  	s14 =	sor.u32 $0x30, s29;
	s13 =	sor.u32 $0x40, s29;
	s8 =	smul.u32 $0x2800, s17  }
0x9: {  	s12 =	sor.u32 $0x50, s29;
	s17 =	smul.u32 $0xA000, s17;
	s4 =	sshrl.u32 s0, $0x1  }
0xa: {  	_ =	strace $0x80000047;
	s0 =	ssub.s32 s0, s4;
	s4 =	smul.u32 $0x2800, s29  }
0xb: {  	s19 =	sor.u32 s29, s7;
	s6 =	sadd.s32 s10, s6;
	s10 =	smul.u32 $0x2800, s14  }
0xc: {  	s7 =	sor.u32 $0x20, s29;
	s28 =	sadd.s32 s24, s8;
	s14 =	smul.u32 $0xA000, s14  }
0xd: {  	s17 =	sshrl.u32 s17, $0x2;
	s15 =	sadd.s32 $0x280, s6;
	s18 =	sshrl.u32 s28, $0x3  }
0xe: {  	s28 =	sadd.s32 $0x230, s6;
	s17 =	sadd.s32 s17, s2;
	s0 =	smax.u32 s0, $0x1  }
0xf: {  	s9 =	sadd.s32 s4, s24;
	s15 =	sshrl.u32 s15, $0x3;
	s20 =	sadd.s32 s24, s10  }
0x10: {  	s18 =	sadd.s32 s23, s18;
	[smem:$0x7EA] =	sst s17;
	s14 =	sshrl.u32 s14, $0x2  }
0x11: {  	[smem:$0x7F1] =	sst s0;
	s11 =	sshrl.u32 s9, $0x3;
	s9 =	smul.u32 $0x2800, s7  }
0x12: {  	s15 =	sadd.s32 s15, s5;
	[dreg:$0xa] =	wrdreg s18;
	s21 =	sshrl.u32 s20, $0x3  }
0x13: {  	s20 =	sor.u32 $0x60, s29;
	s26 =	sadd.s32 s23, s11;
	s11 =	smul.u32 $0x2800, s13  }
0x14: {  	s14 =	sadd.s32 s14, s2;
	[dreg:$0x4] =	wrdreg s15;
	s15 =	smul.u32 $0x2800, s12  }
0x15: {  	s13 =	smul.u32 $0xA000, s13;
	[smem:$0x7EC] =	sst s14;
	s16 =	sadd.s32 s24, s9  }
0x16: {  	s12 =	smul.u32 $0xA000, s12;
	[dreg:$0x9] =	wrdreg s26;
	s16 =	sshrl.u32 s16, $0x3  }
0x17: {  	s25 =	sadd.s32 s24, s11;
	s26 =	sadd.s32 s24, s15;
	s13 =	sshrl.u32 s13, $0x2  }
0x18: {  	s12 =	sshrl.u32 s12, $0x2;
	s16 =	sadd.s32 s23, s16;
	s18 =	sshrl.u32 s25, $0x3  }
0x19: {  	s25 =	sshrl.u32 s26, $0x3;
	s13 =	sadd.s32 s13, s2;
	[dreg:$0xb] =	wrdreg s16  }
0x1a: {  	s16 =	sadd.s32 s23, s21;
	s18 =	sadd.s32 s23, s18;
	[smem:$0x7ED] =	sst s13  }
0x1b: {  	s21 =	sor.u32 $0x70, s29;
	[dreg:$0xc] =	wrdreg s16;
	s16 =	smul.u32 $0x2800, s20  }
0x1c: {  	s12 =	sadd.s32 s12, s2;
	[dreg:$0xd] =	wrdreg s18;
	s18 =	smul.u32 $0x2800, s21  }
0x1d: {  	s25 =	sadd.s32 s23, s25;
	[smem:$0x7EE] =	sst s12;
	s26 =	sadd.s32 s24, s16  }
0x1e: {  	[dreg:$0xe] =	wrdreg s25;
	s24 =	sadd.s32 s24, s18;
	s25 =	sshrl.u32 s26, $0x3  }
0x1f: {  	s26 =	sshrl.u32 s28, $0x3;
	s28 =	smul.u32 $0x3E8, s19;
	s24 =	sshrl.u32 s24, $0x3  }
0x20: {  	s25 =	sadd.s32 s23, s25;
	s26 =	sadd.s32 s26, s5;
	s23 =	sadd.s32 s23, s24  }
0x21: {  	s24 =	sadd.s32 $0x1FC00, s22;
	[dreg:$0x10] =	wrdreg s23;
	s23 =	sshrl.u32 s28, $0x3  }
0x22: {  	s22 =	sadd.s32 $0x29A00, s22;
	[dreg:$0xf] =	wrdreg s25;
	s25 =	sadd.s32 $0xFA0, s23  }
0x23: {  	[dreg:$0x5] =	wrdreg s26;
	s28 =	sadd.s32 s24, s25;
	s25 =	sadd.s32 s22, s25  }
0x24: {  	s31 =	simm.s32 $0x50;
	[dreg:$0x12] =	wrdreg s25;
	s25 =	sadd.s32 $0x1F40, s23  }
0x25: {  	[dreg:$0x11] =	wrdreg s28;
	s28 =	sadd.s32 s24, s25;
	s25 =	sadd.s32 s22, s25  }
0x26: {  	p0 =	sgt.u32 s29, $0xC;
	[dreg:$0x14] =	wrdreg s25;
	s25 =	sadd.s32 $0x2EE0, s23  }
0x27: {  	[dreg:$0x13] =	wrdreg s28;
	s28 =	sadd.s32 s24, s25;
	s25 =	sadd.s32 s22, s25  }
0x28: {  	s8 =	sadd.s32 s8, s2;
	[dreg:$0x16] =	wrdreg s25;
	s25 =	sadd.s32 $0x3E80, s23  }
0x29: {  	[dreg:$0x15] =	wrdreg s28;
	s28 =	sadd.s32 s24, s25;
	s25 =	sadd.s32 s22, s25  }
0x2a: {  	s4 =	sadd.s32 s4, s2;
	[dreg:$0x18] =	wrdreg s25;
	s25 =	sadd.s32 $0x4E20, s23  }
0x2b: {  	[dreg:$0x17] =	wrdreg s28;
	s28 =	sadd.s32 s24, s25;
	s25 =	sadd.s32 s22, s25  }
0x2c: {  	s10 =	sadd.s32 s10, s2;
	[dreg:$0x1a] =	wrdreg s25;
	s25 =	sadd.s32 $0x5DC0, s23  }
0x2d: {  	[dreg:$0x19] =	wrdreg s28;
	s28 =	sadd.s32 s24, s25;
	s25 =	sadd.s32 s22, s25  }
0x2e: {  	s9 =	sadd.s32 s9, s2;
	[dreg:$0x1c] =	wrdreg s25;
	s25 =	sadd.s32 $0x6D60, s23  }
0x2f: {  	s11 =	sadd.s32 s11, s2;
	[dreg:$0x1b] =	wrdreg s28;
	s28 =	sadd.s32 s24, s25  }
0x30: {  	s19 =	smul.u32 $0x2710, s19;
	s25 =	sadd.s32 s22, s25;
	[dreg:$0x1d] =	wrdreg s28  }
0x31: {  	s26 =	sadd.s32 s22, s23;
	[dreg:$0x1e] =	wrdreg s25;
	s28 =	sadd.s32 s24, s23  }
0x32: {  	s25 =	sadd.s32 $0x7D00, s23;
	[dreg:$0x1f] =	wrdreg s28;
	s28 =	sadd.s32 $0x190, s6  }
0x33: {  	[smem:$0x7E4] =	sst s26;
	s26 =	sshrl.u32 s28, $0x3;
	s28 =	sadd.s32 s24, s25  }
0x34: {  	s23 =	sadd.s32 $0x8CA0, s23;
	s25 =	sadd.s32 s22, s25;
	[smem:$0x7E5] =	sst s28  }
0x35: {  	s15 =	sadd.s32 s15, s2;
	s24 =	sadd.s32 s24, s23;
	[smem:$0x7E6] =	sst s25  }
0x36: {  	s19 =	sshrl.u32 s19, $0x3;
	s22 =	sadd.s32 s22, s23;
	[smem:$0x7E7] =	sst s24  }
0x37: {  	s23 =	sadd.s32 $0x140, s6;
	s28 =	sadd.s32 s26, s5;
	[smem:$0x7E8] =	sst s22  }
0x38: {  	s22 =	sshrl.u32 s23, $0x3;
	s24 =	sadd.s32 $0xF0, s6;
	s26 =	smul.u32 $0xA000, s29  }
0x39: {  	[dreg:$0x6] =	wrdreg s28;
	s22 =	sadd.s32 s22, s5;
	s23 =	sshrl.u32 s24, $0x3  }
0x3a: {  	s28 =	smul.u32 $0xA000, s7;
	s7 =	sadd.s32 s5, s19;
	[dreg:$0x7] =	wrdreg s22  }
0x3b: {  	s25 =	sadd.s32 s23, s5;
	s23 =	sshrl.u32 s26, $0x2;
	s26 =	smul.u32 $0xA000, s21  }
0x3c: {  	s21 =	sshrl.u32 s9, $0x3;
	s22 =	sshrl.u32 s10, $0x3;
	s29 =	sadd.s32 $0x4CE, s7  }
0x3d: {  	s30 =	sadd.s32 $0x4D8, s7;
	s9 =	simm.s32 $0x8;
	[dreg:$0x8] =	wrdreg s25  }
0x3e: {  	s10 =	simm.s32 $0x1;
	s19 =	sadd.s32 s23, s2;
	[smem:$0x7F5] =	sst s21  }
0x3f: {  	s24 =	sshrl.u32 s28, $0x2;
	s25 =	smul.u32 $0xA000, s20;
	[smem:$0x7F6] =	sst s22  }
0x40: {  	s20 =	sshrl.u32 s8, $0x3;
	s23 =	sshrl.u32 s11, $0x3;
	[smem:$0x7FD] =	sst s29  }
0x41: {  	s8 =	simm.s32 $0x13B50;
	s11 =	simm.s32 $0x138D0;
	s21 =	simm.s32 $0x3  }
0x42: {  	s22 =	simm.s32 $0x13AB0;
	[smem:$0x7E9] =	sst s19;
	s17 =	sadd.s32 s24, s2  }
0x43: {  	s14 =	sshrl.u32 s26, $0x2;
	s19 =	sshrl.u32 s4, $0x3;
	[smem:$0x7F4] =	sst s20  }
0x44: {  	[smem:$0x7F7] =	sst s23;
	s24 =	sshrl.u32 s15, $0x3;
	s26 =	sadd.s32 $0xA, s7  }
0x45: {  	s4 =	simm.s32 $0x13880;
	s15 =	simm.s32 $0x4;
	s20 =	simm.s32 $0x6  }
0x46: {  	s23 =	simm.s32 $0x7;
	[smem:$0x7EB] =	sst s17;
	s28 =	sshrl.u32 s25, $0x2  }
0x47: {  	s12 =	sadd.s32 s14, s2;
	s17 =	sadd.s32 s16, s2;
	[smem:$0x7F3] =	sst s19  }
0x48: {  	s14 =	sadd.s32 s18, s2;
	s18 =	sadd.s32 $0x1E0, s6;
	[smem:$0x7F8] =	sst s24  }
0x49: {  	[smem:$0x7FB] =	sst s26;
	s6 =	simm.s32 $0x13970;
	s16 =	simm.s32 $0x18B50  }
0x4a: {  	s19 =	simm.s32 $0x13A60;
	s24 =	simm.s32 $0x0;
	[smem:$0x7F0] =	sst s12  }
0x4b: {  	s13 =	sadd.s32 s28, s2;
	[smem:$0x7F2] =	sst s18;
	s25 =	sshrl.u32 s17, $0x3  }
0x4c: {  	s0 =	sshrl.u32 @!p0 s14, $0x3;
	s28 =	sadd.s32 $0x14, s7;
	[smem:$0x7EF] =	sst s13  }
0x4d: {  	s12 =	simm.s32 $0x2;
	s14 =	simm.s32 $0x16350;
	[smem:$0x7F9] =	sst s25  }
0x4e: {  	s18 =	simm.s32 $0x1B260;
	s17 =	simm.s32 $0x5;
	[smem:$0x7FA] =	sst s0  }
0x4f: {  	v0 =	vimm.f32 $0.0e+00;
	v1 =	vimm.f32 $1.000000000e+00;
	[smem:$0x7FC] =	sst s28;
	s0 =	simm.s32 $0x4E200;
	s13 =	simm.s32 $0x139C0  }
.LBB2_1:
0x50: {  	s25 =	sld [smem:$0x7FB]  }
0x51: {  	[tilespmem:s4], [sflag:$0x1] =	stream.strided.gather [hbm4b:s7+s31], $0xF0, s0, s31, $0x38;
	[tilespmem:$0x1D970] =	vst v63  }
0x52: {  	_ = 	snop  }
0x53: {  	[tilespmem:s6], [sflag:$0x2] =	stream.strided.gather [hbm4b:s25+s31], $0xF0, s0, s31, $0x38;
	[tilespmem:$0x1D970] =	vst v63  }
0x54: {  	s25 =	simm.s32 $0x0  }
.LBB2_2:
0x55: {  	p1 =	sne.s32 s25, $0x9C00  }
.Ltmp0:
0x56: {  	_ = 	snop;
	(pc) =	sbr.rel @p1 .LBB2_2-.Ltmp0, $4  }
0x57: {  	_ = 	snop  }
0x58: {  	s26 =	sshra.s32 s25, $0x2  }
0x59: {  	[tilespmem:s26+$0x18B50] =	vst v0  }
0x5a: {  	s25 =	sadd.s32 $0x40, s25;
	[tilespmem:s26+$0x1B260] =	vst v0  }
0x5b: {  	s25 =	simm.s32 $0x0  }
0x5c: {  	s26 =	sand.u32 $0xFE00, s25  }
0x5d: {  	s28 =	sand.u32 $0x70, s25;
	s29 =	sshrl.u32 s26, $0x2  }
0x5e: {  	s26 =	simm.s32 $0x40;
	s28 =	sor.u32 s28, s29  }
.LBB2_4:
0x5f: {  	p1 =	sne.s32 s26, $0x9FC0  }
0x60: {  	[tilespmem:s28+$0x13B50] =	vst v0;
	s25 =	sadd.s32 $0x10, s25;
	s28 =	smov.u32 s26;
	s26 =	sadd.s32 $0x40, s26  }
.Ltmp1:
0x61: {  	(pc) =	sbr.rel @p1 .LBB2_4-.Ltmp1, $4  }
0x62: {  	_ = 	snop  }
0x63: {  	s28 =	sand.u32 $0xFE00, s28  }
0x64: {  	s29 =	sand.u32 $0x70, s25;
	s28 =	sshrl.u32 s28, $0x2  }
0x65: {  	s28 =	sor.u32 s29, s28  }
0x66: {  	s25 =	sld [smem:$0x7E9];
	_ =	sdelay $0x1  }
0x67: {  	[tilespmem:s28+$0x13B50] =	vst v0  }
0x68: {  	[spmem:s25] =	stream.linear.scatter [tilespmem:s8], [sflag:$0x8], $0x2800, $0x38;
	[tilespmem:$0x1D970] =	vst v63  }
0x69: {  	_ =	swait.ge [sflag:s9], $0x2800  }
0x6a: {  	s29 =	sld [smem:$0x7EA]  }
0x6b: {  	[sflag:s9] =	ssyncset.done $0x0  }
0x6c: {  	[sflag:s9] =	ssyncadd.s32 $0xFFFFD800  }
0x6d: {  	[spmem:s29] =	stream.linear.scatter [tilespmem:s8], [sflag:$0x8], $0x2800, $0x38;
	[tilespmem:$0x1D970] =	vst v63  }
0x6e: {  	_ =	swait.ge [sflag:s9], $0x2800  }
0x6f: {  	s26 =	sld [smem:$0x7EB]  }
0x70: {  	[sflag:s9] =	ssyncset.done $0x0  }
0x71: {  	[sflag:s9] =	ssyncadd.s32 $0xFFFFD800  }
0x72: {  	[spmem:s26] =	stream.linear.scatter [tilespmem:s8], [sflag:$0x8], $0x2800, $0x38;
	[tilespmem:$0x1D970] =	vst v63  }
0x73: {  	_ =	swait.ge [sflag:s9], $0x2800  }
0x74: {  	s28 =	sld [smem:$0x7EC]  }
0x75: {  	[sflag:s9] =	ssyncset.done $0x0  }
0x76: {  	[sflag:s9] =	ssyncadd.s32 $0xFFFFD800  }
0x77: {  	[spmem:s28] =	stream.linear.scatter [tilespmem:s8], [sflag:$0x8], $0x2800, $0x38;
	[tilespmem:$0x1D970] =	vst v63  }
0x78: {  	_ =	swait.ge [sflag:s9], $0x2800  }
0x79: {  	s29 =	sld [smem:$0x7ED]  }
0x7a: {  	[sflag:s9] =	ssyncset.done $0x0  }
0x7b: {  	[sflag:s9] =	ssyncadd.s32 $0xFFFFD800  }
0x7c: {  	[spmem:s29] =	stream.linear.scatter [tilespmem:s8], [sflag:$0x8], $0x2800, $0x38;
	[tilespmem:$0x1D970] =	vst v63  }
0x7d: {  	_ =	swait.ge [sflag:s9], $0x2800  }
0x7e: {  	s26 =	sld [smem:$0x7EE]  }
0x7f: {  	[sflag:s9] =	ssyncset.done $0x0  }
0x80: {  	[sflag:s9] =	ssyncadd.s32 $0xFFFFD800  }
0x81: {  	[spmem:s26] =	stream.linear.scatter [tilespmem:s8], [sflag:$0x8], $0x2800, $0x38;
	[tilespmem:$0x1D970] =	vst v63  }
0x82: {  	_ =	swait.ge [sflag:s9], $0x2800  }
0x83: {  	s28 =	sld [smem:$0x7EF]  }
0x84: {  	[sflag:s9] =	ssyncset.done $0x0  }
0x85: {  	[sflag:s9] =	ssyncadd.s32 $0xFFFFD800  }
0x86: {  	[spmem:s28] =	stream.linear.scatter [tilespmem:s8], [sflag:$0x8], $0x2800, $0x38;
	[tilespmem:$0x1D970] =	vst v63  }
0x87: {  	_ =	swait.ge [sflag:s9], $0x2800  }
0x88: {  	s26 =	sld [smem:$0x7F0]  }
0x89: {  	[sflag:s9] =	ssyncset.done $0x0  }
0x8a: {  	s25 =	simm.s32 @!p0 $0x13B50;
	[sflag:s9] =	ssyncadd.s32 $0xFFFFD800  }
0x8b: {  	[spmem:s26] =	stream.linear.scatter @!p0 [tilespmem:s25], [sflag:$0x8], $0x2800, $0x38;
	[tilespmem:$0x1D970] =	vst v63  }
0x8c: {  	s25 =	simm.s32 @!p0 $0x8  }
0x8d: {  	_ =	swait.ge @!p0 [sflag:s25], $0x2800  }
0x8e: {  	[sflag:s25] =	ssyncset.done @!p0 $0x0  }
0x8f: {  	[sflag:s25] =	ssyncadd.s32 @!p0 $0xFFFFD800  }
0x90: {  	[bflag:$0x0] =	sbarrier.arrive $0xFFFF  }
0x91: {  	_ =	swait.ge [sflag:s10], $0xF0  }
0x92: {  	[sflag:s10] =	ssyncset.done $0x0  }
0x93: {  	[sflag:s10] =	ssyncadd.s32 $0xFFFFFF10  }
0x94: {  	[tilespmem:s8], [sflag:$0x4] =	stream.indirect.gather [hbm4b:s1+s31], $0x80, s11, s31, $0xb8;
	[tilespmem:$0x1D970] =	vst v63  }
0x95: {  	_ =	swait.ge [sflag:s12], $0xF0  }
0x96: {  	[sflag:s12] =	ssyncset.done $0x0  }
0x97: {  	[sflag:s12] =	ssyncadd.s32 $0xFFFFFF10  }
0x98: {  	[tilespmem:s14], [sflag:$0x5] =	stream.indirect.gather [hbm4b:s1+s31], $0x80, s13, s31, $0xb8;
	[tilespmem:$0x1D970] =	vst v63  }
0x99: {  	_ =	swait.ge [sflag:s15], $0x2800  }
0x9a: {  	[sflag:s15] =	ssyncset.done $0x0  }
0x9b: {  	[sflag:s15] =	ssyncadd.s32 $0xFFFFD800  }
0x9c: {  	[spmem:s2] =	stream.indirect.scatter.add.f32 [tilespmem:s8], [sflag:$0x6], $0x80, s4, s31, $0xb8;
	[tilespmem:$0x1D970] =	vst v63  }
0x9d: {  	v2 =	vld [tilespmem:$0x13880];
	_ =	sdelay $0x2  }
0x9e: {  	v3 =	vld [tilespmem:$0x13920];
	_ =	sdelay $0x4  }
0x9f: {  	[tilespmem:v2+s16+$0x0] =	vst.idx.add.f32.msk $0xffff, v3  }
0xa0: {  	[tilespmem:v2+s18+$0x0] =	vst.idx.add.f32.msk $0xffff, v1  }
0xa1: {  	v2 =	vld [tilespmem:$0x13890];
	_ =	sdelay $0x2  }
0xa2: {  	v3 =	vld [tilespmem:$0x13930];
	_ =	sdelay $0x4  }
0xa3: {  	[tilespmem:v2+s16+$0x0] =	vst.idx.add.f32.msk $0xffff, v3  }
0xa4: {  	[tilespmem:v2+s18+$0x0] =	vst.idx.add.f32.msk $0xffff, v1  }
0xa5: {  	v2 =	vld [tilespmem:$0x138A0];
	_ =	sdelay $0x2  }
0xa6: {  	v3 =	vld [tilespmem:$0x13940];
	_ =	sdelay $0x4  }
0xa7: {  	[tilespmem:v2+s16+$0x0] =	vst.idx.add.f32.msk $0xffff, v3  }
0xa8: {  	[tilespmem:v2+s18+$0x0] =	vst.idx.add.f32.msk $0xffff, v1  }
0xa9: {  	v2 =	vld [tilespmem:$0x138B0];
	_ =	sdelay $0x2  }
0xaa: {  	v3 =	vld [tilespmem:$0x13950];
	_ =	sdelay $0x4  }
0xab: {  	[tilespmem:v2+s16+$0x0] =	vst.idx.add.f32.msk $0xffff, v3  }
0xac: {  	[tilespmem:v2+s18+$0x0] =	vst.idx.add.f32.msk $0xffff, v1  }
0xad: {  	v2 =	vld [tilespmem:$0x138C0];
	_ =	sdelay $0x2  }
0xae: {  	v3 =	vld [tilespmem:$0x13960];
	_ =	sdelay $0x3  }
0xaf: {  	s29 =	sld [smem:$0x7FC]  }
0xb0: {  	[tilespmem:v2+s16+$0x0] =	vst.idx.add.f32.msk $0xffff, v3  }
0xb1: {  	s25 =	simm.s32 $0x0;
	s26 =	sld [smem:$0x7F2];
	[tilespmem:v2+s18+$0x0] =	vst.idx.add.f32.msk $0xffff, v1  }
0xb2: {  	[tilespmem:s19], [sflag:$0x3] =	stream.strided.gather [hbm4b:s29+s31], $0xF0, s0, s31, $0x38;
	[tilespmem:$0x1D970] =	vst v63  }
.LBB2_6:
0xb3: {  	_ =	swait.ge [sflag:s20], $0x2800  }
0xb4: {  	[sflag:s20] =	ssyncset.done $0x0  }
0xb5: {  	[sflag:s20] =	ssyncadd.s32 $0xFFFFD800  }
0xb6: {  	_ =	swait.ge [sflag:s21], $0xF0  }
0xb7: {  	[sflag:s21] =	ssyncset.done $0x0  }
0xb8: {  	[sflag:s21] =	ssyncadd.s32 $0xFFFFFF10  }
0xb9: {  	[tilespmem:s8], [sflag:$0x4] =	stream.indirect.gather [hbm4b:s1+s31], $0x80, s22, s31, $0xb8;
	[tilespmem:$0x1D970] =	vst v63  }
0xba: {  	_ =	swait.ge [sflag:s17], $0x2800  }
0xbb: {  	[sflag:s17] =	ssyncset.done $0x0  }
0xbc: {  	[sflag:s17] =	ssyncadd.s32 $0xFFFFD800  }
0xbd: {  	[spmem:s2] =	stream.indirect.scatter.add.f32 [tilespmem:s14], [sflag:$0x7], $0x80, s6, s31, $0xb8;
	[tilespmem:$0x1D970] =	vst v63  }
0xbe: {  	v2 =	vld [tilespmem:$0x13970];
	_ =	sdelay $0x2  }
0xbf: {  	v3 =	vld [tilespmem:$0x13A10];
	_ =	sdelay $0x4  }
0xc0: {  	[tilespmem:v2+s16+$0x0] =	vst.idx.add.f32.msk $0xffff, v3  }
0xc1: {  	[tilespmem:v2+s18+$0x0] =	vst.idx.add.f32.msk $0xffff, v1  }
0xc2: {  	v2 =	vld [tilespmem:$0x13980];
	_ =	sdelay $0x2  }
0xc3: {  	v3 =	vld [tilespmem:$0x13A20];
	_ =	sdelay $0x4  }
0xc4: {  	[tilespmem:v2+s16+$0x0] =	vst.idx.add.f32.msk $0xffff, v3  }
0xc5: {  	[tilespmem:v2+s18+$0x0] =	vst.idx.add.f32.msk $0xffff, v1  }
0xc6: {  	v2 =	vld [tilespmem:$0x13990];
	_ =	sdelay $0x2  }
0xc7: {  	v3 =	vld [tilespmem:$0x13A30];
	_ =	sdelay $0x4  }
0xc8: {  	[tilespmem:v2+s16+$0x0] =	vst.idx.add.f32.msk $0xffff, v3  }
0xc9: {  	[tilespmem:v2+s18+$0x0] =	vst.idx.add.f32.msk $0xffff, v1  }
0xca: {  	v2 =	vld [tilespmem:$0x139A0];
	_ =	sdelay $0x2  }
0xcb: {  	v3 =	vld [tilespmem:$0x13A40];
	_ =	sdelay $0x4  }
0xcc: {  	[tilespmem:v2+s16+$0x0] =	vst.idx.add.f32.msk $0xffff, v3  }
0xcd: {  	[tilespmem:v2+s18+$0x0] =	vst.idx.add.f32.msk $0xffff, v1  }
0xce: {  	v2 =	vld [tilespmem:$0x139B0];
	_ =	sdelay $0x2  }
0xcf: {  	v3 =	vld [tilespmem:$0x13A50];
	_ =	sdelay $0x4  }
0xd0: {  	s28 =	rddreg [dreg:$0x8];
	[tilespmem:v2+s16+$0x0] =	vst.idx.add.f32.msk $0xffff, v3  }
0xd1: {  	s28 =	sadd.s32 s25, s28;
	[tilespmem:v2+s18+$0x0] =	vst.idx.add.f32.msk $0xffff, v1  }
0xd2: {  	[tilespmem:s4], [sflag:$0x1] =	stream.strided.gather [hbm4b:s28+s31], $0xF0, s0, s31, $0x38;
	[tilespmem:$0x1D970] =	vst v63  }
0xd3: {  	_ =	swait.ge [sflag:s23], $0x2800  }
0xd4: {  	[sflag:s23] =	ssyncset.done $0x0  }
0xd5: {  	[sflag:s23] =	ssyncadd.s32 $0xFFFFD800  }
0xd6: {  	_ =	swait.ge [sflag:s10], $0xF0  }
0xd7: {  	[sflag:s10] =	ssyncset.done $0x0  }
0xd8: {  	[sflag:s10] =	ssyncadd.s32 $0xFFFFFF10  }
0xd9: {  	[tilespmem:s14], [sflag:$0x5] =	stream.indirect.gather [hbm4b:s1+s31], $0x80, s11, s31, $0xb8;
	[tilespmem:$0x1D970] =	vst v63  }
0xda: {  	_ =	swait.ge [sflag:s15], $0x2800  }
0xdb: {  	[sflag:s15] =	ssyncset.done $0x0  }
0xdc: {  	[sflag:s15] =	ssyncadd.s32 $0xFFFFD800  }
0xdd: {  	[spmem:s2] =	stream.indirect.scatter.add.f32 [tilespmem:s8], [sflag:$0x6], $0x80, s19, s31, $0xb8;
	[tilespmem:$0x1D970] =	vst v63  }
0xde: {  	v2 =	vld [tilespmem:$0x13A60];
	_ =	sdelay $0x2  }
0xdf: {  	v3 =	vld [tilespmem:$0x13B00];
	_ =	sdelay $0x4  }
0xe0: {  	[tilespmem:v2+s16+$0x0] =	vst.idx.add.f32.msk $0xffff, v3  }
0xe1: {  	[tilespmem:v2+s18+$0x0] =	vst.idx.add.f32.msk $0xffff, v1  }
0xe2: {  	v2 =	vld [tilespmem:$0x13A70];
	_ =	sdelay $0x2  }
0xe3: {  	v3 =	vld [tilespmem:$0x13B10];
	_ =	sdelay $0x4  }
0xe4: {  	[tilespmem:v2+s16+$0x0] =	vst.idx.add.f32.msk $0xffff, v3  }
0xe5: {  	[tilespmem:v2+s18+$0x0] =	vst.idx.add.f32.msk $0xffff, v1  }
0xe6: {  	v2 =	vld [tilespmem:$0x13A80];
	_ =	sdelay $0x2  }
0xe7: {  	v3 =	vld [tilespmem:$0x13B20];
	_ =	sdelay $0x4  }
0xe8: {  	[tilespmem:v2+s16+$0x0] =	vst.idx.add.f32.msk $0xffff, v3  }
0xe9: {  	[tilespmem:v2+s18+$0x0] =	vst.idx.add.f32.msk $0xffff, v1  }
0xea: {  	v2 =	vld [tilespmem:$0x13A90];
	_ =	sdelay $0x2  }
0xeb: {  	v3 =	vld [tilespmem:$0x13B30];
	_ =	sdelay $0x4  }
0xec: {  	[tilespmem:v2+s16+$0x0] =	vst.idx.add.f32.msk $0xffff, v3  }
0xed: {  	[tilespmem:v2+s18+$0x0] =	vst.idx.add.f32.msk $0xffff, v1  }
0xee: {  	v2 =	vld [tilespmem:$0x13AA0];
	_ =	sdelay $0x2  }
0xef: {  	v3 =	vld [tilespmem:$0x13B40];
	_ =	sdelay $0x4  }
0xf0: {  	s29 =	rddreg [dreg:$0x7];
	[tilespmem:v2+s16+$0x0] =	vst.idx.add.f32.msk $0xffff, v3  }
0xf1: {  	s28 =	sadd.s32 s25, s29;
	[tilespmem:v2+s18+$0x0] =	vst.idx.add.f32.msk $0xffff, v1  }
0xf2: {  	[tilespmem:s6], [sflag:$0x2] =	stream.strided.gather [hbm4b:s28+s31], $0xF0, s0, s31, $0x38;
	[tilespmem:$0x1D970] =	vst v63  }
0xf3: {  	_ =	swait.ge [sflag:s20], $0x2800  }
0xf4: {  	[sflag:s20] =	ssyncset.done $0x0  }
0xf5: {  	[sflag:s20] =	ssyncadd.s32 $0xFFFFD800  }
0xf6: {  	_ =	swait.ge [sflag:s12], $0xF0  }
0xf7: {  	[sflag:s12] =	ssyncset.done $0x0  }
0xf8: {  	[sflag:s12] =	ssyncadd.s32 $0xFFFFFF10  }
0xf9: {  	[tilespmem:s8], [sflag:$0x4] =	stream.indirect.gather [hbm4b:s1+s31], $0x80, s13, s31, $0xb8;
	[tilespmem:$0x1D970] =	vst v63  }
0xfa: {  	_ =	swait.ge [sflag:s17], $0x2800  }
0xfb: {  	[sflag:s17] =	ssyncset.done $0x0  }
0xfc: {  	[sflag:s17] =	ssyncadd.s32 $0xFFFFD800  }
0xfd: {  	[spmem:s2] =	stream.indirect.scatter.add.f32 [tilespmem:s14], [sflag:$0x7], $0x80, s4, s31, $0xb8;
	[tilespmem:$0x1D970] =	vst v63  }
0xfe: {  	v2 =	vld [tilespmem:$0x13880];
	_ =	sdelay $0x2  }
0xff: {  	v3 =	vld [tilespmem:$0x13920];
	_ =	sdelay $0x4  }
0x100: {  	[tilespmem:v2+s16+$0x0] =	vst.idx.add.f32.msk $0xffff, v3  }
0x101: {  	[tilespmem:v2+s18+$0x0] =	vst.idx.add.f32.msk $0xffff, v1  }
0x102: {  	v2 =	vld [tilespmem:$0x13890];
	_ =	sdelay $0x2  }
0x103: {  	v3 =	vld [tilespmem:$0x13930];
	_ =	sdelay $0x4  }
0x104: {  	[tilespmem:v2+s16+$0x0] =	vst.idx.add.f32.msk $0xffff, v3  }
0x105: {  	[tilespmem:v2+s18+$0x0] =	vst.idx.add.f32.msk $0xffff, v1  }
0x106: {  	v2 =	vld [tilespmem:$0x138A0];
	_ =	sdelay $0x2  }
0x107: {  	v3 =	vld [tilespmem:$0x13940];
	_ =	sdelay $0x4  }
0x108: {  	[tilespmem:v2+s16+$0x0] =	vst.idx.add.f32.msk $0xffff, v3  }
0x109: {  	[tilespmem:v2+s18+$0x0] =	vst.idx.add.f32.msk $0xffff, v1  }
0x10a: {  	v2 =	vld [tilespmem:$0x138B0];
	_ =	sdelay $0x2  }
0x10b: {  	v3 =	vld [tilespmem:$0x13950];
	_ =	sdelay $0x4  }
0x10c: {  	[tilespmem:v2+s16+$0x0] =	vst.idx.add.f32.msk $0xffff, v3  }
0x10d: {  	[tilespmem:v2+s18+$0x0] =	vst.idx.add.f32.msk $0xffff, v1  }
0x10e: {  	v2 =	vld [tilespmem:$0x138C0];
	_ =	sdelay $0x2  }
0x10f: {  	v3 =	vld [tilespmem:$0x13960];
	_ =	sdelay $0x4  }
0x110: {  	s29 =	rddreg [dreg:$0x6];
	[tilespmem:v2+s16+$0x0] =	vst.idx.add.f32.msk $0xffff, v3  }
0x111: {  	s28 =	sadd.s32 s25, s29;
	[tilespmem:v2+s18+$0x0] =	vst.idx.add.f32.msk $0xffff, v1  }
0x112: {  	[tilespmem:s19], [sflag:$0x3] =	stream.strided.gather [hbm4b:s28+s31], $0xF0, s0, s31, $0x38;
	[tilespmem:$0x1D970] =	vst v63  }
0x113: {  	_ =	swait.ge [sflag:s23], $0x2800  }
0x114: {  	[sflag:s23] =	ssyncset.done $0x0  }
0x115: {  	[sflag:s23] =	ssyncadd.s32 $0xFFFFD800  }
0x116: {  	_ =	swait.ge [sflag:s21], $0xF0  }
0x117: {  	[sflag:s21] =	ssyncset.done $0x0  }
0x118: {  	[sflag:s21] =	ssyncadd.s32 $0xFFFFFF10  }
0x119: {  	[tilespmem:s14], [sflag:$0x5] =	stream.indirect.gather [hbm4b:s1+s31], $0x80, s22, s31, $0xb8;
	[tilespmem:$0x1D970] =	vst v63  }
0x11a: {  	_ =	swait.ge [sflag:s15], $0x2800  }
0x11b: {  	[sflag:s15] =	ssyncset.done $0x0  }
0x11c: {  	[sflag:s15] =	ssyncadd.s32 $0xFFFFD800  }
0x11d: {  	[spmem:s2] =	stream.indirect.scatter.add.f32 [tilespmem:s8], [sflag:$0x6], $0x80, s6, s31, $0xb8;
	[tilespmem:$0x1D970] =	vst v63  }
0x11e: {  	v2 =	vld [tilespmem:$0x13970];
	_ =	sdelay $0x2  }
0x11f: {  	v3 =	vld [tilespmem:$0x13A10];
	_ =	sdelay $0x4  }
0x120: {  	[tilespmem:v2+s16+$0x0] =	vst.idx.add.f32.msk $0xffff, v3  }
0x121: {  	[tilespmem:v2+s18+$0x0] =	vst.idx.add.f32.msk $0xffff, v1  }
0x122: {  	v2 =	vld [tilespmem:$0x13980];
	_ =	sdelay $0x2  }
0x123: {  	v3 =	vld [tilespmem:$0x13A20];
	_ =	sdelay $0x4  }
0x124: {  	[tilespmem:v2+s16+$0x0] =	vst.idx.add.f32.msk $0xffff, v3  }
0x125: {  	[tilespmem:v2+s18+$0x0] =	vst.idx.add.f32.msk $0xffff, v1  }
0x126: {  	v2 =	vld [tilespmem:$0x13990];
	_ =	sdelay $0x2  }
0x127: {  	v3 =	vld [tilespmem:$0x13A30];
	_ =	sdelay $0x4  }
0x128: {  	[tilespmem:v2+s16+$0x0] =	vst.idx.add.f32.msk $0xffff, v3  }
0x129: {  	[tilespmem:v2+s18+$0x0] =	vst.idx.add.f32.msk $0xffff, v1  }
0x12a: {  	v2 =	vld [tilespmem:$0x139A0];
	_ =	sdelay $0x2  }
0x12b: {  	v3 =	vld [tilespmem:$0x13A40];
	_ =	sdelay $0x4  }
0x12c: {  	[tilespmem:v2+s16+$0x0] =	vst.idx.add.f32.msk $0xffff, v3  }
0x12d: {  	[tilespmem:v2+s18+$0x0] =	vst.idx.add.f32.msk $0xffff, v1  }
0x12e: {  	v2 =	vld [tilespmem:$0x139B0];
	_ =	sdelay $0x2  }
0x12f: {  	v3 =	vld [tilespmem:$0x13A50];
	_ =	sdelay $0x4  }
0x130: {  	s29 =	sshrl.u32 s26, $0x3;
	[tilespmem:v2+s16+$0x0] =	vst.idx.add.f32.msk $0xffff, v3  }
0x131: {  	s28 =	sadd.s32 s5, s29;
	[tilespmem:v2+s18+$0x0] =	vst.idx.add.f32.msk $0xffff, v1  }
0x132: {  	[tilespmem:s4], [sflag:$0x1] =	stream.strided.gather [hbm4b:s28+s31], $0xF0, s0, s31, $0x38;
	[tilespmem:$0x1D970] =	vst v63  }
0x133: {  	_ =	swait.ge [sflag:s20], $0x2800  }
0x134: {  	[sflag:s20] =	ssyncset.done $0x0  }
0x135: {  	[sflag:s20] =	ssyncadd.s32 $0xFFFFD800  }
0x136: {  	_ =	swait.ge [sflag:s10], $0xF0  }
0x137: {  	[sflag:s10] =	ssyncset.done $0x0  }
0x138: {  	[sflag:s10] =	ssyncadd.s32 $0xFFFFFF10  }
0x139: {  	[tilespmem:s8], [sflag:$0x4] =	stream.indirect.gather [hbm4b:s1+s31], $0x80, s11, s31, $0xb8;
	[tilespmem:$0x1D970] =	vst v63  }
0x13a: {  	_ =	swait.ge [sflag:s17], $0x2800  }
0x13b: {  	[sflag:s17] =	ssyncset.done $0x0  }
0x13c: {  	[sflag:s17] =	ssyncadd.s32 $0xFFFFD800  }
0x13d: {  	[spmem:s2] =	stream.indirect.scatter.add.f32 [tilespmem:s14], [sflag:$0x7], $0x80, s19, s31, $0xb8;
	[tilespmem:$0x1D970] =	vst v63  }
0x13e: {  	v2 =	vld [tilespmem:$0x13A60];
	_ =	sdelay $0x2  }
0x13f: {  	v3 =	vld [tilespmem:$0x13B00];
	_ =	sdelay $0x4  }
0x140: {  	[tilespmem:v2+s16+$0x0] =	vst.idx.add.f32.msk $0xffff, v3  }
0x141: {  	[tilespmem:v2+s18+$0x0] =	vst.idx.add.f32.msk $0xffff, v1  }
0x142: {  	v2 =	vld [tilespmem:$0x13A70];
	_ =	sdelay $0x2  }
0x143: {  	v3 =	vld [tilespmem:$0x13B10];
	_ =	sdelay $0x4  }
0x144: {  	[tilespmem:v2+s16+$0x0] =	vst.idx.add.f32.msk $0xffff, v3  }
0x145: {  	[tilespmem:v2+s18+$0x0] =	vst.idx.add.f32.msk $0xffff, v1  }
0x146: {  	v2 =	vld [tilespmem:$0x13A80];
	_ =	sdelay $0x2  }
0x147: {  	v3 =	vld [tilespmem:$0x13B20];
	_ =	sdelay $0x4  }
0x148: {  	[tilespmem:v2+s16+$0x0] =	vst.idx.add.f32.msk $0xffff, v3  }
0x149: {  	[tilespmem:v2+s18+$0x0] =	vst.idx.add.f32.msk $0xffff, v1  }
0x14a: {  	v2 =	vld [tilespmem:$0x13A90];
	_ =	sdelay $0x2  }
0x14b: {  	v3 =	vld [tilespmem:$0x13B30];
	_ =	sdelay $0x4  }
0x14c: {  	[tilespmem:v2+s16+$0x0] =	vst.idx.add.f32.msk $0xffff, v3  }
0x14d: {  	[tilespmem:v2+s18+$0x0] =	vst.idx.add.f32.msk $0xffff, v1  }
0x14e: {  	v2 =	vld [tilespmem:$0x13AA0];
	_ =	sdelay $0x2  }
0x14f: {  	v3 =	vld [tilespmem:$0x13B40];
	_ =	sdelay $0x4  }
0x150: {  	s29 =	rddreg [dreg:$0x5];
	[tilespmem:v2+s16+$0x0] =	vst.idx.add.f32.msk $0xffff, v3  }
0x151: {  	s28 =	sadd.s32 s25, s29;
	[tilespmem:v2+s18+$0x0] =	vst.idx.add.f32.msk $0xffff, v1  }
0x152: {  	[tilespmem:s6], [sflag:$0x2] =	stream.strided.gather [hbm4b:s28+s31], $0xF0, s0, s31, $0x38;
	[tilespmem:$0x1D970] =	vst v63  }
0x153: {  	_ =	swait.ge [sflag:s23], $0x2800  }
0x154: {  	[sflag:s23] =	ssyncset.done $0x0  }
0x155: {  	[sflag:s23] =	ssyncadd.s32 $0xFFFFD800  }
0x156: {  	_ =	swait.ge [sflag:s12], $0xF0  }
0x157: {  	[sflag:s12] =	ssyncset.done $0x0  }
0x158: {  	[sflag:s12] =	ssyncadd.s32 $0xFFFFFF10  }
0x159: {  	[tilespmem:s14], [sflag:$0x5] =	stream.indirect.gather [hbm4b:s1+s31], $0x80, s13, s31, $0xb8;
	[tilespmem:$0x1D970] =	vst v63  }
0x15a: {  	_ =	swait.ge [sflag:s15], $0x2800  }
0x15b: {  	[sflag:s15] =	ssyncset.done $0x0  }
0x15c: {  	[sflag:s15] =	ssyncadd.s32 $0xFFFFD800  }
0x15d: {  	[spmem:s2] =	stream.indirect.scatter.add.f32 [tilespmem:s8], [sflag:$0x6], $0x80, s4, s31, $0xb8;
	[tilespmem:$0x1D970] =	vst v63  }
0x15e: {  	v2 =	vld [tilespmem:$0x13880];
	_ =	sdelay $0x2  }
0x15f: {  	v3 =	vld [tilespmem:$0x13920];
	_ =	sdelay $0x4  }
0x160: {  	[tilespmem:v2+s16+$0x0] =	vst.idx.add.f32.msk $0xffff, v3  }
0x161: {  	[tilespmem:v2+s18+$0x0] =	vst.idx.add.f32.msk $0xffff, v1  }
0x162: {  	v2 =	vld [tilespmem:$0x13890];
	_ =	sdelay $0x2  }
0x163: {  	v3 =	vld [tilespmem:$0x13930];
	_ =	sdelay $0x4  }
0x164: {  	[tilespmem:v2+s16+$0x0] =	vst.idx.add.f32.msk $0xffff, v3  }
0x165: {  	[tilespmem:v2+s18+$0x0] =	vst.idx.add.f32.msk $0xffff, v1  }
0x166: {  	v2 =	vld [tilespmem:$0x138A0];
	_ =	sdelay $0x2  }
0x167: {  	v3 =	vld [tilespmem:$0x13940];
	_ =	sdelay $0x4  }
0x168: {  	[tilespmem:v2+s16+$0x0] =	vst.idx.add.f32.msk $0xffff, v3  }
0x169: {  	[tilespmem:v2+s18+$0x0] =	vst.idx.add.f32.msk $0xffff, v1  }
0x16a: {  	v2 =	vld [tilespmem:$0x138B0];
	_ =	sdelay $0x2  }
0x16b: {  	v3 =	vld [tilespmem:$0x13950];
	_ =	sdelay $0x4  }
0x16c: {  	[tilespmem:v2+s16+$0x0] =	vst.idx.add.f32.msk $0xffff, v3  }
0x16d: {  	[tilespmem:v2+s18+$0x0] =	vst.idx.add.f32.msk $0xffff, v1  }
0x16e: {  	v2 =	vld [tilespmem:$0x138C0];
	_ =	sdelay $0x2  }
0x16f: {  	v3 =	vld [tilespmem:$0x13960];
	_ =	sdelay $0x1  }
0x170: {  	p1 =	sne.s32 s25, $0x474  }
.Ltmp2:
0x171: {  	_ = 	snop;
	(pc) =	sbr.rel @p1 .LBB2_6-.Ltmp2, $4  }
0x172: {  	_ = 	snop  }
0x173: {  	s29 =	rddreg [dreg:$0x4];
	[tilespmem:v2+s16+$0x0] =	vst.idx.add.f32.msk $0xffff, v3  }
0x174: {  	s26 =	sadd.s32 $0x1E0, s26;
	s28 =	sadd.s32 s25, s29;
	s25 =	sadd.s32 $0x3C, s25;
	[tilespmem:v2+s18+$0x0] =	vst.idx.add.f32.msk $0xffff, v1  }
0x175: {  	[tilespmem:s19], [sflag:$0x3] =	stream.strided.gather [hbm4b:s28+s31], $0xF0, s0, s31, $0x38;
	[tilespmem:$0x1D970] =	vst v63  }
0x176: {  	_ =	swait.ge [sflag:s20], $0x2800  }
0x177: {  	[sflag:s20] =	ssyncset.done $0x0  }
0x178: {  	[sflag:s20] =	ssyncadd.s32 $0xFFFFD800  }
0x179: {  	_ =	swait.ge [sflag:s21], $0xF0  }
0x17a: {  	[sflag:s21] =	ssyncset.done $0x0  }
0x17b: {  	[sflag:s21] =	ssyncadd.s32 $0xFFFFFF10  }
0x17c: {  	[tilespmem:s8], [sflag:$0x4] =	stream.indirect.gather [hbm4b:s1+s31], $0x80, s22, s31, $0xb8;
	[tilespmem:$0x1D970] =	vst v63  }
0x17d: {  	_ =	swait.ge [sflag:s17], $0x2800  }
0x17e: {  	[sflag:s17] =	ssyncset.done $0x0  }
0x17f: {  	[sflag:s17] =	ssyncadd.s32 $0xFFFFD800  }
0x180: {  	[spmem:s2] =	stream.indirect.scatter.add.f32 [tilespmem:s14], [sflag:$0x7], $0x80, s6, s31, $0xb8;
	[tilespmem:$0x1D970] =	vst v63  }
0x181: {  	v2 =	vld [tilespmem:$0x13970];
	_ =	sdelay $0x2  }
0x182: {  	v3 =	vld [tilespmem:$0x13A10];
	_ =	sdelay $0x4  }
0x183: {  	[tilespmem:v2+s16+$0x0] =	vst.idx.add.f32.msk $0xffff, v3  }
0x184: {  	[tilespmem:v2+s18+$0x0] =	vst.idx.add.f32.msk $0xffff, v1  }
0x185: {  	v2 =	vld [tilespmem:$0x13980];
	_ =	sdelay $0x2  }
0x186: {  	v3 =	vld [tilespmem:$0x13A20];
	_ =	sdelay $0x4  }
0x187: {  	[tilespmem:v2+s16+$0x0] =	vst.idx.add.f32.msk $0xffff, v3  }
0x188: {  	[tilespmem:v2+s18+$0x0] =	vst.idx.add.f32.msk $0xffff, v1  }
0x189: {  	v2 =	vld [tilespmem:$0x13990];
	_ =	sdelay $0x2  }
0x18a: {  	v3 =	vld [tilespmem:$0x13A30];
	_ =	sdelay $0x4  }
0x18b: {  	[tilespmem:v2+s16+$0x0] =	vst.idx.add.f32.msk $0xffff, v3  }
0x18c: {  	[tilespmem:v2+s18+$0x0] =	vst.idx.add.f32.msk $0xffff, v1  }
0x18d: {  	v2 =	vld [tilespmem:$0x139A0];
	_ =	sdelay $0x2  }
0x18e: {  	v3 =	vld [tilespmem:$0x13A40];
	_ =	sdelay $0x4  }
0x18f: {  	[tilespmem:v2+s16+$0x0] =	vst.idx.add.f32.msk $0xffff, v3  }
0x190: {  	[tilespmem:v2+s18+$0x0] =	vst.idx.add.f32.msk $0xffff, v1  }
0x191: {  	v2 =	vld [tilespmem:$0x139B0];
	_ =	sdelay $0x2  }
0x192: {  	v3 =	vld [tilespmem:$0x13A50];
	_ =	sdelay $0x3  }
0x193: {  	s25 =	sld [smem:$0x7FD]  }
0x194: {  	[tilespmem:v2+s16+$0x0] =	vst.idx.add.f32.msk $0xffff, v3  }
0x195: {  	[tilespmem:v2+s18+$0x0] =	vst.idx.add.f32.msk $0xffff, v1  }
0x196: {  	[tilespmem:s4], [sflag:$0x1] =	stream.strided.gather [hbm4b:s25+s31], $0xF0, s0, s31, $0x38;
	[tilespmem:$0x1D970] =	vst v63  }
0x197: {  	_ =	swait.ge [sflag:s23], $0x2800  }
0x198: {  	[sflag:s23] =	ssyncset.done $0x0  }
0x199: {  	[sflag:s23] =	ssyncadd.s32 $0xFFFFD800  }
0x19a: {  	_ =	swait.ge [sflag:s10], $0xF0  }
0x19b: {  	[sflag:s10] =	ssyncset.done $0x0  }
0x19c: {  	[sflag:s10] =	ssyncadd.s32 $0xFFFFFF10  }
0x19d: {  	[tilespmem:s14], [sflag:$0x5] =	stream.indirect.gather [hbm4b:s1+s31], $0x80, s11, s31, $0xb8;
	[tilespmem:$0x1D970] =	vst v63  }
0x19e: {  	_ =	swait.ge [sflag:s15], $0x2800  }
0x19f: {  	[sflag:s15] =	ssyncset.done $0x0  }
0x1a0: {  	[sflag:s15] =	ssyncadd.s32 $0xFFFFD800  }
0x1a1: {  	[spmem:s2] =	stream.indirect.scatter.add.f32 [tilespmem:s8], [sflag:$0x6], $0x80, s19, s31, $0xb8;
	[tilespmem:$0x1D970] =	vst v63  }
0x1a2: {  	v2 =	vld [tilespmem:$0x13A60];
	_ =	sdelay $0x2  }
0x1a3: {  	v3 =	vld [tilespmem:$0x13B00];
	_ =	sdelay $0x4  }
0x1a4: {  	[tilespmem:v2+s16+$0x0] =	vst.idx.add.f32.msk $0xffff, v3  }
0x1a5: {  	[tilespmem:v2+s18+$0x0] =	vst.idx.add.f32.msk $0xffff, v1  }
0x1a6: {  	v2 =	vld [tilespmem:$0x13A70];
	_ =	sdelay $0x2  }
0x1a7: {  	v3 =	vld [tilespmem:$0x13B10];
	_ =	sdelay $0x4  }
0x1a8: {  	[tilespmem:v2+s16+$0x0] =	vst.idx.add.f32.msk $0xffff, v3  }
0x1a9: {  	[tilespmem:v2+s18+$0x0] =	vst.idx.add.f32.msk $0xffff, v1  }
0x1aa: {  	v2 =	vld [tilespmem:$0x13A80];
	_ =	sdelay $0x2  }
0x1ab: {  	v3 =	vld [tilespmem:$0x13B20];
	_ =	sdelay $0x4  }
0x1ac: {  	[tilespmem:v2+s16+$0x0] =	vst.idx.add.f32.msk $0xffff, v3  }
0x1ad: {  	[tilespmem:v2+s18+$0x0] =	vst.idx.add.f32.msk $0xffff, v1  }
0x1ae: {  	v2 =	vld [tilespmem:$0x13A90];
	_ =	sdelay $0x2  }
0x1af: {  	v3 =	vld [tilespmem:$0x13B30];
	_ =	sdelay $0x4  }
0x1b0: {  	[tilespmem:v2+s16+$0x0] =	vst.idx.add.f32.msk $0xffff, v3  }
0x1b1: {  	[tilespmem:v2+s18+$0x0] =	vst.idx.add.f32.msk $0xffff, v1  }
0x1b2: {  	v2 =	vld [tilespmem:$0x13AA0];
	_ =	sdelay $0x2  }
0x1b3: {  	v3 =	vld [tilespmem:$0x13B40];
	_ =	sdelay $0x4  }
0x1b4: {  	[tilespmem:v2+s16+$0x0] =	vst.idx.add.f32.msk $0xffff, v3  }
0x1b5: {  	[tilespmem:v2+s18+$0x0] =	vst.idx.add.f32.msk $0xffff, v1  }
0x1b6: {  	[tilespmem:s6], [sflag:$0x2] =	stream.strided.gather [hbm4b:s30+s31], $0xF0, s0, s31, $0x38;
	[tilespmem:$0x1D970] =	vst v63  }
0x1b7: {  	_ =	swait.ge [sflag:s20], $0x2800  }
0x1b8: {  	[sflag:s20] =	ssyncset.done $0x0  }
0x1b9: {  	[sflag:s20] =	ssyncadd.s32 $0xFFFFD800  }
0x1ba: {  	_ =	swait.ge [sflag:s12], $0xF0  }
0x1bb: {  	[sflag:s12] =	ssyncset.done $0x0  }
0x1bc: {  	[sflag:s12] =	ssyncadd.s32 $0xFFFFFF10  }
0x1bd: {  	[tilespmem:s8], [sflag:$0x4] =	stream.indirect.gather [hbm4b:s1+s31], $0x80, s13, s31, $0xb8;
	[tilespmem:$0x1D970] =	vst v63  }
0x1be: {  	_ =	swait.ge [sflag:s17], $0x2800  }
0x1bf: {  	[sflag:s17] =	ssyncset.done $0x0  }
0x1c0: {  	[sflag:s17] =	ssyncadd.s32 $0xFFFFD800  }
0x1c1: {  	[spmem:s2] =	stream.indirect.scatter.add.f32 [tilespmem:s14], [sflag:$0x7], $0x80, s4, s31, $0xb8;
	[tilespmem:$0x1D970] =	vst v63  }
0x1c2: {  	v2 =	vld [tilespmem:$0x13880];
	_ =	sdelay $0x2  }
0x1c3: {  	v3 =	vld [tilespmem:$0x13920];
	_ =	sdelay $0x4  }
0x1c4: {  	[tilespmem:v2+s16+$0x0] =	vst.idx.add.f32.msk $0xffff, v3  }
0x1c5: {  	[tilespmem:v2+s18+$0x0] =	vst.idx.add.f32.msk $0xffff, v1  }
0x1c6: {  	v2 =	vld [tilespmem:$0x13890];
	_ =	sdelay $0x2  }
0x1c7: {  	v3 =	vld [tilespmem:$0x13930];
	_ =	sdelay $0x4  }
0x1c8: {  	[tilespmem:v2+s16+$0x0] =	vst.idx.add.f32.msk $0xffff, v3  }
0x1c9: {  	[tilespmem:v2+s18+$0x0] =	vst.idx.add.f32.msk $0xffff, v1  }
0x1ca: {  	v2 =	vld [tilespmem:$0x138A0];
	_ =	sdelay $0x2  }
0x1cb: {  	v3 =	vld [tilespmem:$0x13940];
	_ =	sdelay $0x4  }
0x1cc: {  	[tilespmem:v2+s16+$0x0] =	vst.idx.add.f32.msk $0xffff, v3  }
0x1cd: {  	[tilespmem:v2+s18+$0x0] =	vst.idx.add.f32.msk $0xffff, v1  }
0x1ce: {  	v2 =	vld [tilespmem:$0x138B0];
	_ =	sdelay $0x2  }
0x1cf: {  	v3 =	vld [tilespmem:$0x13950];
	_ =	sdelay $0x4  }
0x1d0: {  	[tilespmem:v2+s16+$0x0] =	vst.idx.add.f32.msk $0xffff, v3  }
0x1d1: {  	[tilespmem:v2+s18+$0x0] =	vst.idx.add.f32.msk $0xffff, v1  }
0x1d2: {  	v2 =	vld [tilespmem:$0x138C0];
	_ =	sdelay $0x2  }
0x1d3: {  	v3 =	vld [tilespmem:$0x13960];
	_ =	sdelay $0x4  }
0x1d4: {  	[tilespmem:v2+s16+$0x0] =	vst.idx.add.f32.msk $0xffff, v3  }
0x1d5: {  	[tilespmem:v2+s18+$0x0] =	vst.idx.add.f32.msk $0xffff, v1  }
0x1d6: {  	_ =	swait.ge [sflag:s23], $0x2800  }
0x1d7: {  	[sflag:s23] =	ssyncset.done $0x0  }
0x1d8: {  	[sflag:s23] =	ssyncadd.s32 $0xFFFFD800  }
0x1d9: {  	_ =	swait.ge [sflag:s15], $0x2800  }
0x1da: {  	[sflag:s15] =	ssyncset.done $0x0  }
0x1db: {  	[sflag:s15] =	ssyncadd.s32 $0xFFFFD800  }
0x1dc: {  	[spmem:s2] =	stream.indirect.scatter.add.f32 [tilespmem:s8], [sflag:$0x6], $0x80, s6, s31, $0xb8;
	[tilespmem:$0x1D970] =	vst v63  }
0x1dd: {  	v2 =	vld [tilespmem:$0x13970];
	_ =	sdelay $0x2  }
0x1de: {  	v3 =	vld [tilespmem:$0x13A10];
	_ =	sdelay $0x4  }
0x1df: {  	[tilespmem:v2+s16+$0x0] =	vst.idx.add.f32.msk $0xffff, v3  }
0x1e0: {  	[tilespmem:v2+s18+$0x0] =	vst.idx.add.f32.msk $0xffff, v1  }
0x1e1: {  	v2 =	vld [tilespmem:$0x13980];
	_ =	sdelay $0x2  }
0x1e2: {  	v3 =	vld [tilespmem:$0x13A20];
	_ =	sdelay $0x4  }
0x1e3: {  	[tilespmem:v2+s16+$0x0] =	vst.idx.add.f32.msk $0xffff, v3  }
0x1e4: {  	[tilespmem:v2+s18+$0x0] =	vst.idx.add.f32.msk $0xffff, v1  }
0x1e5: {  	v2 =	vld [tilespmem:$0x13990];
	_ =	sdelay $0x2  }
0x1e6: {  	v3 =	vld [tilespmem:$0x13A30];
	_ =	sdelay $0x4  }
0x1e7: {  	[tilespmem:v2+s16+$0x0] =	vst.idx.add.f32.msk $0xffff, v3  }
0x1e8: {  	[tilespmem:v2+s18+$0x0] =	vst.idx.add.f32.msk $0xffff, v1  }
0x1e9: {  	v2 =	vld [tilespmem:$0x139A0];
	_ =	sdelay $0x2  }
0x1ea: {  	v3 =	vld [tilespmem:$0x13A40];
	_ =	sdelay $0x4  }
0x1eb: {  	[tilespmem:v2+s16+$0x0] =	vst.idx.add.f32.msk $0xffff, v3  }
0x1ec: {  	[tilespmem:v2+s18+$0x0] =	vst.idx.add.f32.msk $0xffff, v1  }
0x1ed: {  	v2 =	vld [tilespmem:$0x139B0];
	_ =	sdelay $0x2  }
0x1ee: {  	v3 =	vld [tilespmem:$0x13A50];
	_ =	sdelay $0x4  }
0x1ef: {  	[tilespmem:v2+s16+$0x0] =	vst.idx.add.f32.msk $0xffff, v3  }
0x1f0: {  	[tilespmem:v2+s18+$0x0] =	vst.idx.add.f32.msk $0xffff, v1  }
0x1f1: {  	_ =	swait.ge [sflag:s20], $0x2800  }
0x1f2: {  	[sflag:s20] =	ssyncset.done $0x0  }
0x1f3: {  	[sflag:s20] =	ssyncadd.s32 $0xFFFFD800  }
0x1f4: {  	s28 =	stileid.u32;
	[bflag:$0x0] =	sbarrier.arrive $0xFFFF  }
0x1f5: {  	s25 =	sshll.u32 s28, $0x6;
	s28 =	sld [smem:$0x7F3];
	_ =	sdelay $0x1  }
0x1f6: {  	s25 =	sor.u32 $0x1C08, s25;
	s26 =	rddreg [dreg:$0x9]  }
0x1f7: {  	[hbm:s26], [sflag:s25] =	dma.local [spmem:s28], $0x500  }
0x1f8: {  	_ =	swait.ge [sflag:s9], $0x500  }
0x1f9: {  	s29 =	sld [smem:$0x7F4]  }
0x1fa: {  	[sflag:s9] =	ssyncset.done $0x0  }
0x1fb: {  	s26 =	rddreg [dreg:$0xa];
	[sflag:s9] =	ssyncadd.s32 $0xFFFFFB00  }
0x1fc: {  	[hbm:s26], [sflag:s25] =	dma.local [spmem:s29], $0x500  }
0x1fd: {  	_ =	swait.ge [sflag:s9], $0x500  }
0x1fe: {  	s29 =	sld [smem:$0x7F5]  }
0x1ff: {  	[sflag:s9] =	ssyncset.done $0x0  }
0x200: {  	s26 =	rddreg [dreg:$0xb];
	[sflag:s9] =	ssyncadd.s32 $0xFFFFFB00  }
0x201: {  	[hbm:s26], [sflag:s25] =	dma.local [spmem:s29], $0x500  }
0x202: {  	_ =	swait.ge [sflag:s9], $0x500  }
0x203: {  	s29 =	sld [smem:$0x7F6]  }
0x204: {  	[sflag:s9] =	ssyncset.done $0x0  }
0x205: {  	s26 =	rddreg [dreg:$0xc];
	[sflag:s9] =	ssyncadd.s32 $0xFFFFFB00  }
0x206: {  	[hbm:s26], [sflag:s25] =	dma.local [spmem:s29], $0x500  }
0x207: {  	_ =	swait.ge [sflag:s9], $0x500  }
0x208: {  	s29 =	sld [smem:$0x7F7]  }
0x209: {  	[sflag:s9] =	ssyncset.done $0x0  }
0x20a: {  	s26 =	rddreg [dreg:$0xd];
	[sflag:s9] =	ssyncadd.s32 $0xFFFFFB00  }
0x20b: {  	[hbm:s26], [sflag:s25] =	dma.local [spmem:s29], $0x500  }
0x20c: {  	_ =	swait.ge [sflag:s9], $0x500  }
0x20d: {  	s29 =	sld [smem:$0x7F8]  }
0x20e: {  	[sflag:s9] =	ssyncset.done $0x0  }
0x20f: {  	s26 =	rddreg [dreg:$0xe];
	[sflag:s9] =	ssyncadd.s32 $0xFFFFFB00  }
0x210: {  	[hbm:s26], [sflag:s25] =	dma.local [spmem:s29], $0x500  }
0x211: {  	_ =	swait.ge [sflag:s9], $0x500  }
0x212: {  	s29 =	sld [smem:$0x7F9]  }
0x213: {  	[sflag:s9] =	ssyncset.done $0x0  }
0x214: {  	s26 =	rddreg [dreg:$0xf];
	[sflag:s9] =	ssyncadd.s32 $0xFFFFFB00  }
0x215: {  	[hbm:s26], [sflag:s25] =	dma.local [spmem:s29], $0x500  }
0x216: {  	_ =	swait.ge [sflag:s9], $0x500  }
0x217: {  	s28 =	sld [smem:$0x7FA]  }
0x218: {  	[sflag:s9] =	ssyncset.done $0x0  }
0x219: {  	s26 =	rddreg [dreg:$0x10];
	[sflag:s9] =	ssyncadd.s32 $0xFFFFFB00  }
0x21a: {  	[hbm:s26], [sflag:s25] =	dma.local @!p0 [spmem:s28], $0x500  }
0x21b: {  	s25 =	simm.s32 @!p0 $0x8  }
0x21c: {  	_ =	swait.ge @!p0 [sflag:s25], $0x500  }
0x21d: {  	[sflag:s25] =	ssyncset.done @!p0 $0x0  }
0x21e: {  	s29 =	rddreg [dreg:$0x1f];
	[sflag:s25] =	ssyncadd.s32 @!p0 $0xFFFFFB00  }
0x21f: {  	[hbm4b:s29+s3] =	stream.linear.scatter [tilespmem:s16], [sflag:$0x8], $0x3E8, $0x38;
	[tilespmem:$0x1D970] =	vst v63  }
0x220: {  	_ =	swait.ge [sflag:s9], $0x3E8  }
0x221: {  	s26 =	sld [smem:$0x7E4]  }
0x222: {  	[sflag:s9] =	ssyncset.done $0x0  }
0x223: {  	[sflag:s9] =	ssyncadd.s32 $0xFFFFFC18  }
0x224: {  	[hbm4b:s26+s3] =	stream.linear.scatter [tilespmem:s18], [sflag:$0x8], $0x3E8, $0x38;
	[tilespmem:$0x1D970] =	vst v63  }
0x225: {  	_ =	swait.ge [sflag:s9], $0x3E8  }
0x226: {  	[sflag:s9] =	ssyncset.done $0x0  }
0x227: {  	s29 =	simm.s32 $0x18F38;
	s28 =	rddreg [dreg:$0x11];
	[sflag:s9] =	ssyncadd.s32 $0xFFFFFC18  }
0x228: {  	[hbm4b:s28+s3] =	stream.linear.scatter [tilespmem:s29], [sflag:$0x8], $0x3E8, $0x38;
	[tilespmem:$0x1D970] =	vst v63  }
0x229: {  	_ =	swait.ge [sflag:s9], $0x3E8  }
0x22a: {  	[sflag:s9] =	ssyncset.done $0x0  }
0x22b: {  	s29 =	simm.s32 $0x1B648;
	s28 =	rddreg [dreg:$0x12];
	[sflag:s9] =	ssyncadd.s32 $0xFFFFFC18  }
0x22c: {  	[hbm4b:s28+s3] =	stream.linear.scatter [tilespmem:s29], [sflag:$0x8], $0x3E8, $0x38;
	[tilespmem:$0x1D970] =	vst v63  }
0x22d: {  	_ =	swait.ge [sflag:s9], $0x3E8  }
0x22e: {  	[sflag:s9] =	ssyncset.done $0x0  }
0x22f: {  	s29 =	simm.s32 $0x19320;
	s28 =	rddreg [dreg:$0x13];
	[sflag:s9] =	ssyncadd.s32 $0xFFFFFC18  }
0x230: {  	[hbm4b:s28+s3] =	stream.linear.scatter [tilespmem:s29], [sflag:$0x8], $0x3E8, $0x38;
	[tilespmem:$0x1D970] =	vst v63  }
0x231: {  	_ =	swait.ge [sflag:s9], $0x3E8  }
0x232: {  	[sflag:s9] =	ssyncset.done $0x0  }
0x233: {  	s29 =	simm.s32 $0x1BA30;
	s28 =	rddreg [dreg:$0x14];
	[sflag:s9] =	ssyncadd.s32 $0xFFFFFC18  }
0x234: {  	[hbm4b:s28+s3] =	stream.linear.scatter [tilespmem:s29], [sflag:$0x8], $0x3E8, $0x38;
	[tilespmem:$0x1D970] =	vst v63  }
0x235: {  	_ =	swait.ge [sflag:s9], $0x3E8  }
0x236: {  	[sflag:s9] =	ssyncset.done $0x0  }
0x237: {  	s29 =	simm.s32 $0x19708;
	s28 =	rddreg [dreg:$0x15];
	[sflag:s9] =	ssyncadd.s32 $0xFFFFFC18  }
0x238: {  	[hbm4b:s28+s3] =	stream.linear.scatter [tilespmem:s29], [sflag:$0x8], $0x3E8, $0x38;
	[tilespmem:$0x1D970] =	vst v63  }
0x239: {  	_ =	swait.ge [sflag:s9], $0x3E8  }
0x23a: {  	[sflag:s9] =	ssyncset.done $0x0  }
0x23b: {  	s29 =	simm.s32 $0x1BE18;
	s28 =	rddreg [dreg:$0x16];
	[sflag:s9] =	ssyncadd.s32 $0xFFFFFC18  }
0x23c: {  	[hbm4b:s28+s3] =	stream.linear.scatter [tilespmem:s29], [sflag:$0x8], $0x3E8, $0x38;
	[tilespmem:$0x1D970] =	vst v63  }
0x23d: {  	_ =	swait.ge [sflag:s9], $0x3E8  }
0x23e: {  	[sflag:s9] =	ssyncset.done $0x0  }
0x23f: {  	s29 =	simm.s32 $0x19AF0;
	s28 =	rddreg [dreg:$0x17];
	[sflag:s9] =	ssyncadd.s32 $0xFFFFFC18  }
0x240: {  	[hbm4b:s28+s3] =	stream.linear.scatter [tilespmem:s29], [sflag:$0x8], $0x3E8, $0x38;
	[tilespmem:$0x1D970] =	vst v63  }
0x241: {  	_ =	swait.ge [sflag:s9], $0x3E8  }
0x242: {  	[sflag:s9] =	ssyncset.done $0x0  }
0x243: {  	s29 =	simm.s32 $0x1C200;
	s28 =	rddreg [dreg:$0x18];
	[sflag:s9] =	ssyncadd.s32 $0xFFFFFC18  }
0x244: {  	[hbm4b:s28+s3] =	stream.linear.scatter [tilespmem:s29], [sflag:$0x8], $0x3E8, $0x38;
	[tilespmem:$0x1D970] =	vst v63  }
0x245: {  	_ =	swait.ge [sflag:s9], $0x3E8  }
0x246: {  	[sflag:s9] =	ssyncset.done $0x0  }
0x247: {  	s29 =	simm.s32 $0x19ED8;
	s28 =	rddreg [dreg:$0x19];
	[sflag:s9] =	ssyncadd.s32 $0xFFFFFC18  }
0x248: {  	[hbm4b:s28+s3] =	stream.linear.scatter [tilespmem:s29], [sflag:$0x8], $0x3E8, $0x38;
	[tilespmem:$0x1D970] =	vst v63  }
0x249: {  	_ =	swait.ge [sflag:s9], $0x3E8  }
0x24a: {  	[sflag:s9] =	ssyncset.done $0x0  }
0x24b: {  	s29 =	simm.s32 $0x1C5E8;
	s28 =	rddreg [dreg:$0x1a];
	[sflag:s9] =	ssyncadd.s32 $0xFFFFFC18  }
0x24c: {  	[hbm4b:s28+s3] =	stream.linear.scatter [tilespmem:s29], [sflag:$0x8], $0x3E8, $0x38;
	[tilespmem:$0x1D970] =	vst v63  }
0x24d: {  	_ =	swait.ge [sflag:s9], $0x3E8  }
0x24e: {  	[sflag:s9] =	ssyncset.done $0x0  }
0x24f: {  	s29 =	simm.s32 $0x1A2C0;
	s28 =	rddreg [dreg:$0x1b];
	[sflag:s9] =	ssyncadd.s32 $0xFFFFFC18  }
0x250: {  	[hbm4b:s28+s3] =	stream.linear.scatter [tilespmem:s29], [sflag:$0x8], $0x3E8, $0x38;
	[tilespmem:$0x1D970] =	vst v63  }
0x251: {  	_ =	swait.ge [sflag:s9], $0x3E8  }
0x252: {  	[sflag:s9] =	ssyncset.done $0x0  }
0x253: {  	s29 =	simm.s32 $0x1C9D0;
	s28 =	rddreg [dreg:$0x1c];
	[sflag:s9] =	ssyncadd.s32 $0xFFFFFC18  }
0x254: {  	[hbm4b:s28+s3] =	stream.linear.scatter [tilespmem:s29], [sflag:$0x8], $0x3E8, $0x38;
	[tilespmem:$0x1D970] =	vst v63  }
0x255: {  	_ =	swait.ge [sflag:s9], $0x3E8  }
0x256: {  	[sflag:s9] =	ssyncset.done $0x0  }
0x257: {  	s29 =	simm.s32 $0x1A6A8;
	s28 =	rddreg [dreg:$0x1d];
	[sflag:s9] =	ssyncadd.s32 $0xFFFFFC18  }
0x258: {  	[hbm4b:s28+s3] =	stream.linear.scatter [tilespmem:s29], [sflag:$0x8], $0x3E8, $0x38;
	[tilespmem:$0x1D970] =	vst v63  }
0x259: {  	_ =	swait.ge [sflag:s9], $0x3E8  }
0x25a: {  	[sflag:s9] =	ssyncset.done $0x0  }
0x25b: {  	s29 =	simm.s32 $0x1CDB8;
	s28 =	rddreg [dreg:$0x1e];
	[sflag:s9] =	ssyncadd.s32 $0xFFFFFC18  }
0x25c: {  	[hbm4b:s28+s3] =	stream.linear.scatter [tilespmem:s29], [sflag:$0x8], $0x3E8, $0x38;
	[tilespmem:$0x1D970] =	vst v63  }
0x25d: {  	_ =	swait.ge [sflag:s9], $0x3E8  }
0x25e: {  	s28 =	sld [smem:$0x7E5]  }
0x25f: {  	[sflag:s9] =	ssyncset.done $0x0  }
0x260: {  	s29 =	simm.s32 $0x1AA90;
	[sflag:s9] =	ssyncadd.s32 $0xFFFFFC18  }
0x261: {  	[hbm4b:s28+s3] =	stream.linear.scatter [tilespmem:s29], [sflag:$0x8], $0x3E8, $0x38;
	[tilespmem:$0x1D970] =	vst v63  }
0x262: {  	_ =	swait.ge [sflag:s9], $0x3E8  }
0x263: {  	s28 =	sld [smem:$0x7E6]  }
0x264: {  	[sflag:s9] =	ssyncset.done $0x0  }
0x265: {  	s29 =	simm.s32 $0x1D1A0;
	[sflag:s9] =	ssyncadd.s32 $0xFFFFFC18  }
0x266: {  	[hbm4b:s28+s3] =	stream.linear.scatter [tilespmem:s29], [sflag:$0x8], $0x3E8, $0x38;
	[tilespmem:$0x1D970] =	vst v63  }
0x267: {  	_ =	swait.ge [sflag:s9], $0x3E8  }
0x268: {  	s28 =	sld [smem:$0x7E7]  }
0x269: {  	[sflag:s9] =	ssyncset.done $0x0  }
0x26a: {  	s29 =	simm.s32 $0x1AE78;
	[sflag:s9] =	ssyncadd.s32 $0xFFFFFC18  }
0x26b: {  	[hbm4b:s28+s3] =	stream.linear.scatter [tilespmem:s29], [sflag:$0x8], $0x3E8, $0x38;
	[tilespmem:$0x1D970] =	vst v63  }
0x26c: {  	_ =	swait.ge [sflag:s9], $0x3E8  }
0x26d: {  	s26 =	sld [smem:$0x7E8]  }
0x26e: {  	[sflag:s9] =	ssyncset.done $0x0  }
0x26f: {  	s28 =	simm.s32 $0x1D588;
	[sflag:s9] =	ssyncadd.s32 $0xFFFFFC18  }
0x270: {  	[hbm4b:s26+s3] =	stream.linear.scatter [tilespmem:s28], [sflag:$0x8], $0x3E8, $0x38;
	[tilespmem:$0x1D970] =	vst v63  }
0x271: {  	_ =	swait.ge [sflag:s9], $0x3E8  }
0x272: {  	s29 =	sld [smem:$0x7F1];
	_ =	sdelay $0x1  }
0x273: {  	s24 =	sadd.s32 $0x1, s24  }
0x274: {  	p1 =	sne.s32 s24, s29  }
.Ltmp3:
0x275: {  	_ = 	snop;
	(pc) =	sbr.rel @p1 .LBB2_1-.Ltmp3, $3  }
0x276: {  	_ =	sdelay $0x1  }
0x277: {  	[sflag:s9] =	ssyncset.done $0x0  }
0x278: {  	[sflag:s9] =	ssyncadd.s32 $0xFFFFFC18  }
0x279: {  	_ =	sfence.sel $0x180000  }
0x27a: {  	[bflag:$0x0] =	sbarrier.arrive $0xFFFF  }
0x27b: {  	_ =	strace $0x90000047  }
0x27c: {  	s0 =	stileid.u32;
	[bflag:$0x2] =	sbarrier.arrive $0xFFFF  }
0x27d: {  	p0 =	sne.s32 s0, $0x0;
	s0 =	rddreg [dreg:$0x3]  }
0x27e: {  	s0 =	sadd.s32 @!p0 $0x100000, s0  }
0x27f: {  	[sflag:s0] =	ssyncadd.tile.s32 @!p0 $0x1;
	_ =	shalt  }
.Lfunc_end2:
_tile_overlayer_lowered:
.L_overlay_start_2:
0x280: {  	(tag) =	ssettag $0x2  }
0x281: {  	s0 =	rddreg [dreg:$0x0];
	s2 =	stileid.u32  }
0x282: {  	s1 =	rddreg [dreg:$0x1];
	p0 =	sne.s32 s2, $0x0  }
0x283: {  	s3 =	rddreg [dreg:$0x2];
	[bflag:$0x3] =	sbarrier.arrive $0xFFFF;
	s2 =	simm.s32 @!p0 $0x1C08  }
0x284: {  	[timem:s3], [sflag:s2] =	dma.local @!p0 [hbm:s0], s1  }
0x285: {  	s0 =	simm.s32 @!p0 $0x8  }
0x286: {  	_ =	swait.ge @!p0 [sflag:s0], s1  }
0x287: {  	s1 =	ssub.s32 @!p0 $0x0, s1;
	[sflag:s0] =	ssyncset.done @!p0 $0x0  }
0x288: {  	[sflag:s0] =	ssyncadd.s32 @!p0 s1  }
0x289: {  	[bflag:$0x3] =	sbarrier.arrive $0xFFFF  }
0x28a: {  	_ =	shalt  }

</sc_bundles>
